<compile_context>
chip_gen: v7x
topology: tpu7x:2x2x1
jax: 0.10.2.dev20260603
libtpu: 0.0.44.dev20260713+nightly
codegen_flags: <defaults>
</compile_context>

<pallas_src>
import jax
import jax.numpy as jnp
from jax.experimental import pallas as pl
from jax.experimental.pallas import tpu as pltpu
from jax.experimental.pallas import tpu_sc as plsc

VOCAB = 320
D = 256
H = 4
DH = 64
S = 4096
B = 4
CH = 64
NB = 64
NL = 6
N = B * S
BH = B * H
BHS = BH * S
SB = 2048
GW = 128

_f32 = jnp.float32


def _vector_mesh():
    return plsc.VectorSubcoreMesh(core_axis_name="core", subcore_axis_name="subcore")



def _sc_gather_rows(data, idx, out_rows, width):
    @pl.kernel(out_type=jax.ShapeDtypeStruct((out_rows, width), data.dtype),
               mesh=_vector_mesh())
    def k(data_hbm, idx_hbm, out_hbm):
        def body(i_vmem, o_vmem):
            pltpu.sync_copy(data_hbm.at[i_vmem.at[0]], o_vmem)

        pltpu.emit_pipeline(
            body,
            grid=(out_rows // GW,),
            in_specs=[pl.BlockSpec((1, GW), lambda i: (0, i))],
            out_specs=[pl.BlockSpec((GW, width), lambda i: (i, 0))],
            core_axis_name="subcore",
            dimension_semantics=(pltpu.PARALLEL,),
        )(idx_hbm, out_hbm)

    return k(data, idx)


def _sc_scatter_rows(data, idx, out_rows, width):
    @pl.kernel(out_type=jax.ShapeDtypeStruct((out_rows, width), data.dtype),
               mesh=_vector_mesh())
    def k(data_hbm, idx_hbm, out_hbm):
        def body(x_vmem, i_vmem):
            pltpu.sync_copy(x_vmem, out_hbm.at[i_vmem.at[0]])

        pltpu.emit_pipeline(
            body,
            grid=(data.shape[0] // GW,),
            in_specs=[pl.BlockSpec((GW, width), lambda i: (i, 0)),
                      pl.BlockSpec((1, GW), lambda i: (0, i))],
            out_specs=[],
            core_axis_name="subcore",
            dimension_semantics=(pltpu.PARALLEL,),
        )(data_hbm, idx_hbm)

    return k(data, idx)




def _mxdot(a, b):
    return jnp.dot(a, b.astype(jnp.bfloat16), preferred_element_type=_f32)

def _ln(x, g, b):
    m = jnp.mean(x, axis=-1, keepdims=True)
    v = jnp.mean((x - m) ** 2, axis=-1, keepdims=True)
    return (x - m) / jnp.sqrt(v + 1e-12) * g + b


def _axp_add_body(x_ref, a_ref, o_ref):
    o_ref[0] = x_ref[0] + a_ref[...]


def _axp_add(x, axp):
    return pl.pallas_call(
        _axp_add_body,
        grid=(B, S // SB),
        in_specs=[pl.BlockSpec((1, SB, D), lambda b, s: (b, s, 0)),
                  pl.BlockSpec((SB, D), lambda b, s: (s, 0))],
        out_specs=pl.BlockSpec((1, SB, D), lambda b, s: (b, s, 0)),
        out_shape=jax.ShapeDtypeStruct((B, S, D), _f32),
    )(x, axp)


def _proj3_body(x_ref, g_ref, b_ref, wq_ref, wk_ref, wv_ref, q_ref, k_ref, v_ref):
    h = _ln(x_ref[0], g_ref[...], b_ref[...])
    q = _mxdot(h, wq_ref[...])
    k = _mxdot(h, wk_ref[...])
    v = _mxdot(h, wv_ref[...])
    for hh in range(H):
        cs = slice(hh * DH, (hh + 1) * DH)
        q_ref[0, hh] = q[:, cs]
        k_ref[0, hh] = k[:, cs]
        v_ref[0, hh] = v[:, cs]


def _proj3(x, g, b, wq, wk, wv):
    row = pl.BlockSpec((1, SB, D), lambda bb, s: (bb, s, 0))
    head = pl.BlockSpec((1, H, SB, DH), lambda bb, s: (bb, 0, s, 0))
    wspec = pl.BlockSpec((D, D), lambda bb, s: (0, 0))
    vec = pl.BlockSpec((1, D), lambda bb, s: (0, 0))
    return pl.pallas_call(
        _proj3_body,
        grid=(B, S // SB),
        in_specs=[row, vec, vec, wspec, wspec, wspec],
        out_specs=[head, head, head],
        out_shape=[jax.ShapeDtypeStruct((B, H, S, DH), _f32)] * 3,
    )(x, g, b, wq, wk, wv)


QW = 256
OW = 128


def _proj_lsh_body(x_ref, g_ref, b_ref, wq_ref, wv_ref, q_ref, v_ref):
    h = _ln(x_ref[0], g_ref[...], b_ref[...])
    q_ref[0] = _mxdot(h, wq_ref[...])
    v_ref[0] = _mxdot(h, wv_ref[...])


def _proj_lsh(x, g, b, wq, wv):
    row = pl.BlockSpec((1, SB, D), lambda bb, s: (bb, s, 0))
    out = pl.BlockSpec((1, SB, D), lambda bb, s: (bb, s, 0))
    qf, vf = pl.pallas_call(
        _proj_lsh_body,
        grid=(B, S // SB),
        in_specs=[row,
                  pl.BlockSpec((1, D), lambda bb, s: (0, 0)),
                  pl.BlockSpec((1, D), lambda bb, s: (0, 0)),
                  pl.BlockSpec((D, D), lambda bb, s: (0, 0)),
                  pl.BlockSpec((D, D), lambda bb, s: (0, 0))],
        out_specs=[out, out],
        out_shape=[jax.ShapeDtypeStruct((B, S, D), _f32)] * 2,
    )(x, g, b, wq, wv)
    q = qf.reshape(B, S, H, DH).transpose(0, 2, 1, 3)
    v = vf.reshape(B, S, H, DH).transpose(0, 2, 1, 3)
    kk = q / (jnp.linalg.norm(q, axis=-1, keepdims=True) + 1e-6)
    return jnp.concatenate(
        [q, kk, v, jnp.zeros((B, H, S, QW - 3 * DH), _f32)], axis=-1)


def _rank_body(bk_ref, o_ref, acc_ref):
    pid = pl.program_id(0)
    lane = jax.lax.broadcasted_iota(jnp.int32, (S, NB), 1)
    onehot = (lane == bk_ref[0]).astype(_f32)
    acc_ref[...] = onehot

    rr = jax.lax.broadcasted_iota(jnp.int32, (128, 128), 0)
    cc = jax.lax.broadcasted_iota(jnp.int32, (128, 128), 1)
    tl = (rr >= cc).astype(_f32)

    def step(c, run):
        blk = acc_ref[pl.ds(c * 128, 128), :]
        pref = jnp.dot(tl, blk, preferred_element_type=_f32,
                       precision=jax.lax.Precision.HIGHEST) + run
        acc_ref[pl.ds(c * 128, 128), :] = pref
        return acc_ref[pl.ds(c * 128 + 127, 1), :]

    cnt = jax.lax.fori_loop(0, S // 128, step, jnp.zeros((1, NB), _f32))

    r2 = jax.lax.broadcasted_iota(jnp.int32, (NB, NB), 0)
    c2 = jax.lax.broadcasted_iota(jnp.int32, (NB, NB), 1)
    u = (r2 < c2).astype(_f32)
    svec = jnp.dot(jnp.broadcast_to(cnt, (8, NB)), u,
                   preferred_element_type=_f32,
                   precision=jax.lax.Precision.HIGHEST)[0:1]

    rankf = jnp.sum(onehot * (acc_ref[...] + svec), axis=1, keepdims=True) - 1.0
    o_ref[0] = rankf.astype(jnp.int32) + pid * S


def _rank(bk):
    return pl.pallas_call(
        _rank_body,
        grid=(BH,),
        in_specs=[pl.BlockSpec((1, S, 1), lambda p: (p, 0, 0))],
        out_specs=pl.BlockSpec((1, S, 1), lambda p: (p, 0, 0)),
        out_shape=jax.ShapeDtypeStruct((BH, S, 1), jnp.int32),
        scratch_shapes=[pltpu.VMEM((S, NB), _f32)],
    )(bk)


def _attn_window(qc, kw, vw, n, self_mask):
    colw = jax.lax.broadcasted_iota(jnp.int32, (CH, 2 * CH), 1)
    roww = jax.lax.broadcasted_iota(jnp.int32, (CH, 2 * CH), 0)
    sc = jax.lax.dot_general(qc, kw.astype(jnp.bfloat16),
                             (((1,), (1,)), ((), ())),
                             preferred_element_type=_f32) * (1.0 / 8.0)
    sc = jnp.where((n == 0) & (colw < CH), -1e9, sc)
    if self_mask:
        sc = jnp.where(colw == CH + roww, -1e5, sc)
    m = jnp.max(sc, axis=1, keepdims=True)
    e = jnp.exp(sc - m)
    a = e / jnp.sum(e, axis=1, keepdims=True)
    return _mxdot(a, vw)


def _attn_local_body(q_ref, k_ref, v_ref, o_ref):
    nc = S // CH

    def step(n, _):
        off = ((n + nc - 1) % nc) * CH
        kw = jnp.concatenate([k_ref[0, 0, pl.ds(off, CH), :],
                              k_ref[0, 0, pl.ds(n * CH, CH), :]], axis=0)
        vw = jnp.concatenate([v_ref[0, 0, pl.ds(off, CH), :],
                              v_ref[0, 0, pl.ds(n * CH, CH), :]], axis=0)
        qc = q_ref[0, 0, pl.ds(n * CH, CH), :]
        o_ref[0, 0, pl.ds(n * CH, CH), :] = _attn_window(qc, kw, vw, n, False)
        return 0

    jax.lax.fori_loop(0, nc, step, 0)


def _attn_local(q, k, v):
    head = pl.BlockSpec((1, 1, S, DH), lambda b, h: (b, h, 0, 0))
    return pl.pallas_call(
        _attn_local_body,
        grid=(B, H),
        in_specs=[head, head, head],
        out_specs=head,
        out_shape=jax.ShapeDtypeStruct((B, H, S, DH), _f32),
    )(q, k, v)


def _attn_lsh_body(qkv_ref, o_ref):
    nc = S // CH
    zpad = jnp.zeros((CH, OW - DH), _f32)

    def step(n, _):
        off = ((n + nc - 1) % nc) * CH
        prev = qkv_ref[0, 0, pl.ds(off, CH), :]
        cur = qkv_ref[0, 0, pl.ds(n * CH, CH), :]
        kw = jnp.concatenate([prev[:, DH:2 * DH], cur[:, DH:2 * DH]], axis=0)
        vw = jnp.concatenate([prev[:, 2 * DH:3 * DH], cur[:, 2 * DH:3 * DH]],
                             axis=0)
        oc = _attn_window(cur[:, 0:DH], kw, vw, n, True)
        o_ref[0, 0, pl.ds(n * CH, CH), :] = jnp.concatenate([oc, zpad], axis=1)
        return 0

    jax.lax.fori_loop(0, nc, step, 0)


def _attn_lsh(qkv_sorted):
    return pl.pallas_call(
        _attn_lsh_body,
        grid=(B, H),
        in_specs=[pl.BlockSpec((1, 1, S, QW), lambda b, h: (b, h, 0, 0))],
        out_specs=pl.BlockSpec((1, 1, S, OW), lambda b, h: (b, h, 0, 0)),
        out_shape=jax.ShapeDtypeStruct((B, H, S, OW), _f32),
    )(qkv_sorted)


def _post_body(ao_ref, x_ref, wo_ref, w1_ref, b1_ref, w2_ref, b2_ref,
               g_ref, bn_ref, gf_ref, bf_ref, o_ref, *, final):
    ao = jnp.concatenate([ao_ref[0, hh, :, 0:DH] for hh in range(H)], axis=1)
    t = x_ref[0] + _mxdot(ao, wo_ref[...])
    h2 = _ln(t, g_ref[...], bn_ref[...])
    y = _mxdot(jnp.maximum(_mxdot(h2, w1_ref[...]) + b1_ref[...], 0.0),
               w2_ref[...]) + b2_ref[...]
    out = t + y
    if final:
        out = _ln(out, gf_ref[...], bf_ref[...])
    o_ref[0] = out


def _post(ao, x, wo, w1, b1r, w2, b2r, g, bn, gf, bf, final):
    import functools
    aw = ao.shape[-1]
    row = pl.BlockSpec((1, SB, D), lambda bb, s: (bb, s, 0))
    vd = pl.BlockSpec((1, D), lambda bb, s: (0, 0))
    return pl.pallas_call(
        functools.partial(_post_body, final=final),
        grid=(B, S // SB),
        in_specs=[pl.BlockSpec((1, H, SB, aw), lambda bb, s: (bb, 0, s, 0)), row,
                  pl.BlockSpec((D, D), lambda bb, s: (0, 0)),
                  pl.BlockSpec((D, 512), lambda bb, s: (0, 0)),
                  pl.BlockSpec((1, 512), lambda bb, s: (0, 0)),
                  pl.BlockSpec((512, D), lambda bb, s: (0, 0)),
                  vd, vd, vd, vd, vd],
        out_specs=row,
        out_shape=jax.ShapeDtypeStruct((B, S, D), _f32),
    )(ao, x, wo, w1, b1r, w2, b2r, g, bn, gf, bf)



def _dbg_split(x):
    b, s, _ = x.shape
    return x.reshape(b, s, H, DH).transpose(0, 2, 1, 3)


def _dbg_merge(x):
    b, h, s, d = x.shape
    return x.transpose(0, 2, 1, 3).reshape(b, s, h * d)


def _dbg_ln(x, g, b):
    m = x.mean(-1, keepdims=True)
    v = ((x - m) ** 2).mean(-1, keepdims=True)
    return (x - m) / jnp.sqrt(v + 1e-12) * g + b


def _dbg_chunk_attn(q, k, v, pos, self_mask):
    import numpy as np
    b, h, s, d = q.shape
    nc = s // CH
    qc = q.reshape(b, h, nc, CH, d)
    kc = k.reshape(b, h, nc, CH, d)
    vc = v.reshape(b, h, nc, CH, d)
    k2 = jnp.concatenate([jnp.roll(kc, 1, axis=2), kc], axis=3)
    v2 = jnp.concatenate([jnp.roll(vc, 1, axis=2), vc], axis=3)
    sc = jnp.einsum('bhncd,bhnkd->bhnck', qc, k2) / np.sqrt(d)
    wrap = jnp.zeros((nc, 2 * CH), bool).at[0, :CH].set(True)
    sc = jnp.where(wrap[None, None, :, None, :], -1e9, sc)
    if self_mask:
        pc = pos.reshape(b, h, nc, CH)
        p2 = jnp.concatenate([jnp.roll(pc, 1, axis=2), pc], axis=3)
        sc = jnp.where(pc[..., :, None] == p2[..., None, :], -1e5, sc)
    a = jax.nn.softmax(sc, axis=-1)
    return jnp.einsum('bhnck,bhnkd->bhncd', a, v2).reshape(b, h, s, d)


def _dbg_local_attn(x, g, b, wq, wk, wv):
    h = _dbg_ln(x, g, b)
    q = _dbg_split(h @ wq)
    k = _dbg_split(h @ wk)
    v = _dbg_split(h @ wv)
    return _dbg_chunk_attn(q, k, v, None, False)


def _dbg_lsh_attn(x, g, b, wq, wv, rmat):
    h = _dbg_ln(x, g, b)
    q = _dbg_split(h @ wq)
    v = _dbg_split(h @ wv)
    kk = q / (jnp.linalg.norm(q, axis=-1, keepdims=True) + 1e-6)
    rot = jnp.einsum('bhsd,hdf->bhsf', q, rmat)
    buckets = jnp.argmax(jnp.concatenate([rot, -rot], axis=-1), axis=-1)
    sidx = jnp.argsort(buckets * S + jnp.arange(S)[None, None, :], axis=-1)
    g_ = lambda t: jnp.take_along_axis(t, sidx[..., None], axis=2)
    o_s = _dbg_chunk_attn(g_(q), g_(kk), g_(v), sidx, True)
    inv = jnp.argsort(sidx, axis=-1)
    return jnp.take_along_axis(o_s, inv[..., None], axis=2)


def _dbg_post(ao_merged, x, wo, w1, b1, w2, b2, g2, bn2, gf, bf, final):
    t = x + ao_merged @ wo
    h = _dbg_ln(t, g2, bn2)
    out = t + jax.nn.relu(h @ w1 + b1) @ w2 + b2
    if final:
        out = _dbg_ln(out, gf, bf)
    return out



def kernel(input_ids, emb, pos1, pos2, Wq, Wk, Wv_loc, Wo_loc, Wqk, Wv_lsh,
           Wo_lsh, W1, b1, W2, b2, ln_g, ln_b):
    x = jnp.take(emb, input_ids, axis=0)
    axp = jnp.concatenate(
        [jnp.broadcast_to(pos1[:, None, :], (64, 64, 64)),
         jnp.broadcast_to(pos2[None, :, :], (64, 64, 192))], axis=-1).reshape(S, D)
    x = x + axp[None, :, :]

    li = 0
    lj = 0
    for i in range(NL):
        g1 = ln_g[2 * i:2 * i + 1]
        bn1 = ln_b[2 * i:2 * i + 1]
        g2 = ln_g[2 * i + 1:2 * i + 2]
        bn2 = ln_b[2 * i + 1:2 * i + 2]
        if i % 2 == 0:
            hd = _dbg_ln(x, ln_g[2 * i], ln_b[2 * i])
            qd = _dbg_split(hd @ Wq[li])
            kd = _dbg_split(hd @ Wk[li])
            vd = _dbg_split(hd @ Wv_loc[li])
            ao_m = _dbg_merge(_attn_local(qd, kd, vd))
            x = _dbg_post(ao_m, x, Wo_loc[li], W1[i], b1[i], W2[i], b2[i],
                          ln_g[2 * i + 1], ln_b[2 * i + 1], ln_g[12], ln_b[12],
                          i == NL - 1)
            li += 1
            continue
        else:
            rmat = jax.random.normal(jax.random.key(1000 + i), (H, DH, NB // 2),
                                     _f32)
            hd = _dbg_ln(x, ln_g[2 * i], ln_b[2 * i])
            qd = _dbg_split(hd @ Wqk[lj])
            vd = _dbg_split(hd @ Wv_lsh[lj])
            kkd = qd / (jnp.linalg.norm(qd, axis=-1, keepdims=True) + 1e-6)
            rotd = jnp.einsum('bhsd,hdf->bhsf', qd, rmat)
            bk = jnp.argmax(jnp.concatenate([rotd, -rotd], axis=-1), axis=-1)
            sidx = jnp.argsort(bk * S + jnp.arange(S)[None, None, :], axis=-1)
            g_ = lambda t: jnp.take_along_axis(t, sidx[..., None], axis=2)
            qkv_sorted = jnp.concatenate(
                [g_(qd), g_(kkd), g_(vd),
                 jnp.zeros((B, H, S, QW - 3 * DH), _f32)], axis=-1)
            o_s = _attn_lsh(qkv_sorted)
            inv = jnp.argsort(sidx, axis=-1)
            ao_m = _dbg_merge(jnp.take_along_axis(o_s[..., 0:DH],
                                                  inv[..., None], axis=2))
            lj += 1
            x = _dbg_post(ao_m, x, Wo_lsh[lj - 1],
                          W1[i], b1[i], W2[i], b2[i],
                          ln_g[2 * i + 1], ln_b[2 * i + 1], ln_g[12], ln_b[12],
                          i == NL - 1)
    return x

# --- scband reference (transcript-rebuilt; emitter-appended) ---
"""Pipeline reference for scband-reformer-with-custom-embeddings-82042465288282 (READ-ONLY COPY).

The authoritative reference and input builder live on the scoring server;
editing this copy changes nothing except your own understanding.
"""

import jax, jax.numpy as jnp
import numpy as np

VOCAB=320; D=256; H=4; DH=64; S=4096; B=4; CH=64; NB=64; NL=6

def _split(x):
    b,s,_=x.shape
    return x.reshape(b,s,H,DH).transpose(0,2,1,3)

def _merge(x):
    b,h,s,d=x.shape
    return x.transpose(0,2,1,3).reshape(b,s,h*d)

def _ln(x,g,b):
    m=x.mean(-1,keepdims=True)
    v=((x-m)**2).mean(-1,keepdims=True)
    return (x-m)/jnp.sqrt(v+1e-12)*g+b

def _chunk_attn(q,k,v,pos,self_mask):
    b,h,s,d=q.shape
    nc=s//CH
    qc=q.reshape(b,h,nc,CH,d); kc=k.reshape(b,h,nc,CH,d); vc=v.reshape(b,h,nc,CH,d)
    k2=jnp.concatenate([jnp.roll(kc,1,axis=2),kc],axis=3)
    v2=jnp.concatenate([jnp.roll(vc,1,axis=2),vc],axis=3)
    sc=jnp.einsum('bhncd,bhnkd->bhnck',qc,k2)/np.sqrt(d)
    wrap=jnp.zeros((nc,2*CH),bool).at[0,:CH].set(True)
    sc=jnp.where(wrap[None,None,:,None,:],-1e9,sc)
    if self_mask:
        pc=pos.reshape(b,h,nc,CH)
        p2=jnp.concatenate([jnp.roll(pc,1,axis=2),pc],axis=3)
        sc=jnp.where(pc[...,:,None]==p2[...,None,:],-1e5,sc)
    a=jax.nn.softmax(sc,axis=-1)
    return jnp.einsum('bhnck,bhnkd->bhncd',a,v2).reshape(b,h,s,d)

def _forward(input_ids,emb,pos1,pos2,Wq,Wk,Wv_loc,Wo_loc,Wqk,Wv_lsh,Wo_lsh,W1,b1,W2,b2,ln_g,ln_b):
    x=jnp.take(emb,input_ids,axis=0)
    axp=jnp.concatenate([jnp.broadcast_to(pos1[:,None,:],(64,64,64)),jnp.broadcast_to(pos2[None,:,:],(64,64,192))],axis=-1).reshape(S,D)
    x=x+axp[None,:,:]
    li=0; lj=0
    for i in range(NL):
        h=_ln(x,ln_g[2*i],ln_b[2*i])
        if i%2==0:
            q=_split(h@Wq[li]); k=_split(h@Wk[li]); v=_split(h@Wv_loc[li])
            attn=_merge(_chunk_attn(q,k,v,None,False))@Wo_loc[li]; li+=1
        else:
            R=jax.random.normal(jax.random.key(1000+i),(H,DH,NB//2),jnp.float32)
            q=_split(h@Wqk[lj]); v=_split(h@Wv_lsh[lj])
            kk=q/(jnp.linalg.norm(q,axis=-1,keepdims=True)+1e-6)
            rot=jnp.einsum('bhsd,hdf->bhsf',q,R)
            buckets=jnp.argmax(jnp.concatenate([rot,-rot],axis=-1),axis=-1)
            sidx=jnp.argsort(buckets*S+jnp.arange(S)[None,None,:],axis=-1)
            g=lambda t: jnp.take_along_axis(t,sidx[...,None],axis=2)
            o_s=_chunk_attn(g(q),g(kk),g(v),sidx,True)
            inv=jnp.argsort(sidx,axis=-1)
            attn=_merge(jnp.take_along_axis(o_s,inv[...,None],axis=2))@Wo_lsh[lj]; lj+=1
        x=x+attn
        h=_ln(x,ln_g[2*i+1],ln_b[2*i+1])
        x=x+jax.nn.relu(h@W1[i]+b1[i])@W2[i]+b2[i]
    return _ln(x,ln_g[12],ln_b[12])

def setup_inputs(seed=0):
    key=jax.random.key(seed)
    ks=jax.random.split(key,20)
    f=lambda i,shape: 0.02*jax.random.normal(ks[i],shape,jnp.float32)
    return {
        'input_ids': jax.random.randint(ks[0],(B,S),0,VOCAB),
        'emb': f(1,(VOCAB,D)),
        'pos1': f(2,(64,64)),
        'pos2': f(3,(64,192)),
        'Wq': f(4,(3,D,D)), 'Wk': f(5,(3,D,D)), 'Wv_loc': f(6,(3,D,D)), 'Wo_loc': f(7,(3,D,D)),
        'Wqk': f(8,(3,D,D)), 'Wv_lsh': f(9,(3,D,D)), 'Wo_lsh': f(10,(3,D,D)),
        'W1': f(11,(6,D,512)), 'b1': jnp.zeros((6,512),jnp.float32),
        'W2': f(12,(6,512,D)), 'b2': jnp.zeros((6,D),jnp.float32),
        'ln_g': jnp.ones((13,D),jnp.float32), 'ln_b': jnp.zeros((13,D),jnp.float32),
    }

def reference(input_ids,emb,pos1,pos2,Wq,Wk,Wv_loc,Wo_loc,Wqk,Wv_lsh,Wo_lsh,W1,b1,W2,b2,ln_g,ln_b):
    return _forward(input_ids,emb,pos1,pos2,Wq,Wk,Wv_loc,Wo_loc,Wqk,Wv_lsh,Wo_lsh,W1,b1,W2,b2,ln_g,ln_b)

if __name__ == "__main__":
    import jax
    _d = setup_inputs()
    print(jax.jit(kernel)(*tuple(_d.values())))

</pallas_src>

<mosaic_0001>
module attributes {stable_mosaic.version = 14 : i64} {
  func.func @_attn_local_body(%arg0: i32, %arg1: i32, %arg2: memref<1x1x4096x64xf32, #tpu.memory_space<vmem>>, %arg3: memref<1x1x4096x64xf32, #tpu.memory_space<vmem>>, %arg4: memref<1x1x4096x64xf32, #tpu.memory_space<vmem>>, %arg5: memref<1x1x4096x64xf32, #tpu.memory_space<vmem>>) attributes {dimension_semantics = [#tpu.dimension_semantics<arbitrary>, #tpu.dimension_semantics<arbitrary>], iteration_bounds = array<i64: 4, 4>, scalar_prefetch = 0 : i64, scratch_operands = 0 : i64, tpu.core_type = #tpu.core_type<tc>, window_params = [{transform_indices = @transform_0, window_bounds = array<i64: 1, 1, 4096, 64>}, {transform_indices = @transform_1, window_bounds = array<i64: 1, 1, 4096, 64>}, {transform_indices = @transform_2, window_bounds = array<i64: 1, 1, 4096, 64>}, {transform_indices = @transform_3, window_bounds = array<i64: 1, 1, 4096, 64>}]} {
    %scan3A = arith.constant 0 : i32
    %scan3A_0 = arith.constant 64 : i32
    %scan3A_1 = arith.addi %scan3A, %scan3A_0 : i32
    %scan3A_2 = arith.constant 1 : i32
    scf.for %scan3A_4 = %scan3A to %scan3A_1 step %scan3A_2  : i32 {
      %add3A = arith.constant 64 : i32
      %add3A_5 = arith.addi %scan3A_4, %add3A : i32
      %sub3A = arith.constant 1 : i32
      %sub3A_6 = arith.subi %add3A_5, %sub3A : i32
      %jit3A = arith.constant 64 : i32
      %eq3A = arith.constant 0 : i32
      %eq3A_7 = arith.cmpi eq, %jit3A, %eq3A : i32
      %jit3A_8 = arith.constant 1 : i32
      %select_n3A = arith.select %eq3A_7, %jit3A_8, %jit3A : i32
      %rem3A = arith.remsi %sub3A_6, %select_n3A : i32
      %ne3A = arith.constant 0 : i32
      %ne3A_9 = arith.cmpi ne, %rem3A, %ne3A : i32
      %lt3A = arith.constant 0 : i32
      %lt3A_10 = arith.cmpi slt, %rem3A, %lt3A : i32
      %lt3A_11 = arith.constant 0 : i32
      %lt3A_12 = arith.cmpi slt, %select_n3A, %lt3A_11 : i32
      %ne3A_13 = arith.xori %lt3A_10, %lt3A_12 : i1
      %and3A = arith.andi %ne3A_13, %ne3A_9 : i1
      %add3A_14 = arith.addi %rem3A, %select_n3A : i32
      %select_n3A_15 = arith.select %and3A, %add3A_14, %rem3A : i32
      %mul3A = arith.constant 64 : i32
      %mul3A_16 = arith.muli %select_n3A_15, %mul3A : i32
      %get3A = arith.constant 0 : index
      %get3A_17 = arith.constant 0 : index
      %get3A_18 = arith.index_cast %mul3A_16 : i32 to index
      %get3A_19 = arith.constant 0 : index
      %get3A_20 = vector.load %arg3[%get3A, %get3A_17, %get3A_18, %get3A_19] : memref<1x1x4096x64xf32, #tpu.memory_space<vmem>>, vector<1x1x64x64xf32>
      %get3A_21 = vector.shape_cast %get3A_20 : vector<1x1x64x64xf32> to vector<64x64xf32>
      %mul3A_22 = arith.constant 64 : i32
      %mul3A_23 = arith.muli %scan3A_4, %mul3A_22 : i32
      %get3A_24 = arith.constant 0 : index
      %get3A_25 = arith.constant 0 : index
      %get3A_26 = arith.index_cast %mul3A_23 : i32 to index
      %get3A_27 = arith.constant 0 : index
      %get3A_28 = vector.load %arg3[%get3A_24, %get3A_25, %get3A_26, %get3A_27] : memref<1x1x4096x64xf32, #tpu.memory_space<vmem>>, vector<1x1x64x64xf32>
      %get3A_29 = vector.shape_cast %get3A_28 : vector<1x1x64x64xf32> to vector<64x64xf32>
      %concatenate3A = tpu.concatenate %get3A_21, %get3A_29 in 0 : vector<64x64xf32>, vector<64x64xf32> -> vector<128x64xf32>
      %get3A_30 = arith.constant 0 : index
      %get3A_31 = arith.constant 0 : index
      %get3A_32 = arith.index_cast %mul3A_16 : i32 to index
      %get3A_33 = arith.constant 0 : index
      %get3A_34 = vector.load %arg4[%get3A_30, %get3A_31, %get3A_32, %get3A_33] : memref<1x1x4096x64xf32, #tpu.memory_space<vmem>>, vector<1x1x64x64xf32>
      %get3A_35 = vector.shape_cast %get3A_34 : vector<1x1x64x64xf32> to vector<64x64xf32>
      %mul3A_36 = arith.constant 64 : i32
      %mul3A_37 = arith.muli %scan3A_4, %mul3A_36 : i32
      %get3A_38 = arith.constant 0 : index
      %get3A_39 = arith.constant 0 : index
      %get3A_40 = arith.index_cast %mul3A_37 : i32 to index
      %get3A_41 = arith.constant 0 : index
      %get3A_42 = vector.load %arg4[%get3A_38, %get3A_39, %get3A_40, %get3A_41] : memref<1x1x4096x64xf32, #tpu.memory_space<vmem>>, vector<1x1x64x64xf32>
      %get3A_43 = vector.shape_cast %get3A_42 : vector<1x1x64x64xf32> to vector<64x64xf32>
      %concatenate3A_44 = tpu.concatenate %get3A_35, %get3A_43 in 0 : vector<64x64xf32>, vector<64x64xf32> -> vector<128x64xf32>
      %mul3A_45 = arith.constant 64 : i32
      %mul3A_46 = arith.muli %scan3A_4, %mul3A_45 : i32
      %get3A_47 = arith.constant 0 : index
      %get3A_48 = arith.constant 0 : index
      %get3A_49 = arith.index_cast %mul3A_46 : i32 to index
      %get3A_50 = arith.constant 0 : index
      %get3A_51 = vector.load %arg2[%get3A_47, %get3A_48, %get3A_49, %get3A_50] : memref<1x1x4096x64xf32, #tpu.memory_space<vmem>>, vector<1x1x64x64xf32>
      %get3A_52 = vector.shape_cast %get3A_51 : vector<1x1x64x64xf32> to vector<64x64xf32>
      %iota3A = tpu.iota {dimensions = array<i32: 1>} : vector<64x128xi32>
      %convert_element_type3A = arith.truncf %concatenate3A : vector<128x64xf32> to vector<128x64xbf16>
      %dot_general3A = arith.constant dense<0.000000e+00> : vector<64x128xf32>
      %dot_general3A_53 = tpu.matmul %get3A_52, %convert_element_type3A, %dot_general3A {dimension_numbers = #tpu.dot_dimension_numbers<[1], [1], [0], [0], [0, 0, 1, 0], [], []>, transpose_lhs_hint = false} : vector<64x64xf32>, vector<128x64xbf16>, vector<64x128xf32> -> vector<64x128xf32>
      %mul3A_54 = arith.constant 1.250000e-01 : f32
      %mul3A_55 = vector.broadcast %mul3A_54 : f32 to vector<64x128xf32>
      %mul3A_56 = arith.mulf %dot_general3A_53, %mul3A_55 : vector<64x128xf32>
      %eq3A_57 = arith.constant 0 : i32
      %eq3A_58 = arith.cmpi eq, %scan3A_4, %eq3A_57 : i32
      %lt3A_59 = arith.constant 64 : i32
      %lt3A_60 = vector.broadcast %lt3A_59 : i32 to vector<64x128xi32>
      %lt3A_61 = arith.cmpi slt, %iota3A, %lt3A_60 : vector<64x128xi32>
      %and3A_62 = vector.broadcast %eq3A_58 : i1 to vector<64x128xi1>
      %and3A_63 = arith.andi %and3A_62, %lt3A_61 : vector<64x128xi1>
      %jit3A_64 = arith.constant -1.000000e+09 : f32
      %broadcast_in_dim3A = vector.broadcast %jit3A_64 : f32 to vector<64x128xf32>
      %select_n3A_65 = arith.select %and3A_63, %broadcast_in_dim3A, %mul3A_56 : vector<64x128xi1>, vector<64x128xf32>
      %reduce_max3A = arith.constant dense<0xFF800000> : vector<64xf32>
      %reduce_max3A_66 = vector.multi_reduction <maximumf>, %select_n3A_65, %reduce_max3A [1] : vector<64x128xf32> to vector<64xf32>
      %broadcast_in_dim3A_67 = vector.shape_cast %reduce_max3A_66 : vector<64xf32> to vector<64x1xf32>
      %sub3A_68 = vector.broadcast %broadcast_in_dim3A_67 : vector<64x1xf32> to vector<64x128xf32>
      %sub3A_69 = arith.subf %select_n3A_65, %sub3A_68 : vector<64x128xf32>
      %exp3A = math.exp %sub3A_69 : vector<64x128xf32>
      %reduce_sum3A = arith.constant dense<0.000000e+00> : vector<64xf32>
      %reduce_sum3A_70 = vector.multi_reduction <add>, %exp3A, %reduce_sum3A [1] : vector<64x128xf32> to vector<64xf32>
      %broadcast_in_dim3A_71 = vector.shape_cast %reduce_sum3A_70 : vector<64xf32> to vector<64x1xf32>
      %div3A = vector.broadcast %broadcast_in_dim3A_71 : vector<64x1xf32> to vector<64x128xf32>
      %div3A_72 = arith.divf %exp3A, %div3A : vector<64x128xf32>
      %convert_element_type3A_73 = arith.truncf %concatenate3A_44 : vector<128x64xf32> to vector<128x64xbf16>
      %dot_general3A_74 = arith.constant dense<0.000000e+00> : vector<64x64xf32>
      %dot_general3A_75 = tpu.matmul %div3A_72, %convert_element_type3A_73, %dot_general3A_74 {dimension_numbers = #tpu.dot_dimension_numbers<[1], [0], [0], [1], [0, 0, 1, 1], [], []>, transpose_lhs_hint = false} : vector<64x128xf32>, vector<128x64xbf16>, vector<64x64xf32> -> vector<64x64xf32>
      %mul3A_76 = arith.constant 64 : i32
      %mul3A_77 = arith.muli %scan3A_4, %mul3A_76 : i32
      %swap3A = arith.constant 0 : index
      %swap3A_78 = arith.constant 0 : index
      %swap3A_79 = arith.index_cast %mul3A_77 : i32 to index
      %swap3A_80 = arith.constant 0 : index
      %swap3A_81 = vector.load %arg5[%swap3A, %swap3A_78, %swap3A_79, %swap3A_80] : memref<1x1x4096x64xf32, #tpu.memory_space<vmem>>, vector<1x1x64x64xf32>
      %swap3A_82 = vector.shape_cast %swap3A_81 : vector<1x1x64x64xf32> to vector<64x64xf32>
      %swap3A_83 = vector.shape_cast %dot_general3A_75 : vector<64x64xf32> to vector<1x1x64x64xf32>
      tpu.vector_store %arg5[%swap3A, %swap3A_78, %swap3A_79, %swap3A_80], %swap3A_83 {strides = array<i32>} : memref<1x1x4096x64xf32, #tpu.memory_space<vmem>>, vector<1x1x64x64xf32>,
    }
    %scan3A_3 = arith.constant 64 : i32
    return
  }
  func.func @transform_0(%arg0: i32, %arg1: i32) -> (i32, i32, i32, i32) {
    %c0_i32 = arith.constant 0 : i32
    %c0_i32_0 = arith.constant 0 : i32
    %c0_i32_1 = arith.constant 0 : i32
    return %arg0, %arg1, %c0_i32, %c0_i32_0 : i32, i32, i32, i32
  }
  func.func @transform_1(%arg0: i32, %arg1: i32) -> (i32, i32, i32, i32) {
    %c0_i32 = arith.constant 0 : i32
    %c0_i32_0 = arith.constant 0 : i32
    %c0_i32_1 = arith.constant 0 : i32
    return %arg0, %arg1, %c0_i32, %c0_i32_0 : i32, i32, i32, i32
  }
  func.func @transform_2(%arg0: i32, %arg1: i32) -> (i32, i32, i32, i32) {
    %c0_i32 = arith.constant 0 : i32
    %c0_i32_0 = arith.constant 0 : i32
    %c0_i32_1 = arith.constant 0 : i32
    return %arg0, %arg1, %c0_i32, %c0_i32_0 : i32, i32, i32, i32
  }
  func.func @transform_3(%arg0: i32, %arg1: i32) -> (i32, i32, i32, i32) {
    %c0_i32 = arith.constant 0 : i32
    %c0_i32_0 = arith.constant 0 : i32
    %c0_i32_1 = arith.constant 0 : i32
    return %arg0, %arg1, %c0_i32, %c0_i32_0 : i32, i32, i32, i32
  }
}

module attributes {stable_mosaic.version = 14 : i64} {
  func.func @_attn_lsh_body(%arg0: i32, %arg1: i32, %arg2: memref<1x1x4096x256xf32, #tpu.memory_space<vmem>>, %arg3: memref<1x1x4096x128xf32, #tpu.memory_space<vmem>>) attributes {dimension_semantics = [#tpu.dimension_semantics<arbitrary>, #tpu.dimension_semantics<arbitrary>], iteration_bounds = array<i64: 4, 4>, scalar_prefetch = 0 : i64, scratch_operands = 0 : i64, tpu.core_type = #tpu.core_type<tc>, window_params = [{transform_indices = @transform_0, window_bounds = array<i64: 1, 1, 4096, 256>}, {transform_indices = @transform_1, window_bounds = array<i64: 1, 1, 4096, 128>}]} {
    %broadcast_in_dim3A = arith.constant 0.000000e+00 : f32
    %broadcast_in_dim3A_0 = vector.broadcast %broadcast_in_dim3A : f32 to vector<64x64xf32>
    %scan3A = arith.constant 0 : i32
    %scan3A_1 = arith.constant 64 : i32
    %scan3A_2 = arith.addi %scan3A, %scan3A_1 : i32
    %scan3A_3 = arith.constant 1 : i32
    scf.for %scan3A_5 = %scan3A to %scan3A_2 step %scan3A_3  : i32 {
      %add3A = arith.constant 64 : i32
      %add3A_6 = arith.addi %scan3A_5, %add3A : i32
      %sub3A = arith.constant 1 : i32
      %sub3A_7 = arith.subi %add3A_6, %sub3A : i32
      %jit3A = arith.constant 64 : i32
      %eq3A = arith.constant 0 : i32
      %eq3A_8 = arith.cmpi eq, %jit3A, %eq3A : i32
      %jit3A_9 = arith.constant 1 : i32
      %select_n3A = arith.select %eq3A_8, %jit3A_9, %jit3A : i32
      %rem3A = arith.remsi %sub3A_7, %select_n3A : i32
      %ne3A = arith.constant 0 : i32
      %ne3A_10 = arith.cmpi ne, %rem3A, %ne3A : i32
      %lt3A = arith.constant 0 : i32
      %lt3A_11 = arith.cmpi slt, %rem3A, %lt3A : i32
      %lt3A_12 = arith.constant 0 : i32
      %lt3A_13 = arith.cmpi slt, %select_n3A, %lt3A_12 : i32
      %ne3A_14 = arith.xori %lt3A_11, %lt3A_13 : i1
      %and3A = arith.andi %ne3A_14, %ne3A_10 : i1
      %add3A_15 = arith.addi %rem3A, %select_n3A : i32
      %select_n3A_16 = arith.select %and3A, %add3A_15, %rem3A : i32
      %mul3A = arith.constant 64 : i32
      %mul3A_17 = arith.muli %select_n3A_16, %mul3A : i32
      %get3A = arith.constant 0 : index
      %get3A_18 = arith.constant 0 : index
      %get3A_19 = arith.index_cast %mul3A_17 : i32 to index
      %get3A_20 = arith.constant 0 : index
      %get3A_21 = vector.load %arg2[%get3A, %get3A_18, %get3A_19, %get3A_20] : memref<1x1x4096x256xf32, #tpu.memory_space<vmem>>, vector<1x1x64x256xf32>
      %get3A_22 = vector.shape_cast %get3A_21 : vector<1x1x64x256xf32> to vector<64x256xf32>
      %mul3A_23 = arith.constant 64 : i32
      %mul3A_24 = arith.muli %scan3A_5, %mul3A_23 : i32
      %get3A_25 = arith.constant 0 : index
      %get3A_26 = arith.constant 0 : index
      %get3A_27 = arith.index_cast %mul3A_24 : i32 to index
      %get3A_28 = arith.constant 0 : index
      %get3A_29 = vector.load %arg2[%get3A_25, %get3A_26, %get3A_27, %get3A_28] : memref<1x1x4096x256xf32, #tpu.memory_space<vmem>>, vector<1x1x64x256xf32>
      %get3A_30 = vector.shape_cast %get3A_29 : vector<1x1x64x256xf32> to vector<64x256xf32>
      %slice3A = vector.extract_strided_slice %get3A_22 {offsets = [0, 64], sizes = [64, 64], strides = [1, 1]} : vector<64x256xf32> to vector<64x64xf32>
      %slice3A_31 = vector.extract_strided_slice %get3A_30 {offsets = [0, 64], sizes = [64, 64], strides = [1, 1]} : vector<64x256xf32> to vector<64x64xf32>
      %concatenate3A = tpu.concatenate %slice3A, %slice3A_31 in 0 : vector<64x64xf32>, vector<64x64xf32> -> vector<128x64xf32>
      %slice3A_32 = vector.extract_strided_slice %get3A_22 {offsets = [0, 128], sizes = [64, 64], strides = [1, 1]} : vector<64x256xf32> to vector<64x64xf32>
      %slice3A_33 = vector.extract_strided_slice %get3A_30 {offsets = [0, 128], sizes = [64, 64], strides = [1, 1]} : vector<64x256xf32> to vector<64x64xf32>
      %concatenate3A_34 = tpu.concatenate %slice3A_32, %slice3A_33 in 0 : vector<64x64xf32>, vector<64x64xf32> -> vector<128x64xf32>
      %slice3A_35 = vector.extract_strided_slice %get3A_30 {offsets = [0, 0], sizes = [64, 64], strides = [1, 1]} : vector<64x256xf32> to vector<64x64xf32>
      %iota3A = tpu.iota {dimensions = array<i32: 1>} : vector<64x128xi32>
      %iota3A_36 = tpu.iota {dimensions = array<i32: 0>} : vector<64x128xi32>
      %convert_element_type3A = arith.truncf %concatenate3A : vector<128x64xf32> to vector<128x64xbf16>
      %dot_general3A = arith.constant dense<0.000000e+00> : vector<64x128xf32>
      %dot_general3A_37 = tpu.matmul %slice3A_35, %convert_element_type3A, %dot_general3A {dimension_numbers = #tpu.dot_dimension_numbers<[1], [1], [0], [0], [0, 0, 1, 0], [], []>, transpose_lhs_hint = false} : vector<64x64xf32>, vector<128x64xbf16>, vector<64x128xf32> -> vector<64x128xf32>
      %mul3A_38 = arith.constant 1.250000e-01 : f32
      %mul3A_39 = vector.broadcast %mul3A_38 : f32 to vector<64x128xf32>
      %mul3A_40 = arith.mulf %dot_general3A_37, %mul3A_39 : vector<64x128xf32>
      %eq3A_41 = arith.constant 0 : i32
      %eq3A_42 = arith.cmpi eq, %scan3A_5, %eq3A_41 : i32
      %lt3A_43 = arith.constant 64 : i32
      %lt3A_44 = vector.broadcast %lt3A_43 : i32 to vector<64x128xi32>
      %lt3A_45 = arith.cmpi slt, %iota3A, %lt3A_44 : vector<64x128xi32>
      %and3A_46 = vector.broadcast %eq3A_42 : i1 to vector<64x128xi1>
      %and3A_47 = arith.andi %and3A_46, %lt3A_45 : vector<64x128xi1>
      %jit3A_48 = arith.constant -1.000000e+09 : f32
      %broadcast_in_dim3A_49 = vector.broadcast %jit3A_48 : f32 to vector<64x128xf32>
      %select_n3A_50 = arith.select %and3A_47, %broadcast_in_dim3A_49, %mul3A_40 : vector<64x128xi1>, vector<64x128xf32>
      %add3A_51 = arith.constant 64 : i32
      %add3A_52 = vector.broadcast %add3A_51 : i32 to vector<64x128xi32>
      %add3A_53 = arith.addi %add3A_52, %iota3A_36 : vector<64x128xi32>
      %eq3A_54 = arith.cmpi eq, %iota3A, %add3A_53 : vector<64x128xi32>
      %jit3A_55 = arith.constant -1.000000e+05 : f32
      %broadcast_in_dim3A_56 = vector.broadcast %jit3A_55 : f32 to vector<64x128xf32>
      %select_n3A_57 = arith.select %eq3A_54, %broadcast_in_dim3A_56, %select_n3A_50 : vector<64x128xi1>, vector<64x128xf32>
      %reduce_max3A = arith.constant dense<0xFF800000> : vector<64xf32>
      %reduce_max3A_58 = vector.multi_reduction <maximumf>, %select_n3A_57, %reduce_max3A [1] : vector<64x128xf32> to vector<64xf32>
      %broadcast_in_dim3A_59 = vector.shape_cast %reduce_max3A_58 : vector<64xf32> to vector<64x1xf32>
      %sub3A_60 = vector.broadcast %broadcast_in_dim3A_59 : vector<64x1xf32> to vector<64x128xf32>
      %sub3A_61 = arith.subf %select_n3A_57, %sub3A_60 : vector<64x128xf32>
      %exp3A = math.exp %sub3A_61 : vector<64x128xf32>
      %reduce_sum3A = arith.constant dense<0.000000e+00> : vector<64xf32>
      %reduce_sum3A_62 = vector.multi_reduction <add>, %exp3A, %reduce_sum3A [1] : vector<64x128xf32> to vector<64xf32>
      %broadcast_in_dim3A_63 = vector.shape_cast %reduce_sum3A_62 : vector<64xf32> to vector<64x1xf32>
      %div3A = vector.broadcast %broadcast_in_dim3A_63 : vector<64x1xf32> to vector<64x128xf32>
      %div3A_64 = arith.divf %exp3A, %div3A : vector<64x128xf32>
      %convert_element_type3A_65 = arith.truncf %concatenate3A_34 : vector<128x64xf32> to vector<128x64xbf16>
      %dot_general3A_66 = arith.constant dense<0.000000e+00> : vector<64x64xf32>
      %dot_general3A_67 = tpu.matmul %div3A_64, %convert_element_type3A_65, %dot_general3A_66 {dimension_numbers = #tpu.dot_dimension_numbers<[1], [0], [0], [1], [0, 0, 1, 1], [], []>, transpose_lhs_hint = false} : vector<64x128xf32>, vector<128x64xbf16>, vector<64x64xf32> -> vector<64x64xf32>
      %concatenate3A_68 = tpu.concatenate %dot_general3A_67, %broadcast_in_dim3A_0 in 1 : vector<64x64xf32>, vector<64x64xf32> -> vector<64x128xf32>
      %mul3A_69 = arith.constant 64 : i32
      %mul3A_70 = arith.muli %scan3A_5, %mul3A_69 : i32
      %swap3A = arith.constant 0 : index
      %swap3A_71 = arith.constant 0 : index
      %swap3A_72 = arith.index_cast %mul3A_70 : i32 to index
      %swap3A_73 = arith.constant 0 : index
      %swap3A_74 = vector.load %arg3[%swap3A, %swap3A_71, %swap3A_72, %swap3A_73] : memref<1x1x4096x128xf32, #tpu.memory_space<vmem>>, vector<1x1x64x128xf32>
      %swap3A_75 = vector.shape_cast %swap3A_74 : vector<1x1x64x128xf32> to vector<64x128xf32>
      %swap3A_76 = vector.shape_cast %concatenate3A_68 : vector<64x128xf32> to vector<1x1x64x128xf32>
      tpu.vector_store %arg3[%swap3A, %swap3A_71, %swap3A_72, %swap3A_73], %swap3A_76 {strides = array<i32>} : memref<1x1x4096x128xf32, #tpu.memory_space<vmem>>, vector<1x1x64x128xf32>,
    }
    %scan3A_4 = arith.constant 64 : i32
    return
  }
  func.func @transform_0(%arg0: i32, %arg1: i32) -> (i32, i32, i32, i32) {
    %c0_i32 = arith.constant 0 : i32
    %c0_i32_0 = arith.constant 0 : i32
    %c0_i32_1 = arith.constant 0 : i32
    return %arg0, %arg1, %c0_i32, %c0_i32_0 : i32, i32, i32, i32
  }
  func.func @transform_1(%arg0: i32, %arg1: i32) -> (i32, i32, i32, i32) {
    %c0_i32 = arith.constant 0 : i32
    %c0_i32_0 = arith.constant 0 : i32
    %c0_i32_1 = arith.constant 0 : i32
    return %arg0, %arg1, %c0_i32, %c0_i32_0 : i32, i32, i32, i32
  }
}

</mosaic_0001>

<sc_bundles>
// kernel: gather_offload_async_start.1
scs
__scs_entry_jumppad:
0x0: {  	(pc) =	sbr.rel $0x88, $3  }
0x1: {  	(tag) =	ssettag $0x0;
	lr =	simm.s32 $0x1  }
0x2: {  	[smem:$0x3F90] =	sst lr;
	_ =	strace $0xD0000000  }
0x3: {  	_ = 	snop  }
0x4: {  	_ = 	snop  }
0x5: {  	_ = 	snop  }
0x6: {  	_ = 	snop  }
0x7: {  	_ = 	snop  }
__scs_overlays_trampoline_lowered:
0x8: {  	[smem:$0x3F9F] =	sst s0  }
0x9: {  	[smem:$0x3FA0] =	sst s1  }
0xa: {  	[smem:$0x3FA1] =	sst s2  }
0xb: {  	[smem:$0x3FA2] =	sst s3  }
0xc: {  	[smem:$0x3FA3] =	sst s4  }
0xd: {  	[smem:$0x3FA4] =	sst s5  }
0xe: {  	[smem:$0x3FA5] =	sst s6  }
0xf: {  	[smem:$0x3FA6] =	sst s7  }
0x10: {  	[smem:$0x3FA7] =	sst s8  }
0x11: {  	[smem:$0x3FA8] =	sst s9;
	s0 =	simm.s32 @!p0 $0x0  }
0x12: {  	s1 =	sld [smem:$0x3F8E];
	s0 =	simm.s32 @p0 $0x1  }
0x13: {  	[smem:$0x3FA9] =	sst s0;
	s0 =	simm.s32 @!p1 $0x0  }
0x14: {  	s2 =	sld [smem:$0x3F8D];
	s0 =	simm.s32 @p1 $0x1  }
0x15: {  	[smem:$0x3FAA] =	sst s0;
	s0 =	simm.s32 @!p2 $0x0  }
0x16: {  	s3 =	sld [smem:$0x3FDB];
	s0 =	simm.s32 @p2 $0x1  }
0x17: {  	s4 =	simm.s32 $0x1BF5;
	[smem:$0x3FAC] =	sst s0  }
0x18: {  	s0 =	sld [smem:$0x3F8F];
	_ =	swait.ge [sflag:s4], $0x0  }
0x19: {  	s7 =	sld [smem:$0x3F90]  }
0x1a: {  	s8 =	sadd.s32 $0xFFFFE003, lr  }
0x1b: {  	s9 =	sadd.s32 $0xFFFFFEF7, lr;
	s5 =	simm.s32 $0xFFFFFFFF;
	p2 =	slt.u32 s8, $0xFFFFF086  }
0x1c: {  	p1 =	slt.u32 s9, $0xF7A;
	s5 =	simm.s32 @!p2 $0x0  }
0x1d: {  	s5 =	simm.s32 @p1 $0x1;
	p0 =	seq.s32 s7, s2  }
0x1e: {  	s7 =	smul.u32 @!p0 $0xF7A, s2;
	p2 =	seq.s32 @!p0 s5, $0x0  }
0x1f: {  	s9 =	smul.u32 $0xF7A, s1;
	s8 =	simm.s32 @!p0 $0x1BF5;
	p2 =	por !p2, p0  }
0x20: {  	[sflag:s8] =	ssyncset.s32 @!p0 $0xFFFFF086;
	s6 =	sadd.s32 @!p0 s3, s7;
	s7 =	simm.s32 @!p0 $0x108  }
0x21: {  	s3 =	sadd.s32 s3, s9;
	s6 =	sadd.s32 @!p0 $0x88, s6;
	s7 =	simm.s32 @p2 $0x1082  }
0x22: {  	[simem:s7], [sflag:s8] =	dma.local @!p0 [hbm:s6], $0xF7A  }
0x23: {  	s9 =	sor.u32 $0xD0000000, s2;
	s6 =	simm.s32 $0x108;
	_ =	swait.ge @!p0 [sflag:s8], $0x0  }
0x24: {  	s3 =	sadd.s32 $0x88, s3;
	s6 =	simm.s32 @!p1 $0x1082;
	[sflag:s4] =	ssyncset.s32 $0xFFFFF086  }
0x25: {  	[simem:s6], [sflag:s4] =	dma.local [hbm:s3], $0xF7A  }
0x26: {  	[smem:$0x3F90] =	sst s1;
	(tag) =	ssettag s2;
	_ =	strace s9  }
0x27: {  	s1 =	sld [smem:$0x3FA0]  }
0x28: {  	s2 =	sld [smem:$0x3FA1]  }
0x29: {  	s4 =	sld [smem:$0x3FA3]  }
0x2a: {  	p0 =	seq.s32 s5, $0x0;
	s5 =	sld [smem:$0x3FA4]  }
0x2b: {  	s6 =	sld [smem:$0x3FA5]  }
0x2c: {  	s7 =	sld [smem:$0x3FA6]  }
0x2d: {  	s3 =	simm.s32 $0x108;
	s8 =	sld [smem:$0x3FA7]  }
0x2e: {  	s3 =	simm.s32 @!p0 $0x1082;
	s9 =	sld [smem:$0x3FA8]  }
0x2f: {  	lr =	sadd.s32 s0, s3;
	s0 =	sld [smem:$0x3F9F]  }
0x30: {  	s3 =	sld [smem:$0x3FA2]  }
0x31: {  	[smem:$0x3FAB] =	sst s10  }
0x32: {  	s10 =	sld [smem:$0x3FA9];
	_ =	sdelay $0x3  }
0x33: {  	p0 =	seq.s32 s10, $0x1;
	s10 =	sld [smem:$0x3FAB];
	_ =	sdelay $0x3  }
0x34: {  	[smem:$0x3FAB] =	sst s10  }
0x35: {  	s10 =	sld [smem:$0x3FAA];
	_ =	sdelay $0x3  }
0x36: {  	p1 =	seq.s32 s10, $0x1;
	s10 =	sld [smem:$0x3FAB];
	_ =	sdelay $0x3  }
0x37: {  	[smem:$0x3FAB] =	sst s10  }
0x38: {  	s10 =	sld [smem:$0x3FAC]  }
0x39: {  	_ = 	snop;
	(pc) =	sbr.ind lr, $3  }
0x3a: {  	_ = 	snop  }
0x3b: {  	_ = 	snop  }
0x3c: {  	p2 =	seq.s32 s10, $0x1;
	s10 =	sld [smem:$0x3FAB]  }
0x3d: {  	_ =	shalt  }
0x3e: {  	_ =	shalt  }
0x3f: {  	_ =	shalt  }
0x40: {  	_ =	shalt  }
0x41: {  	_ =	shalt  }
0x42: {  	_ =	shalt  }
0x43: {  	_ =	shalt  }
0x44: {  	_ =	shalt  }
0x45: {  	_ =	shalt  }
0x46: {  	_ =	shalt  }
0x47: {  	_ =	shalt  }
0x48: {  	_ =	shalt  }
0x49: {  	_ =	shalt  }
0x4a: {  	_ =	shalt  }
0x4b: {  	_ =	shalt  }
0x4c: {  	_ =	shalt  }
0x4d: {  	_ =	shalt  }
0x4e: {  	_ =	shalt  }
0x4f: {  	_ =	shalt  }
0x50: {  	_ =	shalt  }
0x51: {  	_ =	shalt  }
0x52: {  	_ =	shalt  }
0x53: {  	_ =	shalt  }
0x54: {  	_ =	shalt  }
0x55: {  	_ =	shalt  }
0x56: {  	_ =	shalt  }
0x57: {  	_ =	shalt  }
0x58: {  	_ =	shalt  }
0x59: {  	_ =	shalt  }
0x5a: {  	_ =	shalt  }
0x5b: {  	_ =	shalt  }
0x5c: {  	_ =	shalt  }
0x5d: {  	_ =	shalt  }
0x5e: {  	_ =	shalt  }
0x5f: {  	_ =	shalt  }
0x60: {  	_ =	shalt  }
0x61: {  	_ =	shalt  }
0x62: {  	_ =	shalt  }
0x63: {  	_ =	shalt  }
0x64: {  	_ =	shalt  }
0x65: {  	_ =	shalt  }
0x66: {  	_ =	shalt  }
0x67: {  	_ =	shalt  }
0x68: {  	_ =	shalt  }
0x69: {  	_ =	shalt  }
0x6a: {  	_ =	shalt  }
0x6b: {  	_ =	shalt  }
0x6c: {  	_ =	shalt  }
0x6d: {  	_ =	shalt  }
0x6e: {  	_ =	shalt  }
0x6f: {  	_ =	shalt  }
0x70: {  	_ =	shalt  }
0x71: {  	_ =	shalt  }
0x72: {  	_ =	shalt  }
0x73: {  	_ =	shalt  }
0x74: {  	_ =	shalt  }
0x75: {  	_ =	shalt  }
0x76: {  	_ =	shalt  }
0x77: {  	_ =	shalt  }
0x78: {  	_ =	shalt  }
0x79: {  	_ =	shalt  }
0x7a: {  	_ =	shalt  }
0x7b: {  	_ =	shalt  }
0x7c: {  	_ =	shalt  }
0x7d: {  	_ =	shalt  }
0x7e: {  	_ =	shalt  }
0x7f: {  	_ =	shalt  }
0x80: {  	_ =	shalt  }
0x81: {  	_ =	shalt  }
0x82: {  	_ =	shalt  }
0x83: {  	_ =	shalt  }
0x84: {  	_ =	shalt  }
0x85: {  	_ =	shalt  }
0x86: {  	_ =	shalt  }
0x87: {  	_ =	shalt  }
.Lfunc_end0:
.L_simem_size_0:
called_computation.1_lowered:
.L_overlay_start_0:
0x88: {  	s2 =	sld [smem:$0x3FD9]  }
0x89: {  	s3 =	sld [smem:$0x3FFE];
	_ =	sdelay $0x1  }
0x8a: {  	s1 =	srdreg.scid  }
0x8b: {  	s0 =	sand.u32 $0x1, s1  }
0x8c: {  	s17 =	sshll.u32 s0, $0xA;
	s2 =	sadd.s32 s3, s2  }
0x8d: {  	s2 =	sadd.s32 s2, s17  }
0x8e: {  	[smem:$0x3FB7] =	sst s2  }
0x8f: {  	_ = 	snop  }
0x90: {  	(tm) =	ssettm $0x1  }
0x91: {  	s18 =	sld [smem:$0x3FFB];
	_ =	sdelay $0x3  }
0x92: {  	_ =	strace s18  }
0x93: {  	s2 =	sld [smem:$0x3FFC];
	_ =	sdelay $0x3  }
0x94: {  	_ =	strace s2  }
0x95: {  	s2 =	sld [smem:$0x3FFD];
	_ =	sdelay $0x3  }
0x96: {  	_ =	strace s2  }
0x97: {  	_ =	strace $0x8FFFFFFF  }
0x98: {  	s19 =	sld [smem:$0x3FDB];
	_ =	sdelay $0x1  }
0x99: {  	s20 =	simm.s32 $_scs_section_size  }
0x9a: {  	s4 =	simm.s32 $_size__tile_overlayer_lowered;
	s5 =	simm.s32 $_tile_overlayer_lowered  }
0x9b: {  	s6 =	simm.s32 $0x1BFF;
	s21 =	sshll.u32 s5, $0x1;
	s3 =	sadd.s32 s20, s19  }
0x9c: {  	s22 =	simm.s32 $0x0;
	s4 =	sshll.u32 s4, $0x1;
	s5 =	sadd.s32 s21, s3  }
0x9d: {  	[timem:s22], [sflag:s6] =	dma.local [hbm:s5], s4  }
0x9e: {  	_ =	swait.ge [sflag:s6], s4  }
0x9f: {  	s4 =	ssub.s32 $0x0, s4;
	[sflag:s6] =	ssyncset.done $0x0  }
0xa0: {  	[sflag:s6] =	ssyncadd.s32 s4;
	_ =	sdelay $0x1  }
0xa1: {  	s23 =	simm.s32 $0x1B8B  }
0xa2: {  	_ =	swait.ge [sflag:s23], $0x1  }
0xa3: {  	[sflag:s23] =	ssyncset.done $0x0  }
0xa4: {  	[sflag:s23] =	ssyncadd.s32 $0xFFFFFFFF  }
0xa5: {  	s4 =	sld [smem:$0x0]  }
0xa6: {  	s5 =	sand.u32 $0xFFFFFFFE, s1  }
0xa7: {  	p0 =	sne.s32 s1, s5  }
0xa8: {  	s5 =	sshll.u32 @p0 s5, $0xE  }
0xa9: {  	s5 =	sadd.s32 @p0 $0x11B8D, s5;
	s6 =	sshll.u32 @p0 s4, $0x11  }
0xaa: {  	s5 =	sor.u32 @p0 s6, s5  }
0xab: {  	[sflag:s5] =	ssyncadd.remote.s32 @p0 $0x1;
	_ =	sdelay $0x1  }
0xac: {  	s5 =	simm.s32 @p0 $0x1B8D  }
0xad: {  	_ =	swait.eq @p0 [sflag:s5], $0x1  }
0xae: {  	[sflag:s5] =	ssyncadd.s32 @p0 $0xFFFFFFFF  }
0xaf: {  	s6 =	sshll.u32 @!p0 s1, $0xE  }
0xb0: {  	s6 =	sor.u32 @!p0 $0x4000, s6;
	s5 =	simm.s32 @!p0 $0x1B8D  }
0xb1: {  	s4 =	sshll.u32 @!p0 s4, $0x11;
	s6 =	sadd.s32 @!p0 $0x11B8D, s6;
	_ =	swait.eq @!p0 [sflag:s5], $0x1  }
0xb2: {  	s4 =	sor.u32 @!p0 s4, s6;
	[sflag:s5] =	ssyncadd.s32 @!p0 $0xFFFFFFFF  }
0xb3: {  	s25 =	simm.s32 $0x1B8E;
	s24 =	sld [smem:$0x3FFE];
	[sflag:s4] =	ssyncadd.remote.s32 @!p0 $0x1  }
0xb4: {  	s26 =	simm.s32 $execute0_lowered;
	[smem:$0x3FD2] =	sst s25  }
0xb5: {  	s5 =	sshll.u32 s26, $0x1;
	_ =	strace $0x80000049;
	[dreg:$0x1] =	wrdreg $0xFFFFFFFF  }
0xb6: {  	s28 =	simm.s32 $_size_execute0_lowered;
	s3 =	sadd.s32 s3, s5;
	[dreg:$0x0] =	wrdreg $0x0  }
0xb7: {  	s5 =	sshll.u32 s28, $0x1;
	[dreg:$0x2] =	wrdreg s3  }
0xb8: {  	[dreg:$0x3] =	wrdreg s5  }
0xb9: {  	[dreg:$0x4] =	wrdreg $0xC0  }
0xba: {  	_ =	task [dreg:s22], $0x5FFFF  }
0xbb: {  	[dreg:$0x1] =	wrdreg $0xFFFFFFFF  }
0xbc: {  	[dreg:$0x0] =	wrdreg $0x60  }
0xbd: {  	[dreg:$0x2] =	wrdreg s24  }
0xbe: {  	[dreg:$0x3] =	wrdreg $0xA  }
0xbf: {  	_ =	task.clear_ibuf [dreg:s22], $0x4FFFF;
	_ =	strace $0x90000049  }
0xc0: {  	s29 =	simm.s32 $0xA;
	_ =	strace $0x8000004B  }
0xc1: {  	_ =	swait.ge [sflag:s29], $0x1  }
0xc2: {  	[sflag:s29] =	ssyncadd.s32 $0xFFFFFFFF  }
0xc3: {  	_ =	strace $0x9000004B  }
0xc4: {  	_ =	sfence  }
0xc5: {  	s30 =	sld [smem:$0x0];
	_ =	sdelay $0x2  }
0xc6: {  	s31 =	sshll.u32 s1, $0xD;
	s1 =	sshrl.u32 s1, $0x2  }
0xc7: {  	s4 =	sand.u32 $0x4000, s31;
	s1 =	sadd.s32 s1, s30  }
0xc8: {  	s0 =	sor.u32 s4, s0;
	s1 =	sshll.u32 s1, $0x11  }
0xc9: {  	s0 =	sor.u32 s1, s0  }
0xca: {  	s0 =	sadd.s32 $0x8F2B, s0  }
0xcb: {  	[sflag:s0] =	ssyncadd.remote.s32 $0x1  }
0xcc: {  	_ =	sfence.sel $0xFFFF  }
0xcd: {  	[dreg:$0x0] =	wrdreg $0xFFFFFFFF;
	(pc) =	sbr.abs _section_cstart, $3  }
0xce: {  	[dreg:$0x1] =	wrdreg $0xFFFFFFFF  }
0xcf: {  	_ =	task.clear_ibuf [dreg:s22], $0x2FFFF;
	_ =	strace $0x9FFFFFFF  }
0xd0: {  	(tm) =	ssettm $0x7FFFFFFF  }
0xd1: {  	_ =	shalt  }
tec
execute0_lowered:
.L_overlay_start_1:
0x0: {  	(tag) =	ssettag $0x1  }
0x1: {  	s7 =	rddreg [dreg:$0x0]  }
0x2: {  	s0 =	rddreg [dreg:$0x1];
	_ =	strace $0x8000004A  }
0x3: {  	s1 =	srdreg.scid;
	s4 =	simm.s32 $0x1;
	s9 =	simm.s32 $0x3  }
0x4: {  	s11 =	simm.s32 $0x0;
	p0 =	por $0x0, $0x0;
	s5 =	sshll.u32 s1, $0x4  }
.Ltmp0:
0x5: {  	s1 =	stileid.u32;
	s5 =	sand.u32 $0x10, s5;
	(pc) =	sbr.rel .LBB2_1-.Ltmp0, $4  }
0x6: {  	s2 =	sadd.s32 $0x30F800, s7;
	s3 =	sadd.s32 $0x197200, s7;
	s6 =	sor.u32 s1, s5  }
0x7: {  	[sflag:s4] =	ssyncpa.u1 $0x0;
	s5 =	simm.s32 $0x2;
	s6 =	sshll.u32 s6, $0xB  }
0x8: {  	s7 =	sadd.s32 $0x40F800, s7;
	[sflag:s5] =	ssyncpa.u1 $0x0;
	s8 =	sadd.s32 $0x800, s6  }
0x9: {  	vm0 =	vmmov $0xff;
	vm1 =	vcmask $0x3F20;
	[sflag:s9] =	ssyncpa.u1 $0x0;
	s10 =	smov.u32 s6;
	s9 =	simm.s32 $0x0  }
.LBB2_7:
0xa: {  	p1 =	slt.u32 s9, $0x2;
	s11 =	sadd.s32 $0x100, s10  }
0xb: {  	s13 =	smov.u32 s6;
	s9 =	sadd.s32 $0x1, s9;
	p2 =	slt.s32 s11, s8  }
0xc: {  	s13 =	smov.u32 @p2 s11;
	p2 =	sne.s32 s9, $0xA  }
.Ltmp1:
0xd: {  	_ = 	snop;
	(pc) =	sbr.rel @!p2 .LBB2_8-.Ltmp1, $4  }
0xe: {  	s12 =	simm.s32 @!p1 $0x3  }
0xf: {  	_ =	swait.ge @!p1 [sflag:s12], $0x8000  }
0x10: {  	p0 =	por !p0, !p0;
	[sflag:s12] =	ssyncset.done @!p1 $0x0  }
0x11: {  	s11 =	smov.u32 s10;
	s10 =	smov.u32 s13;
	[sflag:s12] =	ssyncadd.s32 @!p1 $0xFFFF8000  }
.LBB2_1:
0x12: {  	p1 =	sgt.u32 s9, $0x7  }
0x13: {  	s12 =	sxor.u32 @!p1 $0xFFFFFFFF, s9  }
0x14: {  	s13 =	sshrl.u32 @!p1 s10, $0x3;
	s12 =	sshll.u32 @!p1 s12, $0x8  }
0x15: {  	s14 =	sand.u32 @!p1 $0x7, s10;
	s13 =	sadd.s32 @!p1 s3, s13;
	s12 =	sand.u32 @!p1 $0x100, s12  }
0x16: {  	[tilespmem:s12], [sflag:$0x2] =	stream.linear.gather @!p1 [hbm4b:s13+s14], $0x100, $0x38;
	[tilespmem:$0x10200] =	vst v63  }
0x17: {  	p1 =	seq.s32 s9, $0x0  }
0x18: {  	p2 =	seq.s32 @!p1 s9, $0x9  }
0x19: {  	p1 =	por p1, p2  }
.Ltmp2:
0x1a: {  	_ = 	snop;
	(pc) =	sbr.rel @p1 .LBB2_7-.Ltmp2, $1  }
0x1b: {  	_ =	sdelay $0x3  }
0x1c: {  	s12 =	simm.s32 $0x1  }
0x1d: {  	_ =	swait.ge [sflag:s5], $0x100;
	s12 =	simm.s32 @!p0 $0x0  }
0x1e: {  	[sflag:s5] =	ssyncset.done $0x0;
	s14 =	sshll.u32 s12, $0x8  }
0x1f: {  	[sflag:s5] =	ssyncadd.s32 $0xFFFFFF00;
	s13 =	sadd.s32 $0x0, s14  }
0x20: {  	v0 =	vld.msk [tilespmem:s13+$0x0 ss:$0x1], $0xffff;
	_ =	sdelay $0x4  }
0x21: {  	vm2 =	veq.s32 v0, $0x80000000  }
0x22: {  	v1 =	vshll.u32 v0, $0x15;
	v2 =	vshll.u32 v0, $0x11;
	v0 =	vshll.u32 v0, $0x3  }
0x23: {  	v1 =	vand.u32 $0x600000, v1;
	v2 =	vand.u32 $0x180000, v2;
	v0 =	vand.u32 $0x7FF80, v0  }
0x24: {  	v1 =	vor.u32 v2, v1;
	v0 =	vsel vm2, $0xFFFFFF80, v0  }
0x25: {  	v1 =	vsel vm2, $0xFFD80000, v1;
	v2 =	vand.u32 $0xFFFFFC00, v0  }
0x26: {  	v0 =	vand.u32 $0x380, v0;
	v1 =	vadd.s32 v2, v1  }
0x27: {  	v0 =	vor.u32 v0, v1  }
0x28: {  	v0 =	vshrl.u32 v0, $0x3;
	_ =	sdelay $0x2  }
0x29: {  	s12 =	sshll.u32 s12, $0xF  }
0x2a: {  	s12 =	sor.u32 $0x200, s12  }
0x2b: {  	[tilespmem:s12], [sflag:$0x1] =	stream.indirect_vreg.gather [hbm:s2], $0x80, v0, vm0, $0x38;
	[tilespmem:$0x10200] =	vst v63  }
0x2c: {  	s15 =	sadd.s32 $0x10, s14;
	s13 =	sadd.s32 $0x400, s12  }
0x2d: {  	[tilespmem:s13], [sflag:$0x1] =	stream.indirect_vreg.gather [hbm:s2], $0x80, v0, vm1, $0x38;
	[tilespmem:$0x10200] =	vst v63  }
0x2e: {  	s16 =	simm.s32 $0x80;
	v0 =	vld.msk [tilespmem:s15+$0x0 ss:$0x1], $0xffff;
	s15 =	smov.u32 s12  }
.LBB2_3:
0x2f: {  	p1 =	sne.s32 s16, $0x3C0;
	_ =	sdelay $0x4  }
0x30: {  	vm2 =	veq.s32 v0, $0x80000000  }
0x31: {  	v1 =	vshll.u32 v0, $0x15;
	v2 =	vshll.u32 v0, $0x11;
	v0 =	vshll.u32 v0, $0x3  }
0x32: {  	v1 =	vand.u32 $0x600000, v1;
	v2 =	vand.u32 $0x180000, v2;
	v0 =	vand.u32 $0x7FF80, v0  }
0x33: {  	v1 =	vor.u32 v2, v1;
	v0 =	vsel vm2, $0xFFFFFF80, v0  }
0x34: {  	v1 =	vsel vm2, $0xFFD80000, v1;
	v2 =	vand.u32 $0xFFFFFC00, v0  }
0x35: {  	v0 =	vand.u32 $0x380, v0;
	v1 =	vadd.s32 v2, v1  }
0x36: {  	v0 =	vor.u32 v0, v1  }
0x37: {  	v0 =	vshrl.u32 v0, $0x3;
	_ =	sdelay $0x3  }
.Ltmp3:
0x38: {  	s17 =	sshra.s32 s16, $0x2;
	s15 =	sadd.s32 $0x800, s15;
	(pc) =	sbr.rel @p1 .LBB2_3-.Ltmp3, $4  }
0x39: {  	[tilespmem:s15], [sflag:$0x1] =	stream.indirect_vreg.gather [hbm:s2], $0x80, v0, vm0, $0x38;
	[tilespmem:$0x10200] =	vst v63  }
0x3a: {  	s17 =	sadd.s32 s17, s14;
	s18 =	sadd.s32 $0x400, s15  }
0x3b: {  	[tilespmem:s18], [sflag:$0x1] =	stream.indirect_vreg.gather [hbm:s2], $0x80, v0, vm1, $0x38;
	[tilespmem:$0x10200] =	vst v63  }
0x3c: {  	s16 =	sadd.s32 $0x40, s16;
	v0 =	vld.msk [tilespmem:s17+$0x0 ss:$0x1], $0xffff  }
0x3d: {  	_ =	sdelay $0x3  }
0x3e: {  	vm2 =	veq.s32 v0, $0x80000000  }
0x3f: {  	v1 =	vshll.u32 v0, $0x15;
	v2 =	vshll.u32 v0, $0x11;
	v62 =	vshll.u32 v0, $0x3  }
0x40: {  	v1 =	vand.u32 $0x600000, v1;
	v2 =	vand.u32 $0x180000, v2;
	v0 =	vand.u32 $0x7FF80, v62  }
0x41: {  	v1 =	vor.u32 v2, v1;
	v0 =	vsel vm2, $0xFFFFFF80, v0  }
0x42: {  	v1 =	vsel vm2, $0xFFD80000, v1;
	v63 =	vand.u32 $0xFFFFFC00, v0  }
0x43: {  	v0 =	vand.u32 $0x380, v0;
	v1 =	vadd.s32 v63, v1  }
0x44: {  	v0 =	vor.u32 v0, v1  }
0x45: {  	v0 =	vshrl.u32 v0, $0x3;
	_ =	sdelay $0x3  }
0x46: {  	s14 =	sadd.s32 $0x800, s15  }
0x47: {  	[tilespmem:s14], [sflag:$0x1] =	stream.indirect_vreg.gather [hbm:s2], $0x80, v0, vm0, $0x38;
	[tilespmem:$0x10200] =	vst v63  }
0x48: {  	s14 =	sadd.s32 $0x400, s14  }
0x49: {  	[tilespmem:s14], [sflag:$0x1] =	stream.indirect_vreg.gather [hbm:s2], $0x80, v0, vm1, $0x38;
	[tilespmem:$0x10200] =	vst v63  }
0x4a: {  	s11 =	sshll.u32 s11, $0x4;
	_ =	swait.ge [sflag:s4], $0x8000  }
0x4b: {  	s11 =	sadd.s32 s11, s7;
	[sflag:s4] =	ssyncset.done $0x0  }
0x4c: {  	s15 =	sadd.s32 $0x0, s11;
	s14 =	simm.s32 $0x80;
	[sflag:s4] =	ssyncadd.s32 $0xFFFF8000  }
.LBB2_5:
0x4d: {  	[hbm:s15] =	stream.linear.scatter [tilespmem:s12], [sflag:$0x3], $0x400, $0x38;
	[tilespmem:$0x10200] =	vst v63  }
0x4e: {  	s15 =	smov.u32 s14;
	s12 =	smov.u32 s13;
	p1 =	sne.s32 s14, $0xF80  }
.Ltmp4:
0x4f: {  	s14 =	sadd.s32 $0x80, s14;
	(pc) =	sbr.rel @p1 .LBB2_5-.Ltmp4, $2  }
0x50: {  	_ =	sdelay $0x2  }
0x51: {  	s13 =	sadd.s32 $0x400, s13;
	s15 =	sadd.s32 s15, s11  }
.Ltmp5:
0x52: {  	(pc) =	sbr.rel .LBB2_7-.Ltmp5, $2  }
0x53: {  	_ =	sdelay $0x2  }
0x54: {  	[hbm:s15] =	stream.linear.scatter [tilespmem:s12], [sflag:$0x3], $0x400, $0x38;
	[tilespmem:$0x10200] =	vst v63  }
.LBB2_8:
0x55: {  	_ =	sfence.sel $0x180000  }
0x56: {  	s2 =	simm.s32 $0x2;
	[bflag:$0x0] =	sbarrier.arrive $0xFFFF  }
0x57: {  	s30 =	simm.s32 $0x3;
	[sflag:s2] =	ssyncpa.u1 $0x1  }
0x58: {  	s31 =	simm.s32 $0x1;
	[sflag:s30] =	ssyncpa.u1 $0x1  }
0x59: {  	[sflag:s31] =	ssyncpa.u1 $0x1  }
0x5a: {  	p0 =	sne.s32 s1, $0x0;
	_ =	strace $0x9000004A  }
0x5b: {  	s0 =	sadd.s32 @!p0 $0x100000, s0;
	[bflag:$0x2] =	sbarrier.arrive $0xFFFF  }
0x5c: {  	[sflag:s0] =	ssyncadd.tile.s32 @!p0 $0x1;
	_ =	shalt  }
.Lfunc_end2:
_tile_overlayer_lowered:
.L_overlay_start_2:
0x5d: {  	(tag) =	ssettag $0x2  }
0x5e: {  	s0 =	rddreg [dreg:$0x0];
	s2 =	stileid.u32  }
0x5f: {  	s1 =	rddreg [dreg:$0x1];
	p0 =	sne.s32 s2, $0x0  }
0x60: {  	s3 =	rddreg [dreg:$0x2];
	[bflag:$0x3] =	sbarrier.arrive $0xFFFF;
	s2 =	simm.s32 @!p0 $0x1C01  }
0x61: {  	[timem:s3], [sflag:s2] =	dma.local @!p0 [hbm:s0], s1  }
0x62: {  	s0 =	simm.s32 @!p0 $0x1  }
0x63: {  	_ =	swait.ge @!p0 [sflag:s0], s1  }
0x64: {  	s1 =	ssub.s32 @!p0 $0x0, s1;
	[sflag:s0] =	ssyncset.done @!p0 $0x0  }
0x65: {  	[sflag:s0] =	ssyncadd.s32 @!p0 s1  }
0x66: {  	[bflag:$0x3] =	sbarrier.arrive $0xFFFF  }
0x67: {  	_ =	shalt  }

// kernel: gather_offload_async_start.2
scs
__scs_entry_jumppad:
0x0: {  	(pc) =	sbr.rel $0x88, $3  }
0x1: {  	(tag) =	ssettag $0x0;
	lr =	simm.s32 $0x1  }
0x2: {  	[smem:$0x3F90] =	sst lr;
	_ =	strace $0xD0000000  }
0x3: {  	_ = 	snop  }
0x4: {  	_ = 	snop  }
0x5: {  	_ = 	snop  }
0x6: {  	_ = 	snop  }
0x7: {  	_ = 	snop  }
__scs_overlays_trampoline_lowered:
0x8: {  	[smem:$0x3F9F] =	sst s0  }
0x9: {  	[smem:$0x3FA0] =	sst s1  }
0xa: {  	[smem:$0x3FA1] =	sst s2  }
0xb: {  	[smem:$0x3FA2] =	sst s3  }
0xc: {  	[smem:$0x3FA3] =	sst s4  }
0xd: {  	[smem:$0x3FA4] =	sst s5  }
0xe: {  	[smem:$0x3FA5] =	sst s6  }
0xf: {  	[smem:$0x3FA6] =	sst s7  }
0x10: {  	[smem:$0x3FA7] =	sst s8  }
0x11: {  	[smem:$0x3FA8] =	sst s9;
	s0 =	simm.s32 @!p0 $0x0  }
0x12: {  	s1 =	sld [smem:$0x3F8E];
	s0 =	simm.s32 @p0 $0x1  }
0x13: {  	[smem:$0x3FA9] =	sst s0;
	s0 =	simm.s32 @!p1 $0x0  }
0x14: {  	s2 =	sld [smem:$0x3F8D];
	s0 =	simm.s32 @p1 $0x1  }
0x15: {  	[smem:$0x3FAA] =	sst s0;
	s0 =	simm.s32 @!p2 $0x0  }
0x16: {  	s3 =	sld [smem:$0x3FDB];
	s0 =	simm.s32 @p2 $0x1  }
0x17: {  	s4 =	simm.s32 $0x1BF5;
	[smem:$0x3FAC] =	sst s0  }
0x18: {  	s0 =	sld [smem:$0x3F8F];
	_ =	swait.ge [sflag:s4], $0x0  }
0x19: {  	s7 =	sld [smem:$0x3F90]  }
0x1a: {  	s8 =	sadd.s32 $0xFFFFE003, lr  }
0x1b: {  	s9 =	sadd.s32 $0xFFFFFEF7, lr;
	s5 =	simm.s32 $0xFFFFFFFF;
	p2 =	slt.u32 s8, $0xFFFFF086  }
0x1c: {  	p1 =	slt.u32 s9, $0xF7A;
	s5 =	simm.s32 @!p2 $0x0  }
0x1d: {  	s5 =	simm.s32 @p1 $0x1;
	p0 =	seq.s32 s7, s2  }
0x1e: {  	s7 =	smul.u32 @!p0 $0xF7A, s2;
	p2 =	seq.s32 @!p0 s5, $0x0  }
0x1f: {  	s9 =	smul.u32 $0xF7A, s1;
	s8 =	simm.s32 @!p0 $0x1BF5;
	p2 =	por !p2, p0  }
0x20: {  	[sflag:s8] =	ssyncset.s32 @!p0 $0xFFFFF086;
	s6 =	sadd.s32 @!p0 s3, s7;
	s7 =	simm.s32 @!p0 $0x108  }
0x21: {  	s3 =	sadd.s32 s3, s9;
	s6 =	sadd.s32 @!p0 $0x88, s6;
	s7 =	simm.s32 @p2 $0x1082  }
0x22: {  	[simem:s7], [sflag:s8] =	dma.local @!p0 [hbm:s6], $0xF7A  }
0x23: {  	s9 =	sor.u32 $0xD0000000, s2;
	s6 =	simm.s32 $0x108;
	_ =	swait.ge @!p0 [sflag:s8], $0x0  }
0x24: {  	s3 =	sadd.s32 $0x88, s3;
	s6 =	simm.s32 @!p1 $0x1082;
	[sflag:s4] =	ssyncset.s32 $0xFFFFF086  }
0x25: {  	[simem:s6], [sflag:s4] =	dma.local [hbm:s3], $0xF7A  }
0x26: {  	[smem:$0x3F90] =	sst s1;
	(tag) =	ssettag s2;
	_ =	strace s9  }
0x27: {  	s1 =	sld [smem:$0x3FA0]  }
0x28: {  	s2 =	sld [smem:$0x3FA1]  }
0x29: {  	s4 =	sld [smem:$0x3FA3]  }
0x2a: {  	p0 =	seq.s32 s5, $0x0;
	s5 =	sld [smem:$0x3FA4]  }
0x2b: {  	s6 =	sld [smem:$0x3FA5]  }
0x2c: {  	s7 =	sld [smem:$0x3FA6]  }
0x2d: {  	s3 =	simm.s32 $0x108;
	s8 =	sld [smem:$0x3FA7]  }
0x2e: {  	s3 =	simm.s32 @!p0 $0x1082;
	s9 =	sld [smem:$0x3FA8]  }
0x2f: {  	lr =	sadd.s32 s0, s3;
	s0 =	sld [smem:$0x3F9F]  }
0x30: {  	s3 =	sld [smem:$0x3FA2]  }
0x31: {  	[smem:$0x3FAB] =	sst s10  }
0x32: {  	s10 =	sld [smem:$0x3FA9];
	_ =	sdelay $0x3  }
0x33: {  	p0 =	seq.s32 s10, $0x1;
	s10 =	sld [smem:$0x3FAB];
	_ =	sdelay $0x3  }
0x34: {  	[smem:$0x3FAB] =	sst s10  }
0x35: {  	s10 =	sld [smem:$0x3FAA];
	_ =	sdelay $0x3  }
0x36: {  	p1 =	seq.s32 s10, $0x1;
	s10 =	sld [smem:$0x3FAB];
	_ =	sdelay $0x3  }
0x37: {  	[smem:$0x3FAB] =	sst s10  }
0x38: {  	s10 =	sld [smem:$0x3FAC]  }
0x39: {  	_ = 	snop;
	(pc) =	sbr.ind lr, $3  }
0x3a: {  	_ = 	snop  }
0x3b: {  	_ = 	snop  }
0x3c: {  	p2 =	seq.s32 s10, $0x1;
	s10 =	sld [smem:$0x3FAB]  }
0x3d: {  	_ =	shalt  }
0x3e: {  	_ =	shalt  }
0x3f: {  	_ =	shalt  }
0x40: {  	_ =	shalt  }
0x41: {  	_ =	shalt  }
0x42: {  	_ =	shalt  }
0x43: {  	_ =	shalt  }
0x44: {  	_ =	shalt  }
0x45: {  	_ =	shalt  }
0x46: {  	_ =	shalt  }
0x47: {  	_ =	shalt  }
0x48: {  	_ =	shalt  }
0x49: {  	_ =	shalt  }
0x4a: {  	_ =	shalt  }
0x4b: {  	_ =	shalt  }
0x4c: {  	_ =	shalt  }
0x4d: {  	_ =	shalt  }
0x4e: {  	_ =	shalt  }
0x4f: {  	_ =	shalt  }
0x50: {  	_ =	shalt  }
0x51: {  	_ =	shalt  }
0x52: {  	_ =	shalt  }
0x53: {  	_ =	shalt  }
0x54: {  	_ =	shalt  }
0x55: {  	_ =	shalt  }
0x56: {  	_ =	shalt  }
0x57: {  	_ =	shalt  }
0x58: {  	_ =	shalt  }
0x59: {  	_ =	shalt  }
0x5a: {  	_ =	shalt  }
0x5b: {  	_ =	shalt  }
0x5c: {  	_ =	shalt  }
0x5d: {  	_ =	shalt  }
0x5e: {  	_ =	shalt  }
0x5f: {  	_ =	shalt  }
0x60: {  	_ =	shalt  }
0x61: {  	_ =	shalt  }
0x62: {  	_ =	shalt  }
0x63: {  	_ =	shalt  }
0x64: {  	_ =	shalt  }
0x65: {  	_ =	shalt  }
0x66: {  	_ =	shalt  }
0x67: {  	_ =	shalt  }
0x68: {  	_ =	shalt  }
0x69: {  	_ =	shalt  }
0x6a: {  	_ =	shalt  }
0x6b: {  	_ =	shalt  }
0x6c: {  	_ =	shalt  }
0x6d: {  	_ =	shalt  }
0x6e: {  	_ =	shalt  }
0x6f: {  	_ =	shalt  }
0x70: {  	_ =	shalt  }
0x71: {  	_ =	shalt  }
0x72: {  	_ =	shalt  }
0x73: {  	_ =	shalt  }
0x74: {  	_ =	shalt  }
0x75: {  	_ =	shalt  }
0x76: {  	_ =	shalt  }
0x77: {  	_ =	shalt  }
0x78: {  	_ =	shalt  }
0x79: {  	_ =	shalt  }
0x7a: {  	_ =	shalt  }
0x7b: {  	_ =	shalt  }
0x7c: {  	_ =	shalt  }
0x7d: {  	_ =	shalt  }
0x7e: {  	_ =	shalt  }
0x7f: {  	_ =	shalt  }
0x80: {  	_ =	shalt  }
0x81: {  	_ =	shalt  }
0x82: {  	_ =	shalt  }
0x83: {  	_ =	shalt  }
0x84: {  	_ =	shalt  }
0x85: {  	_ =	shalt  }
0x86: {  	_ =	shalt  }
0x87: {  	_ =	shalt  }
.Lfunc_end0:
.L_simem_size_0:
called_computation.2_lowered:
.L_overlay_start_0:
0x88: {  	s2 =	sld [smem:$0x3FD9]  }
0x89: {  	s3 =	sld [smem:$0x3FFE];
	_ =	sdelay $0x1  }
0x8a: {  	s1 =	srdreg.scid  }
0x8b: {  	s0 =	sand.u32 $0x1, s1  }
0x8c: {  	s17 =	sshll.u32 s0, $0xA;
	s2 =	sadd.s32 s3, s2  }
0x8d: {  	s2 =	sadd.s32 s2, s17  }
0x8e: {  	[smem:$0x3FB7] =	sst s2  }
0x8f: {  	_ = 	snop  }
0x90: {  	(tm) =	ssettm $0x1  }
0x91: {  	s18 =	sld [smem:$0x3FFB];
	_ =	sdelay $0x3  }
0x92: {  	_ =	strace s18  }
0x93: {  	s2 =	sld [smem:$0x3FFC];
	_ =	sdelay $0x3  }
0x94: {  	_ =	strace s2  }
0x95: {  	s2 =	sld [smem:$0x3FFD];
	_ =	sdelay $0x3  }
0x96: {  	_ =	strace s2  }
0x97: {  	_ =	strace $0x8FFFFFFF  }
0x98: {  	s19 =	sld [smem:$0x3FDB];
	_ =	sdelay $0x1  }
0x99: {  	s20 =	simm.s32 $_scs_section_size  }
0x9a: {  	s4 =	simm.s32 $_size__tile_overlayer_lowered;
	s5 =	simm.s32 $_tile_overlayer_lowered  }
0x9b: {  	s6 =	simm.s32 $0x1BFF;
	s21 =	sshll.u32 s5, $0x1;
	s3 =	sadd.s32 s20, s19  }
0x9c: {  	s22 =	simm.s32 $0x0;
	s4 =	sshll.u32 s4, $0x1;
	s5 =	sadd.s32 s21, s3  }
0x9d: {  	[timem:s22], [sflag:s6] =	dma.local [hbm:s5], s4  }
0x9e: {  	_ =	swait.ge [sflag:s6], s4  }
0x9f: {  	s4 =	ssub.s32 $0x0, s4;
	[sflag:s6] =	ssyncset.done $0x0  }
0xa0: {  	[sflag:s6] =	ssyncadd.s32 s4;
	_ =	sdelay $0x1  }
0xa1: {  	s23 =	simm.s32 $0x1B8B  }
0xa2: {  	_ =	swait.ge [sflag:s23], $0x1  }
0xa3: {  	[sflag:s23] =	ssyncset.done $0x0  }
0xa4: {  	[sflag:s23] =	ssyncadd.s32 $0xFFFFFFFF  }
0xa5: {  	s4 =	sld [smem:$0x0]  }
0xa6: {  	s5 =	sand.u32 $0xFFFFFFFE, s1  }
0xa7: {  	p0 =	sne.s32 s1, s5  }
0xa8: {  	s5 =	sshll.u32 @p0 s5, $0xE  }
0xa9: {  	s5 =	sadd.s32 @p0 $0x11B8D, s5;
	s6 =	sshll.u32 @p0 s4, $0x11  }
0xaa: {  	s5 =	sor.u32 @p0 s6, s5  }
0xab: {  	[sflag:s5] =	ssyncadd.remote.s32 @p0 $0x1;
	_ =	sdelay $0x1  }
0xac: {  	s5 =	simm.s32 @p0 $0x1B8D  }
0xad: {  	_ =	swait.eq @p0 [sflag:s5], $0x1  }
0xae: {  	[sflag:s5] =	ssyncadd.s32 @p0 $0xFFFFFFFF  }
0xaf: {  	s6 =	sshll.u32 @!p0 s1, $0xE  }
0xb0: {  	s6 =	sor.u32 @!p0 $0x4000, s6;
	s5 =	simm.s32 @!p0 $0x1B8D  }
0xb1: {  	s4 =	sshll.u32 @!p0 s4, $0x11;
	s6 =	sadd.s32 @!p0 $0x11B8D, s6;
	_ =	swait.eq @!p0 [sflag:s5], $0x1  }
0xb2: {  	s4 =	sor.u32 @!p0 s4, s6;
	[sflag:s5] =	ssyncadd.s32 @!p0 $0xFFFFFFFF  }
0xb3: {  	s25 =	simm.s32 $0x1B8E;
	s24 =	sld [smem:$0x3FFE];
	[sflag:s4] =	ssyncadd.remote.s32 @!p0 $0x1  }
0xb4: {  	s26 =	simm.s32 $execute0_lowered;
	[smem:$0x3FD2] =	sst s25  }
0xb5: {  	s5 =	sshll.u32 s26, $0x1;
	_ =	strace $0x8000004C;
	[dreg:$0x1] =	wrdreg $0xFFFFFFFF  }
0xb6: {  	s28 =	simm.s32 $_size_execute0_lowered;
	s3 =	sadd.s32 s3, s5;
	[dreg:$0x0] =	wrdreg $0x0  }
0xb7: {  	s5 =	sshll.u32 s28, $0x1;
	[dreg:$0x2] =	wrdreg s3  }
0xb8: {  	[dreg:$0x3] =	wrdreg s5  }
0xb9: {  	[dreg:$0x4] =	wrdreg $0xC0  }
0xba: {  	_ =	task [dreg:s22], $0x5FFFF  }
0xbb: {  	[dreg:$0x1] =	wrdreg $0xFFFFFFFF  }
0xbc: {  	[dreg:$0x0] =	wrdreg $0x60  }
0xbd: {  	[dreg:$0x2] =	wrdreg s24  }
0xbe: {  	[dreg:$0x3] =	wrdreg $0xB  }
0xbf: {  	_ =	task.clear_ibuf [dreg:s22], $0x4FFFF;
	_ =	strace $0x9000004C  }
0xc0: {  	s29 =	simm.s32 $0xB;
	_ =	strace $0x8000004E  }
0xc1: {  	_ =	swait.ge [sflag:s29], $0x1  }
0xc2: {  	[sflag:s29] =	ssyncadd.s32 $0xFFFFFFFF  }
0xc3: {  	_ =	strace $0x9000004E  }
0xc4: {  	_ =	sfence  }
0xc5: {  	s30 =	sld [smem:$0x0];
	_ =	sdelay $0x2  }
0xc6: {  	s31 =	sshll.u32 s1, $0xD;
	s1 =	sshrl.u32 s1, $0x2  }
0xc7: {  	s4 =	sand.u32 $0x4000, s31;
	s1 =	sadd.s32 s1, s30  }
0xc8: {  	s0 =	sor.u32 s4, s0;
	s1 =	sshll.u32 s1, $0x11  }
0xc9: {  	s0 =	sor.u32 s1, s0  }
0xca: {  	s0 =	sadd.s32 $0x8F2B, s0  }
0xcb: {  	[sflag:s0] =	ssyncadd.remote.s32 $0x1  }
0xcc: {  	_ =	sfence.sel $0xFFFF  }
0xcd: {  	[dreg:$0x0] =	wrdreg $0xFFFFFFFF;
	(pc) =	sbr.abs _section_cstart, $3  }
0xce: {  	[dreg:$0x1] =	wrdreg $0xFFFFFFFF  }
0xcf: {  	_ =	task.clear_ibuf [dreg:s22], $0x2FFFF;
	_ =	strace $0x9FFFFFFF  }
0xd0: {  	(tm) =	ssettm $0x7FFFFFFF  }
0xd1: {  	_ =	shalt  }
tec
execute0_lowered:
.L_overlay_start_1:
0x0: {  	(tag) =	ssettag $0x1  }
0x1: {  	s7 =	rddreg [dreg:$0x0]  }
0x2: {  	s0 =	rddreg [dreg:$0x1];
	_ =	strace $0x8000004D  }
0x3: {  	s1 =	srdreg.scid;
	s4 =	simm.s32 $0x1;
	s9 =	simm.s32 $0x3  }
0x4: {  	s11 =	simm.s32 $0x0;
	p0 =	por $0x0, $0x0;
	s5 =	sshll.u32 s1, $0x4  }
.Ltmp0:
0x5: {  	s1 =	stileid.u32;
	s5 =	sand.u32 $0x10, s5;
	(pc) =	sbr.rel .LBB2_1-.Ltmp0, $4  }
0x6: {  	s2 =	sadd.s32 $0x50F800, s7;
	s3 =	sadd.s32 $0x197200, s7;
	s6 =	sor.u32 s1, s5  }
0x7: {  	[sflag:s4] =	ssyncpa.u1 $0x0;
	s5 =	simm.s32 $0x2;
	s6 =	sshll.u32 s6, $0xB  }
0x8: {  	s7 =	sadd.s32 $0x60F800, s7;
	[sflag:s5] =	ssyncpa.u1 $0x0;
	s8 =	sadd.s32 $0x800, s6  }
0x9: {  	vm0 =	vmmov $0xff;
	vm1 =	vcmask $0x3F20;
	[sflag:s9] =	ssyncpa.u1 $0x0;
	s10 =	smov.u32 s6;
	s9 =	simm.s32 $0x0  }
.LBB2_7:
0xa: {  	p1 =	slt.u32 s9, $0x2;
	s11 =	sadd.s32 $0x100, s10  }
0xb: {  	s13 =	smov.u32 s6;
	s9 =	sadd.s32 $0x1, s9;
	p2 =	slt.s32 s11, s8  }
0xc: {  	s13 =	smov.u32 @p2 s11;
	p2 =	sne.s32 s9, $0xA  }
.Ltmp1:
0xd: {  	_ = 	snop;
	(pc) =	sbr.rel @!p2 .LBB2_8-.Ltmp1, $4  }
0xe: {  	s12 =	simm.s32 @!p1 $0x3  }
0xf: {  	_ =	swait.ge @!p1 [sflag:s12], $0x8000  }
0x10: {  	p0 =	por !p0, !p0;
	[sflag:s12] =	ssyncset.done @!p1 $0x0  }
0x11: {  	s11 =	smov.u32 s10;
	s10 =	smov.u32 s13;
	[sflag:s12] =	ssyncadd.s32 @!p1 $0xFFFF8000  }
.LBB2_1:
0x12: {  	p1 =	sgt.u32 s9, $0x7  }
0x13: {  	s12 =	sxor.u32 @!p1 $0xFFFFFFFF, s9  }
0x14: {  	s13 =	sshrl.u32 @!p1 s10, $0x3;
	s12 =	sshll.u32 @!p1 s12, $0x8  }
0x15: {  	s14 =	sand.u32 @!p1 $0x7, s10;
	s13 =	sadd.s32 @!p1 s3, s13;
	s12 =	sand.u32 @!p1 $0x100, s12  }
0x16: {  	[tilespmem:s12], [sflag:$0x2] =	stream.linear.gather @!p1 [hbm4b:s13+s14], $0x100, $0x38;
	[tilespmem:$0x10200] =	vst v63  }
0x17: {  	p1 =	seq.s32 s9, $0x0  }
0x18: {  	p2 =	seq.s32 @!p1 s9, $0x9  }
0x19: {  	p1 =	por p1, p2  }
.Ltmp2:
0x1a: {  	_ = 	snop;
	(pc) =	sbr.rel @p1 .LBB2_7-.Ltmp2, $1  }
0x1b: {  	_ =	sdelay $0x3  }
0x1c: {  	s12 =	simm.s32 $0x1  }
0x1d: {  	_ =	swait.ge [sflag:s5], $0x100;
	s12 =	simm.s32 @!p0 $0x0  }
0x1e: {  	[sflag:s5] =	ssyncset.done $0x0;
	s14 =	sshll.u32 s12, $0x8  }
0x1f: {  	[sflag:s5] =	ssyncadd.s32 $0xFFFFFF00;
	s13 =	sadd.s32 $0x0, s14  }
0x20: {  	v0 =	vld.msk [tilespmem:s13+$0x0 ss:$0x1], $0xffff;
	_ =	sdelay $0x4  }
0x21: {  	vm2 =	veq.s32 v0, $0x80000000  }
0x22: {  	v1 =	vshll.u32 v0, $0x15;
	v2 =	vshll.u32 v0, $0x11;
	v0 =	vshll.u32 v0, $0x3  }
0x23: {  	v1 =	vand.u32 $0x600000, v1;
	v2 =	vand.u32 $0x180000, v2;
	v0 =	vand.u32 $0x7FF80, v0  }
0x24: {  	v1 =	vor.u32 v2, v1;
	v0 =	vsel vm2, $0xFFFFFF80, v0  }
0x25: {  	v1 =	vsel vm2, $0xFFD80000, v1;
	v2 =	vand.u32 $0xFFFFFC00, v0  }
0x26: {  	v0 =	vand.u32 $0x380, v0;
	v1 =	vadd.s32 v2, v1  }
0x27: {  	v0 =	vor.u32 v0, v1  }
0x28: {  	v0 =	vshrl.u32 v0, $0x3;
	_ =	sdelay $0x2  }
0x29: {  	s12 =	sshll.u32 s12, $0xF  }
0x2a: {  	s12 =	sor.u32 $0x200, s12  }
0x2b: {  	[tilespmem:s12], [sflag:$0x1] =	stream.indirect_vreg.gather [hbm:s2], $0x80, v0, vm0, $0x38;
	[tilespmem:$0x10200] =	vst v63  }
0x2c: {  	s15 =	sadd.s32 $0x10, s14;
	s13 =	sadd.s32 $0x400, s12  }
0x2d: {  	[tilespmem:s13], [sflag:$0x1] =	stream.indirect_vreg.gather [hbm:s2], $0x80, v0, vm1, $0x38;
	[tilespmem:$0x10200] =	vst v63  }
0x2e: {  	s16 =	simm.s32 $0x80;
	v0 =	vld.msk [tilespmem:s15+$0x0 ss:$0x1], $0xffff;
	s15 =	smov.u32 s12  }
.LBB2_3:
0x2f: {  	p1 =	sne.s32 s16, $0x3C0;
	_ =	sdelay $0x4  }
0x30: {  	vm2 =	veq.s32 v0, $0x80000000  }
0x31: {  	v1 =	vshll.u32 v0, $0x15;
	v2 =	vshll.u32 v0, $0x11;
	v0 =	vshll.u32 v0, $0x3  }
0x32: {  	v1 =	vand.u32 $0x600000, v1;
	v2 =	vand.u32 $0x180000, v2;
	v0 =	vand.u32 $0x7FF80, v0  }
0x33: {  	v1 =	vor.u32 v2, v1;
	v0 =	vsel vm2, $0xFFFFFF80, v0  }
0x34: {  	v1 =	vsel vm2, $0xFFD80000, v1;
	v2 =	vand.u32 $0xFFFFFC00, v0  }
0x35: {  	v0 =	vand.u32 $0x380, v0;
	v1 =	vadd.s32 v2, v1  }
0x36: {  	v0 =	vor.u32 v0, v1  }
0x37: {  	v0 =	vshrl.u32 v0, $0x3;
	_ =	sdelay $0x3  }
.Ltmp3:
0x38: {  	s17 =	sshra.s32 s16, $0x2;
	s15 =	sadd.s32 $0x800, s15;
	(pc) =	sbr.rel @p1 .LBB2_3-.Ltmp3, $4  }
0x39: {  	[tilespmem:s15], [sflag:$0x1] =	stream.indirect_vreg.gather [hbm:s2], $0x80, v0, vm0, $0x38;
	[tilespmem:$0x10200] =	vst v63  }
0x3a: {  	s17 =	sadd.s32 s17, s14;
	s18 =	sadd.s32 $0x400, s15  }
0x3b: {  	[tilespmem:s18], [sflag:$0x1] =	stream.indirect_vreg.gather [hbm:s2], $0x80, v0, vm1, $0x38;
	[tilespmem:$0x10200] =	vst v63  }
0x3c: {  	s16 =	sadd.s32 $0x40, s16;
	v0 =	vld.msk [tilespmem:s17+$0x0 ss:$0x1], $0xffff  }
0x3d: {  	_ =	sdelay $0x3  }
0x3e: {  	vm2 =	veq.s32 v0, $0x80000000  }
0x3f: {  	v1 =	vshll.u32 v0, $0x15;
	v2 =	vshll.u32 v0, $0x11;
	v62 =	vshll.u32 v0, $0x3  }
0x40: {  	v1 =	vand.u32 $0x600000, v1;
	v2 =	vand.u32 $0x180000, v2;
	v0 =	vand.u32 $0x7FF80, v62  }
0x41: {  	v1 =	vor.u32 v2, v1;
	v0 =	vsel vm2, $0xFFFFFF80, v0  }
0x42: {  	v1 =	vsel vm2, $0xFFD80000, v1;
	v63 =	vand.u32 $0xFFFFFC00, v0  }
0x43: {  	v0 =	vand.u32 $0x380, v0;
	v1 =	vadd.s32 v63, v1  }
0x44: {  	v0 =	vor.u32 v0, v1  }
0x45: {  	v0 =	vshrl.u32 v0, $0x3;
	_ =	sdelay $0x3  }
0x46: {  	s14 =	sadd.s32 $0x800, s15  }
0x47: {  	[tilespmem:s14], [sflag:$0x1] =	stream.indirect_vreg.gather [hbm:s2], $0x80, v0, vm0, $0x38;
	[tilespmem:$0x10200] =	vst v63  }
0x48: {  	s14 =	sadd.s32 $0x400, s14  }
0x49: {  	[tilespmem:s14], [sflag:$0x1] =	stream.indirect_vreg.gather [hbm:s2], $0x80, v0, vm1, $0x38;
	[tilespmem:$0x10200] =	vst v63  }
0x4a: {  	s11 =	sshll.u32 s11, $0x4;
	_ =	swait.ge [sflag:s4], $0x8000  }
0x4b: {  	s11 =	sadd.s32 s11, s7;
	[sflag:s4] =	ssyncset.done $0x0  }
0x4c: {  	s15 =	sadd.s32 $0x0, s11;
	s14 =	simm.s32 $0x80;
	[sflag:s4] =	ssyncadd.s32 $0xFFFF8000  }
.LBB2_5:
0x4d: {  	[hbm:s15] =	stream.linear.scatter [tilespmem:s12], [sflag:$0x3], $0x400, $0x38;
	[tilespmem:$0x10200] =	vst v63  }
0x4e: {  	s15 =	smov.u32 s14;
	s12 =	smov.u32 s13;
	p1 =	sne.s32 s14, $0xF80  }
.Ltmp4:
0x4f: {  	s14 =	sadd.s32 $0x80, s14;
	(pc) =	sbr.rel @p1 .LBB2_5-.Ltmp4, $2  }
0x50: {  	_ =	sdelay $0x2  }
0x51: {  	s13 =	sadd.s32 $0x400, s13;
	s15 =	sadd.s32 s15, s11  }
.Ltmp5:
0x52: {  	(pc) =	sbr.rel .LBB2_7-.Ltmp5, $2  }
0x53: {  	_ =	sdelay $0x2  }
0x54: {  	[hbm:s15] =	stream.linear.scatter [tilespmem:s12], [sflag:$0x3], $0x400, $0x38;
	[tilespmem:$0x10200] =	vst v63  }
.LBB2_8:
0x55: {  	_ =	sfence.sel $0x180000  }
0x56: {  	s2 =	simm.s32 $0x2;
	[bflag:$0x0] =	sbarrier.arrive $0xFFFF  }
0x57: {  	s30 =	simm.s32 $0x3;
	[sflag:s2] =	ssyncpa.u1 $0x1  }
0x58: {  	s31 =	simm.s32 $0x1;
	[sflag:s30] =	ssyncpa.u1 $0x1  }
0x59: {  	[sflag:s31] =	ssyncpa.u1 $0x1  }
0x5a: {  	p0 =	sne.s32 s1, $0x0;
	_ =	strace $0x9000004D  }
0x5b: {  	s0 =	sadd.s32 @!p0 $0x100000, s0;
	[bflag:$0x2] =	sbarrier.arrive $0xFFFF  }
0x5c: {  	[sflag:s0] =	ssyncadd.tile.s32 @!p0 $0x1;
	_ =	shalt  }
.Lfunc_end2:
_tile_overlayer_lowered:
.L_overlay_start_2:
0x5d: {  	(tag) =	ssettag $0x2  }
0x5e: {  	s0 =	rddreg [dreg:$0x0];
	s2 =	stileid.u32  }
0x5f: {  	s1 =	rddreg [dreg:$0x1];
	p0 =	sne.s32 s2, $0x0  }
0x60: {  	s3 =	rddreg [dreg:$0x2];
	[bflag:$0x3] =	sbarrier.arrive $0xFFFF;
	s2 =	simm.s32 @!p0 $0x1C01  }
0x61: {  	[timem:s3], [sflag:s2] =	dma.local @!p0 [hbm:s0], s1  }
0x62: {  	s0 =	simm.s32 @!p0 $0x1  }
0x63: {  	_ =	swait.ge @!p0 [sflag:s0], s1  }
0x64: {  	s1 =	ssub.s32 @!p0 $0x0, s1;
	[sflag:s0] =	ssyncset.done @!p0 $0x0  }
0x65: {  	[sflag:s0] =	ssyncadd.s32 @!p0 s1  }
0x66: {  	[bflag:$0x3] =	sbarrier.arrive $0xFFFF  }
0x67: {  	_ =	shalt  }

// kernel: gather_offload_async_start.3
scs
__scs_entry_jumppad:
0x0: {  	(pc) =	sbr.rel $0x88, $3  }
0x1: {  	(tag) =	ssettag $0x0;
	lr =	simm.s32 $0x1  }
0x2: {  	[smem:$0x3F90] =	sst lr;
	_ =	strace $0xD0000000  }
0x3: {  	_ = 	snop  }
0x4: {  	_ = 	snop  }
0x5: {  	_ = 	snop  }
0x6: {  	_ = 	snop  }
0x7: {  	_ = 	snop  }
__scs_overlays_trampoline_lowered:
0x8: {  	[smem:$0x3F9F] =	sst s0  }
0x9: {  	[smem:$0x3FA0] =	sst s1  }
0xa: {  	[smem:$0x3FA1] =	sst s2  }
0xb: {  	[smem:$0x3FA2] =	sst s3  }
0xc: {  	[smem:$0x3FA3] =	sst s4  }
0xd: {  	[smem:$0x3FA4] =	sst s5  }
0xe: {  	[smem:$0x3FA5] =	sst s6  }
0xf: {  	[smem:$0x3FA6] =	sst s7  }
0x10: {  	[smem:$0x3FA7] =	sst s8  }
0x11: {  	[smem:$0x3FA8] =	sst s9;
	s0 =	simm.s32 @!p0 $0x0  }
0x12: {  	s1 =	sld [smem:$0x3F8E];
	s0 =	simm.s32 @p0 $0x1  }
0x13: {  	[smem:$0x3FA9] =	sst s0;
	s0 =	simm.s32 @!p1 $0x0  }
0x14: {  	s2 =	sld [smem:$0x3F8D];
	s0 =	simm.s32 @p1 $0x1  }
0x15: {  	[smem:$0x3FAA] =	sst s0;
	s0 =	simm.s32 @!p2 $0x0  }
0x16: {  	s3 =	sld [smem:$0x3FDB];
	s0 =	simm.s32 @p2 $0x1  }
0x17: {  	s4 =	simm.s32 $0x1BF5;
	[smem:$0x3FAC] =	sst s0  }
0x18: {  	s0 =	sld [smem:$0x3F8F];
	_ =	swait.ge [sflag:s4], $0x0  }
0x19: {  	s7 =	sld [smem:$0x3F90]  }
0x1a: {  	s8 =	sadd.s32 $0xFFFFE003, lr  }
0x1b: {  	s9 =	sadd.s32 $0xFFFFFEF7, lr;
	s5 =	simm.s32 $0xFFFFFFFF;
	p2 =	slt.u32 s8, $0xFFFFF086  }
0x1c: {  	p1 =	slt.u32 s9, $0xF7A;
	s5 =	simm.s32 @!p2 $0x0  }
0x1d: {  	s5 =	simm.s32 @p1 $0x1;
	p0 =	seq.s32 s7, s2  }
0x1e: {  	s7 =	smul.u32 @!p0 $0xF7A, s2;
	p2 =	seq.s32 @!p0 s5, $0x0  }
0x1f: {  	s9 =	smul.u32 $0xF7A, s1;
	s8 =	simm.s32 @!p0 $0x1BF5;
	p2 =	por !p2, p0  }
0x20: {  	[sflag:s8] =	ssyncset.s32 @!p0 $0xFFFFF086;
	s6 =	sadd.s32 @!p0 s3, s7;
	s7 =	simm.s32 @!p0 $0x108  }
0x21: {  	s3 =	sadd.s32 s3, s9;
	s6 =	sadd.s32 @!p0 $0x88, s6;
	s7 =	simm.s32 @p2 $0x1082  }
0x22: {  	[simem:s7], [sflag:s8] =	dma.local @!p0 [hbm:s6], $0xF7A  }
0x23: {  	s9 =	sor.u32 $0xD0000000, s2;
	s6 =	simm.s32 $0x108;
	_ =	swait.ge @!p0 [sflag:s8], $0x0  }
0x24: {  	s3 =	sadd.s32 $0x88, s3;
	s6 =	simm.s32 @!p1 $0x1082;
	[sflag:s4] =	ssyncset.s32 $0xFFFFF086  }
0x25: {  	[simem:s6], [sflag:s4] =	dma.local [hbm:s3], $0xF7A  }
0x26: {  	[smem:$0x3F90] =	sst s1;
	(tag) =	ssettag s2;
	_ =	strace s9  }
0x27: {  	s1 =	sld [smem:$0x3FA0]  }
0x28: {  	s2 =	sld [smem:$0x3FA1]  }
0x29: {  	s4 =	sld [smem:$0x3FA3]  }
0x2a: {  	p0 =	seq.s32 s5, $0x0;
	s5 =	sld [smem:$0x3FA4]  }
0x2b: {  	s6 =	sld [smem:$0x3FA5]  }
0x2c: {  	s7 =	sld [smem:$0x3FA6]  }
0x2d: {  	s3 =	simm.s32 $0x108;
	s8 =	sld [smem:$0x3FA7]  }
0x2e: {  	s3 =	simm.s32 @!p0 $0x1082;
	s9 =	sld [smem:$0x3FA8]  }
0x2f: {  	lr =	sadd.s32 s0, s3;
	s0 =	sld [smem:$0x3F9F]  }
0x30: {  	s3 =	sld [smem:$0x3FA2]  }
0x31: {  	[smem:$0x3FAB] =	sst s10  }
0x32: {  	s10 =	sld [smem:$0x3FA9];
	_ =	sdelay $0x3  }
0x33: {  	p0 =	seq.s32 s10, $0x1;
	s10 =	sld [smem:$0x3FAB];
	_ =	sdelay $0x3  }
0x34: {  	[smem:$0x3FAB] =	sst s10  }
0x35: {  	s10 =	sld [smem:$0x3FAA];
	_ =	sdelay $0x3  }
0x36: {  	p1 =	seq.s32 s10, $0x1;
	s10 =	sld [smem:$0x3FAB];
	_ =	sdelay $0x3  }
0x37: {  	[smem:$0x3FAB] =	sst s10  }
0x38: {  	s10 =	sld [smem:$0x3FAC]  }
0x39: {  	_ = 	snop;
	(pc) =	sbr.ind lr, $3  }
0x3a: {  	_ = 	snop  }
0x3b: {  	_ = 	snop  }
0x3c: {  	p2 =	seq.s32 s10, $0x1;
	s10 =	sld [smem:$0x3FAB]  }
0x3d: {  	_ =	shalt  }
0x3e: {  	_ =	shalt  }
0x3f: {  	_ =	shalt  }
0x40: {  	_ =	shalt  }
0x41: {  	_ =	shalt  }
0x42: {  	_ =	shalt  }
0x43: {  	_ =	shalt  }
0x44: {  	_ =	shalt  }
0x45: {  	_ =	shalt  }
0x46: {  	_ =	shalt  }
0x47: {  	_ =	shalt  }
0x48: {  	_ =	shalt  }
0x49: {  	_ =	shalt  }
0x4a: {  	_ =	shalt  }
0x4b: {  	_ =	shalt  }
0x4c: {  	_ =	shalt  }
0x4d: {  	_ =	shalt  }
0x4e: {  	_ =	shalt  }
0x4f: {  	_ =	shalt  }
0x50: {  	_ =	shalt  }
0x51: {  	_ =	shalt  }
0x52: {  	_ =	shalt  }
0x53: {  	_ =	shalt  }
0x54: {  	_ =	shalt  }
0x55: {  	_ =	shalt  }
0x56: {  	_ =	shalt  }
0x57: {  	_ =	shalt  }
0x58: {  	_ =	shalt  }
0x59: {  	_ =	shalt  }
0x5a: {  	_ =	shalt  }
0x5b: {  	_ =	shalt  }
0x5c: {  	_ =	shalt  }
0x5d: {  	_ =	shalt  }
0x5e: {  	_ =	shalt  }
0x5f: {  	_ =	shalt  }
0x60: {  	_ =	shalt  }
0x61: {  	_ =	shalt  }
0x62: {  	_ =	shalt  }
0x63: {  	_ =	shalt  }
0x64: {  	_ =	shalt  }
0x65: {  	_ =	shalt  }
0x66: {  	_ =	shalt  }
0x67: {  	_ =	shalt  }
0x68: {  	_ =	shalt  }
0x69: {  	_ =	shalt  }
0x6a: {  	_ =	shalt  }
0x6b: {  	_ =	shalt  }
0x6c: {  	_ =	shalt  }
0x6d: {  	_ =	shalt  }
0x6e: {  	_ =	shalt  }
0x6f: {  	_ =	shalt  }
0x70: {  	_ =	shalt  }
0x71: {  	_ =	shalt  }
0x72: {  	_ =	shalt  }
0x73: {  	_ =	shalt  }
0x74: {  	_ =	shalt  }
0x75: {  	_ =	shalt  }
0x76: {  	_ =	shalt  }
0x77: {  	_ =	shalt  }
0x78: {  	_ =	shalt  }
0x79: {  	_ =	shalt  }
0x7a: {  	_ =	shalt  }
0x7b: {  	_ =	shalt  }
0x7c: {  	_ =	shalt  }
0x7d: {  	_ =	shalt  }
0x7e: {  	_ =	shalt  }
0x7f: {  	_ =	shalt  }
0x80: {  	_ =	shalt  }
0x81: {  	_ =	shalt  }
0x82: {  	_ =	shalt  }
0x83: {  	_ =	shalt  }
0x84: {  	_ =	shalt  }
0x85: {  	_ =	shalt  }
0x86: {  	_ =	shalt  }
0x87: {  	_ =	shalt  }
.Lfunc_end0:
.L_simem_size_0:
called_computation.3_lowered:
.L_overlay_start_0:
0x88: {  	s2 =	sld [smem:$0x3FD9]  }
0x89: {  	s3 =	sld [smem:$0x3FFE];
	_ =	sdelay $0x1  }
0x8a: {  	s1 =	srdreg.scid  }
0x8b: {  	s0 =	sand.u32 $0x1, s1  }
0x8c: {  	s16 =	sshll.u32 s0, $0xA;
	s2 =	sadd.s32 s3, s2  }
0x8d: {  	s2 =	sadd.s32 s2, s16  }
0x8e: {  	[smem:$0x3FB7] =	sst s2  }
0x8f: {  	_ = 	snop  }
0x90: {  	(tm) =	ssettm $0x1  }
0x91: {  	s17 =	sld [smem:$0x3FFB];
	_ =	sdelay $0x3  }
0x92: {  	_ =	strace s17  }
0x93: {  	s2 =	sld [smem:$0x3FFC];
	_ =	sdelay $0x3  }
0x94: {  	_ =	strace s2  }
0x95: {  	s2 =	sld [smem:$0x3FFD];
	_ =	sdelay $0x3  }
0x96: {  	_ =	strace s2  }
0x97: {  	_ =	strace $0x8FFFFFFF  }
0x98: {  	s18 =	sld [smem:$0x3FDB];
	_ =	sdelay $0x1  }
0x99: {  	s19 =	simm.s32 $_scs_section_size  }
0x9a: {  	s4 =	simm.s32 $_size__tile_overlayer_lowered;
	s5 =	simm.s32 $_tile_overlayer_lowered  }
0x9b: {  	s22 =	simm.s32 $0x1BFF;
	s21 =	sshll.u32 s5, $0x1;
	s2 =	sadd.s32 s19, s18  }
0x9c: {  	s6 =	simm.s32 $0x0;
	s20 =	sshll.u32 s4, $0x1;
	s4 =	sadd.s32 s21, s2  }
0x9d: {  	[timem:s6], [sflag:s22] =	dma.local [hbm:s4], s20  }
0x9e: {  	_ =	swait.ge [sflag:s22], s20  }
0x9f: {  	s3 =	ssub.s32 $0x0, s20;
	[sflag:s22] =	ssyncset.done $0x0  }
0xa0: {  	[sflag:s22] =	ssyncadd.s32 s3;
	_ =	sdelay $0x1  }
0xa1: {  	s23 =	simm.s32 $0x1B8B  }
0xa2: {  	_ =	swait.ge [sflag:s23], $0x1  }
0xa3: {  	[sflag:s23] =	ssyncset.done $0x0  }
0xa4: {  	s25 =	simm.s32 $0x1B8E;
	s24 =	sld [smem:$0x3FFE];
	[sflag:s23] =	ssyncadd.s32 $0xFFFFFFFF  }
0xa5: {  	s26 =	simm.s32 $execute0_lowered;
	[smem:$0x3FD2] =	sst s25  }
0xa6: {  	s4 =	sshll.u32 s26, $0x1;
	_ =	strace $0x8000004F;
	[dreg:$0x1] =	wrdreg $0xFFFFFFFF  }
0xa7: {  	s28 =	simm.s32 $_size_execute0_lowered;
	s2 =	sadd.s32 s2, s4;
	[dreg:$0x0] =	wrdreg $0x0  }
0xa8: {  	s4 =	sshll.u32 s28, $0x1;
	[dreg:$0x2] =	wrdreg s2  }
0xa9: {  	[dreg:$0x3] =	wrdreg s4  }
0xaa: {  	[dreg:$0x4] =	wrdreg $0xC0  }
0xab: {  	_ =	task [dreg:s6], $0x5FFFF  }
0xac: {  	[dreg:$0x1] =	wrdreg $0xFFFFFFFF  }
0xad: {  	[dreg:$0x0] =	wrdreg $0x60  }
0xae: {  	[dreg:$0x2] =	wrdreg s24  }
0xaf: {  	[dreg:$0x3] =	wrdreg $0x9  }
0xb0: {  	_ =	task.clear_ibuf [dreg:s6], $0x4FFFF;
	_ =	strace $0x9000004F  }
0xb1: {  	s29 =	simm.s32 $0x9;
	_ =	strace $0x80000051  }
0xb2: {  	_ =	swait.ge [sflag:s29], $0x1  }
0xb3: {  	[sflag:s29] =	ssyncadd.s32 $0xFFFFFFFF  }
0xb4: {  	_ =	strace $0x90000051  }
0xb5: {  	_ =	sfence  }
0xb6: {  	s30 =	sld [smem:$0x0];
	_ =	sdelay $0x2  }
0xb7: {  	s31 =	sshll.u32 s1, $0xD;
	s1 =	sshrl.u32 s1, $0x2  }
0xb8: {  	s3 =	sand.u32 $0x4000, s31;
	s1 =	sadd.s32 s1, s30  }
0xb9: {  	s0 =	sor.u32 s3, s0;
	s1 =	sshll.u32 s1, $0x11  }
0xba: {  	s0 =	sor.u32 s1, s0  }
0xbb: {  	s0 =	sadd.s32 $0x8F2B, s0  }
0xbc: {  	[sflag:s0] =	ssyncadd.remote.s32 $0x1  }
0xbd: {  	_ =	sfence.sel $0xFFFF  }
0xbe: {  	[dreg:$0x0] =	wrdreg $0xFFFFFFFF;
	(pc) =	sbr.abs _section_cstart, $3  }
0xbf: {  	[dreg:$0x1] =	wrdreg $0xFFFFFFFF  }
0xc0: {  	_ =	task.clear_ibuf [dreg:s6], $0x2FFFF;
	_ =	strace $0x9FFFFFFF  }
0xc1: {  	(tm) =	ssettm $0x7FFFFFFF  }
tec
execute0_lowered:
.L_overlay_start_1:
0x0: {  	(tag) =	ssettag $0x1  }
0x1: {  	s7 =	rddreg [dreg:$0x0]  }
0x2: {  	s0 =	rddreg [dreg:$0x1];
	_ =	strace $0x80000050  }
0x3: {  	s1 =	srdreg.scid;
	s4 =	simm.s32 $0x1;
	s9 =	simm.s32 $0x3  }
0x4: {  	s11 =	simm.s32 $0x0;
	p0 =	por $0x0, $0x0;
	s5 =	sshll.u32 s1, $0x4  }
.Ltmp0:
0x5: {  	s1 =	stileid.u32;
	s5 =	sand.u32 $0x10, s5;
	(pc) =	sbr.rel .LBB2_1-.Ltmp0, $4  }
0x6: {  	s2 =	sadd.s32 $0x8E200, s7;
	s3 =	sadd.s32 $0x18E200, s7;
	s6 =	sor.u32 s1, s5  }
0x7: {  	[sflag:s4] =	ssyncpa.u1 $0x0;
	s5 =	simm.s32 $0x2;
	s6 =	sshll.u32 s6, $0xB  }
0x8: {  	s7 =	sadd.s32 $0x19D200, s7;
	[sflag:s5] =	ssyncpa.u1 $0x0;
	s8 =	sadd.s32 $0x800, s6  }
0x9: {  	vm0 =	vmmov $0xff;
	vm1 =	vcmask $0x3F20;
	[sflag:s9] =	ssyncpa.u1 $0x0;
	s10 =	smov.u32 s6;
	s9 =	simm.s32 $0x0  }
.LBB2_7:
0xa: {  	p1 =	slt.u32 s9, $0x2;
	s11 =	sadd.s32 $0x100, s10  }
0xb: {  	s13 =	smov.u32 s6;
	s9 =	sadd.s32 $0x1, s9;
	p2 =	slt.s32 s11, s8  }
0xc: {  	s13 =	smov.u32 @p2 s11;
	p2 =	sne.s32 s9, $0xA  }
.Ltmp1:
0xd: {  	_ = 	snop;
	(pc) =	sbr.rel @!p2 .LBB2_8-.Ltmp1, $4  }
0xe: {  	s12 =	simm.s32 @!p1 $0x3  }
0xf: {  	_ =	swait.ge @!p1 [sflag:s12], $0x8000  }
0x10: {  	p0 =	por !p0, !p0;
	[sflag:s12] =	ssyncset.done @!p1 $0x0  }
0x11: {  	s11 =	smov.u32 s10;
	s10 =	smov.u32 s13;
	[sflag:s12] =	ssyncadd.s32 @!p1 $0xFFFF8000  }
.LBB2_1:
0x12: {  	p1 =	sgt.u32 s9, $0x7  }
0x13: {  	s12 =	sxor.u32 @!p1 $0xFFFFFFFF, s9  }
0x14: {  	s13 =	sshrl.u32 @!p1 s10, $0x3;
	s12 =	sshll.u32 @!p1 s12, $0x8  }
0x15: {  	s14 =	sand.u32 @!p1 $0x7, s10;
	s13 =	sadd.s32 @!p1 s3, s13;
	s12 =	sand.u32 @!p1 $0x100, s12  }
0x16: {  	[tilespmem:s12], [sflag:$0x2] =	stream.linear.gather @!p1 [hbm4b:s13+s14], $0x100, $0x38;
	[tilespmem:$0x10200] =	vst v63  }
0x17: {  	p1 =	seq.s32 s9, $0x0  }
0x18: {  	p2 =	seq.s32 @!p1 s9, $0x9  }
0x19: {  	p1 =	por p1, p2  }
.Ltmp2:
0x1a: {  	_ = 	snop;
	(pc) =	sbr.rel @p1 .LBB2_7-.Ltmp2, $1  }
0x1b: {  	_ =	sdelay $0x3  }
0x1c: {  	s12 =	simm.s32 $0x1  }
0x1d: {  	_ =	swait.ge [sflag:s5], $0x100;
	s12 =	simm.s32 @!p0 $0x0  }
0x1e: {  	[sflag:s5] =	ssyncset.done $0x0;
	s14 =	sshll.u32 s12, $0x8  }
0x1f: {  	[sflag:s5] =	ssyncadd.s32 $0xFFFFFF00;
	s13 =	sadd.s32 $0x0, s14  }
0x20: {  	v0 =	vld.msk [tilespmem:s13+$0x0 ss:$0x1], $0xffff;
	_ =	sdelay $0x4  }
0x21: {  	vm2 =	veq.s32 v0, $0x80000000  }
0x22: {  	v1 =	vshll.u32 v0, $0x15;
	v2 =	vshll.u32 v0, $0x11;
	v0 =	vshll.u32 v0, $0x3  }
0x23: {  	v1 =	vand.u32 $0x600000, v1;
	v2 =	vand.u32 $0x180000, v2;
	v0 =	vand.u32 $0x7FF80, v0  }
0x24: {  	v1 =	vor.u32 v2, v1;
	v0 =	vsel vm2, $0xFFFFFF80, v0  }
0x25: {  	v1 =	vsel vm2, $0xFFD80000, v1;
	v2 =	vand.u32 $0xFFFFFC00, v0  }
0x26: {  	v0 =	vand.u32 $0x380, v0;
	v1 =	vadd.s32 v2, v1  }
0x27: {  	v0 =	vor.u32 v0, v1  }
0x28: {  	v0 =	vshrl.u32 v0, $0x3;
	_ =	sdelay $0x2  }
0x29: {  	s12 =	sshll.u32 s12, $0xF  }
0x2a: {  	s12 =	sor.u32 $0x200, s12  }
0x2b: {  	[tilespmem:s12], [sflag:$0x1] =	stream.indirect_vreg.gather [hbm:s2], $0x80, v0, vm0, $0x38;
	[tilespmem:$0x10200] =	vst v63  }
0x2c: {  	s15 =	sadd.s32 $0x10, s14;
	s13 =	sadd.s32 $0x400, s12  }
0x2d: {  	[tilespmem:s13], [sflag:$0x1] =	stream.indirect_vreg.gather [hbm:s2], $0x80, v0, vm1, $0x38;
	[tilespmem:$0x10200] =	vst v63  }
0x2e: {  	s16 =	simm.s32 $0x80;
	v0 =	vld.msk [tilespmem:s15+$0x0 ss:$0x1], $0xffff;
	s15 =	smov.u32 s12  }
.LBB2_3:
0x2f: {  	p1 =	sne.s32 s16, $0x3C0;
	_ =	sdelay $0x4  }
0x30: {  	vm2 =	veq.s32 v0, $0x80000000  }
0x31: {  	v1 =	vshll.u32 v0, $0x15;
	v2 =	vshll.u32 v0, $0x11;
	v0 =	vshll.u32 v0, $0x3  }
0x32: {  	v1 =	vand.u32 $0x600000, v1;
	v2 =	vand.u32 $0x180000, v2;
	v0 =	vand.u32 $0x7FF80, v0  }
0x33: {  	v1 =	vor.u32 v2, v1;
	v0 =	vsel vm2, $0xFFFFFF80, v0  }
0x34: {  	v1 =	vsel vm2, $0xFFD80000, v1;
	v2 =	vand.u32 $0xFFFFFC00, v0  }
0x35: {  	v0 =	vand.u32 $0x380, v0;
	v1 =	vadd.s32 v2, v1  }
0x36: {  	v0 =	vor.u32 v0, v1  }
0x37: {  	v0 =	vshrl.u32 v0, $0x3;
	_ =	sdelay $0x3  }
.Ltmp3:
0x38: {  	s17 =	sshra.s32 s16, $0x2;
	s15 =	sadd.s32 $0x800, s15;
	(pc) =	sbr.rel @p1 .LBB2_3-.Ltmp3, $4  }
0x39: {  	[tilespmem:s15], [sflag:$0x1] =	stream.indirect_vreg.gather [hbm:s2], $0x80, v0, vm0, $0x38;
	[tilespmem:$0x10200] =	vst v63  }
0x3a: {  	s17 =	sadd.s32 s17, s14;
	s18 =	sadd.s32 $0x400, s15  }
0x3b: {  	[tilespmem:s18], [sflag:$0x1] =	stream.indirect_vreg.gather [hbm:s2], $0x80, v0, vm1, $0x38;
	[tilespmem:$0x10200] =	vst v63  }
0x3c: {  	s16 =	sadd.s32 $0x40, s16;
	v0 =	vld.msk [tilespmem:s17+$0x0 ss:$0x1], $0xffff  }
0x3d: {  	_ =	sdelay $0x3  }
0x3e: {  	vm2 =	veq.s32 v0, $0x80000000  }
0x3f: {  	v1 =	vshll.u32 v0, $0x15;
	v2 =	vshll.u32 v0, $0x11;
	v62 =	vshll.u32 v0, $0x3  }
0x40: {  	v1 =	vand.u32 $0x600000, v1;
	v2 =	vand.u32 $0x180000, v2;
	v0 =	vand.u32 $0x7FF80, v62  }
0x41: {  	v1 =	vor.u32 v2, v1;
	v0 =	vsel vm2, $0xFFFFFF80, v0  }
0x42: {  	v1 =	vsel vm2, $0xFFD80000, v1;
	v63 =	vand.u32 $0xFFFFFC00, v0  }
0x43: {  	v0 =	vand.u32 $0x380, v0;
	v1 =	vadd.s32 v63, v1  }
0x44: {  	v0 =	vor.u32 v0, v1  }
0x45: {  	v0 =	vshrl.u32 v0, $0x3;
	_ =	sdelay $0x3  }
0x46: {  	s14 =	sadd.s32 $0x800, s15  }
0x47: {  	[tilespmem:s14], [sflag:$0x1] =	stream.indirect_vreg.gather [hbm:s2], $0x80, v0, vm0, $0x38;
	[tilespmem:$0x10200] =	vst v63  }
0x48: {  	s14 =	sadd.s32 $0x400, s14  }
0x49: {  	[tilespmem:s14], [sflag:$0x1] =	stream.indirect_vreg.gather [hbm:s2], $0x80, v0, vm1, $0x38;
	[tilespmem:$0x10200] =	vst v63  }
0x4a: {  	s11 =	sshll.u32 s11, $0x4;
	_ =	swait.ge [sflag:s4], $0x8000  }
0x4b: {  	s11 =	sadd.s32 s11, s7;
	[sflag:s4] =	ssyncset.done $0x0  }
0x4c: {  	s15 =	sadd.s32 $0x0, s11;
	s14 =	simm.s32 $0x80;
	[sflag:s4] =	ssyncadd.s32 $0xFFFF8000  }
.LBB2_5:
0x4d: {  	[hbm:s15] =	stream.linear.scatter [tilespmem:s12], [sflag:$0x3], $0x400, $0x38;
	[tilespmem:$0x10200] =	vst v63  }
0x4e: {  	s15 =	smov.u32 s14;
	s12 =	smov.u32 s13;
	p1 =	sne.s32 s14, $0xF80  }
.Ltmp4:
0x4f: {  	s14 =	sadd.s32 $0x80, s14;
	(pc) =	sbr.rel @p1 .LBB2_5-.Ltmp4, $2  }
0x50: {  	_ =	sdelay $0x2  }
0x51: {  	s13 =	sadd.s32 $0x400, s13;
	s15 =	sadd.s32 s15, s11  }
.Ltmp5:
0x52: {  	(pc) =	sbr.rel .LBB2_7-.Ltmp5, $2  }
0x53: {  	_ =	sdelay $0x2  }
0x54: {  	[hbm:s15] =	stream.linear.scatter [tilespmem:s12], [sflag:$0x3], $0x400, $0x38;
	[tilespmem:$0x10200] =	vst v63  }
.LBB2_8:
0x55: {  	_ =	sfence.sel $0x180000  }
0x56: {  	s2 =	simm.s32 $0x2;
	[bflag:$0x0] =	sbarrier.arrive $0xFFFF  }
0x57: {  	s30 =	simm.s32 $0x3;
	[sflag:s2] =	ssyncpa.u1 $0x1  }
0x58: {  	s31 =	simm.s32 $0x1;
	[sflag:s30] =	ssyncpa.u1 $0x1  }
0x59: {  	[sflag:s31] =	ssyncpa.u1 $0x1  }
0x5a: {  	p0 =	sne.s32 s1, $0x0;
	_ =	strace $0x90000050  }
0x5b: {  	s0 =	sadd.s32 @!p0 $0x100000, s0;
	[bflag:$0x2] =	sbarrier.arrive $0xFFFF  }
0x5c: {  	[sflag:s0] =	ssyncadd.tile.s32 @!p0 $0x1;
	_ =	shalt  }
.Lfunc_end2:
_tile_overlayer_lowered:
.L_overlay_start_2:
0x5d: {  	(tag) =	ssettag $0x2  }
0x5e: {  	s0 =	rddreg [dreg:$0x0];
	s2 =	stileid.u32  }
0x5f: {  	s1 =	rddreg [dreg:$0x1];
	p0 =	sne.s32 s2, $0x0  }
0x60: {  	s3 =	rddreg [dreg:$0x2];
	[bflag:$0x3] =	sbarrier.arrive $0xFFFF;
	s2 =	simm.s32 @!p0 $0x1C01  }
0x61: {  	[timem:s3], [sflag:s2] =	dma.local @!p0 [hbm:s0], s1  }
0x62: {  	s0 =	simm.s32 @!p0 $0x1  }
0x63: {  	_ =	swait.ge @!p0 [sflag:s0], s1  }
0x64: {  	s1 =	ssub.s32 @!p0 $0x0, s1;
	[sflag:s0] =	ssyncset.done @!p0 $0x0  }
0x65: {  	[sflag:s0] =	ssyncadd.s32 @!p0 s1  }
0x66: {  	[bflag:$0x3] =	sbarrier.arrive $0xFFFF  }
0x67: {  	_ =	shalt  }

// kernel: gather_offload_async_start.4
scs
__scs_entry_jumppad:
0x0: {  	(pc) =	sbr.rel $0x88, $3  }
0x1: {  	(tag) =	ssettag $0x0;
	lr =	simm.s32 $0x1  }
0x2: {  	[smem:$0x3F90] =	sst lr;
	_ =	strace $0xD0000000  }
0x3: {  	_ = 	snop  }
0x4: {  	_ = 	snop  }
0x5: {  	_ = 	snop  }
0x6: {  	_ = 	snop  }
0x7: {  	_ = 	snop  }
__scs_overlays_trampoline_lowered:
0x8: {  	[smem:$0x3F9F] =	sst s0  }
0x9: {  	[smem:$0x3FA0] =	sst s1  }
0xa: {  	[smem:$0x3FA1] =	sst s2  }
0xb: {  	[smem:$0x3FA2] =	sst s3  }
0xc: {  	[smem:$0x3FA3] =	sst s4  }
0xd: {  	[smem:$0x3FA4] =	sst s5  }
0xe: {  	[smem:$0x3FA5] =	sst s6  }
0xf: {  	[smem:$0x3FA6] =	sst s7  }
0x10: {  	[smem:$0x3FA7] =	sst s8  }
0x11: {  	[smem:$0x3FA8] =	sst s9;
	s0 =	simm.s32 @!p0 $0x0  }
0x12: {  	s1 =	sld [smem:$0x3F8E];
	s0 =	simm.s32 @p0 $0x1  }
0x13: {  	[smem:$0x3FA9] =	sst s0;
	s0 =	simm.s32 @!p1 $0x0  }
0x14: {  	s2 =	sld [smem:$0x3F8D];
	s0 =	simm.s32 @p1 $0x1  }
0x15: {  	[smem:$0x3FAA] =	sst s0;
	s0 =	simm.s32 @!p2 $0x0  }
0x16: {  	s3 =	sld [smem:$0x3FDB];
	s0 =	simm.s32 @p2 $0x1  }
0x17: {  	s4 =	simm.s32 $0x1BF5;
	[smem:$0x3FAC] =	sst s0  }
0x18: {  	s0 =	sld [smem:$0x3F8F];
	_ =	swait.ge [sflag:s4], $0x0  }
0x19: {  	s7 =	sld [smem:$0x3F90]  }
0x1a: {  	s8 =	sadd.s32 $0xFFFFE003, lr  }
0x1b: {  	s9 =	sadd.s32 $0xFFFFFEF7, lr;
	s5 =	simm.s32 $0xFFFFFFFF;
	p2 =	slt.u32 s8, $0xFFFFF086  }
0x1c: {  	p1 =	slt.u32 s9, $0xF7A;
	s5 =	simm.s32 @!p2 $0x0  }
0x1d: {  	s5 =	simm.s32 @p1 $0x1;
	p0 =	seq.s32 s7, s2  }
0x1e: {  	s7 =	smul.u32 @!p0 $0xF7A, s2;
	p2 =	seq.s32 @!p0 s5, $0x0  }
0x1f: {  	s9 =	smul.u32 $0xF7A, s1;
	s8 =	simm.s32 @!p0 $0x1BF5;
	p2 =	por !p2, p0  }
0x20: {  	[sflag:s8] =	ssyncset.s32 @!p0 $0xFFFFF086;
	s6 =	sadd.s32 @!p0 s3, s7;
	s7 =	simm.s32 @!p0 $0x108  }
0x21: {  	s3 =	sadd.s32 s3, s9;
	s6 =	sadd.s32 @!p0 $0x88, s6;
	s7 =	simm.s32 @p2 $0x1082  }
0x22: {  	[simem:s7], [sflag:s8] =	dma.local @!p0 [hbm:s6], $0xF7A  }
0x23: {  	s9 =	sor.u32 $0xD0000000, s2;
	s6 =	simm.s32 $0x108;
	_ =	swait.ge @!p0 [sflag:s8], $0x0  }
0x24: {  	s3 =	sadd.s32 $0x88, s3;
	s6 =	simm.s32 @!p1 $0x1082;
	[sflag:s4] =	ssyncset.s32 $0xFFFFF086  }
0x25: {  	[simem:s6], [sflag:s4] =	dma.local [hbm:s3], $0xF7A  }
0x26: {  	[smem:$0x3F90] =	sst s1;
	(tag) =	ssettag s2;
	_ =	strace s9  }
0x27: {  	s1 =	sld [smem:$0x3FA0]  }
0x28: {  	s2 =	sld [smem:$0x3FA1]  }
0x29: {  	s4 =	sld [smem:$0x3FA3]  }
0x2a: {  	p0 =	seq.s32 s5, $0x0;
	s5 =	sld [smem:$0x3FA4]  }
0x2b: {  	s6 =	sld [smem:$0x3FA5]  }
0x2c: {  	s7 =	sld [smem:$0x3FA6]  }
0x2d: {  	s3 =	simm.s32 $0x108;
	s8 =	sld [smem:$0x3FA7]  }
0x2e: {  	s3 =	simm.s32 @!p0 $0x1082;
	s9 =	sld [smem:$0x3FA8]  }
0x2f: {  	lr =	sadd.s32 s0, s3;
	s0 =	sld [smem:$0x3F9F]  }
0x30: {  	s3 =	sld [smem:$0x3FA2]  }
0x31: {  	[smem:$0x3FAB] =	sst s10  }
0x32: {  	s10 =	sld [smem:$0x3FA9];
	_ =	sdelay $0x3  }
0x33: {  	p0 =	seq.s32 s10, $0x1;
	s10 =	sld [smem:$0x3FAB];
	_ =	sdelay $0x3  }
0x34: {  	[smem:$0x3FAB] =	sst s10  }
0x35: {  	s10 =	sld [smem:$0x3FAA];
	_ =	sdelay $0x3  }
0x36: {  	p1 =	seq.s32 s10, $0x1;
	s10 =	sld [smem:$0x3FAB];
	_ =	sdelay $0x3  }
0x37: {  	[smem:$0x3FAB] =	sst s10  }
0x38: {  	s10 =	sld [smem:$0x3FAC]  }
0x39: {  	_ = 	snop;
	(pc) =	sbr.ind lr, $3  }
0x3a: {  	_ = 	snop  }
0x3b: {  	_ = 	snop  }
0x3c: {  	p2 =	seq.s32 s10, $0x1;
	s10 =	sld [smem:$0x3FAB]  }
0x3d: {  	_ =	shalt  }
0x3e: {  	_ =	shalt  }
0x3f: {  	_ =	shalt  }
0x40: {  	_ =	shalt  }
0x41: {  	_ =	shalt  }
0x42: {  	_ =	shalt  }
0x43: {  	_ =	shalt  }
0x44: {  	_ =	shalt  }
0x45: {  	_ =	shalt  }
0x46: {  	_ =	shalt  }
0x47: {  	_ =	shalt  }
0x48: {  	_ =	shalt  }
0x49: {  	_ =	shalt  }
0x4a: {  	_ =	shalt  }
0x4b: {  	_ =	shalt  }
0x4c: {  	_ =	shalt  }
0x4d: {  	_ =	shalt  }
0x4e: {  	_ =	shalt  }
0x4f: {  	_ =	shalt  }
0x50: {  	_ =	shalt  }
0x51: {  	_ =	shalt  }
0x52: {  	_ =	shalt  }
0x53: {  	_ =	shalt  }
0x54: {  	_ =	shalt  }
0x55: {  	_ =	shalt  }
0x56: {  	_ =	shalt  }
0x57: {  	_ =	shalt  }
0x58: {  	_ =	shalt  }
0x59: {  	_ =	shalt  }
0x5a: {  	_ =	shalt  }
0x5b: {  	_ =	shalt  }
0x5c: {  	_ =	shalt  }
0x5d: {  	_ =	shalt  }
0x5e: {  	_ =	shalt  }
0x5f: {  	_ =	shalt  }
0x60: {  	_ =	shalt  }
0x61: {  	_ =	shalt  }
0x62: {  	_ =	shalt  }
0x63: {  	_ =	shalt  }
0x64: {  	_ =	shalt  }
0x65: {  	_ =	shalt  }
0x66: {  	_ =	shalt  }
0x67: {  	_ =	shalt  }
0x68: {  	_ =	shalt  }
0x69: {  	_ =	shalt  }
0x6a: {  	_ =	shalt  }
0x6b: {  	_ =	shalt  }
0x6c: {  	_ =	shalt  }
0x6d: {  	_ =	shalt  }
0x6e: {  	_ =	shalt  }
0x6f: {  	_ =	shalt  }
0x70: {  	_ =	shalt  }
0x71: {  	_ =	shalt  }
0x72: {  	_ =	shalt  }
0x73: {  	_ =	shalt  }
0x74: {  	_ =	shalt  }
0x75: {  	_ =	shalt  }
0x76: {  	_ =	shalt  }
0x77: {  	_ =	shalt  }
0x78: {  	_ =	shalt  }
0x79: {  	_ =	shalt  }
0x7a: {  	_ =	shalt  }
0x7b: {  	_ =	shalt  }
0x7c: {  	_ =	shalt  }
0x7d: {  	_ =	shalt  }
0x7e: {  	_ =	shalt  }
0x7f: {  	_ =	shalt  }
0x80: {  	_ =	shalt  }
0x81: {  	_ =	shalt  }
0x82: {  	_ =	shalt  }
0x83: {  	_ =	shalt  }
0x84: {  	_ =	shalt  }
0x85: {  	_ =	shalt  }
0x86: {  	_ =	shalt  }
0x87: {  	_ =	shalt  }
.Lfunc_end0:
.L_simem_size_0:
called_computation.4_lowered:
.L_overlay_start_0:
0x88: {  	s2 =	sld [smem:$0x3FD9]  }
0x89: {  	s3 =	sld [smem:$0x3FFE];
	_ =	sdelay $0x1  }
0x8a: {  	s1 =	srdreg.scid  }
0x8b: {  	s0 =	sand.u32 $0x1, s1  }
0x8c: {  	s17 =	sshll.u32 s0, $0xA;
	s2 =	sadd.s32 s3, s2  }
0x8d: {  	s2 =	sadd.s32 s2, s17  }
0x8e: {  	[smem:$0x3FB7] =	sst s2  }
0x8f: {  	_ = 	snop  }
0x90: {  	(tm) =	ssettm $0x1  }
0x91: {  	s18 =	sld [smem:$0x3FFB];
	_ =	sdelay $0x3  }
0x92: {  	_ =	strace s18  }
0x93: {  	s2 =	sld [smem:$0x3FFC];
	_ =	sdelay $0x3  }
0x94: {  	_ =	strace s2  }
0x95: {  	s2 =	sld [smem:$0x3FFD];
	_ =	sdelay $0x3  }
0x96: {  	_ =	strace s2  }
0x97: {  	_ =	strace $0x8FFFFFFF  }
0x98: {  	s19 =	sld [smem:$0x3FDB];
	_ =	sdelay $0x1  }
0x99: {  	s20 =	simm.s32 $_scs_section_size  }
0x9a: {  	s4 =	simm.s32 $_size__tile_overlayer_lowered;
	s5 =	simm.s32 $_tile_overlayer_lowered  }
0x9b: {  	s6 =	simm.s32 $0x1BFF;
	s21 =	sshll.u32 s5, $0x1;
	s3 =	sadd.s32 s20, s19  }
0x9c: {  	s22 =	simm.s32 $0x0;
	s4 =	sshll.u32 s4, $0x1;
	s5 =	sadd.s32 s21, s3  }
0x9d: {  	[timem:s22], [sflag:s6] =	dma.local [hbm:s5], s4  }
0x9e: {  	_ =	swait.ge [sflag:s6], s4  }
0x9f: {  	s4 =	ssub.s32 $0x0, s4;
	[sflag:s6] =	ssyncset.done $0x0  }
0xa0: {  	[sflag:s6] =	ssyncadd.s32 s4;
	_ =	sdelay $0x1  }
0xa1: {  	s23 =	simm.s32 $0x1B8B  }
0xa2: {  	_ =	swait.ge [sflag:s23], $0x1  }
0xa3: {  	[sflag:s23] =	ssyncset.done $0x0  }
0xa4: {  	[sflag:s23] =	ssyncadd.s32 $0xFFFFFFFF  }
0xa5: {  	s4 =	sld [smem:$0x0]  }
0xa6: {  	s5 =	sand.u32 $0xFFFFFFFE, s1  }
0xa7: {  	p0 =	sne.s32 s1, s5  }
0xa8: {  	s5 =	sshll.u32 @p0 s5, $0xE  }
0xa9: {  	s5 =	sadd.s32 @p0 $0x11B8D, s5;
	s6 =	sshll.u32 @p0 s4, $0x11  }
0xaa: {  	s5 =	sor.u32 @p0 s6, s5  }
0xab: {  	[sflag:s5] =	ssyncadd.remote.s32 @p0 $0x1;
	_ =	sdelay $0x1  }
0xac: {  	s5 =	simm.s32 @p0 $0x1B8D  }
0xad: {  	_ =	swait.eq @p0 [sflag:s5], $0x1  }
0xae: {  	[sflag:s5] =	ssyncadd.s32 @p0 $0xFFFFFFFF  }
0xaf: {  	s6 =	sshll.u32 @!p0 s1, $0xE  }
0xb0: {  	s6 =	sor.u32 @!p0 $0x4000, s6;
	s5 =	simm.s32 @!p0 $0x1B8D  }
0xb1: {  	s4 =	sshll.u32 @!p0 s4, $0x11;
	s6 =	sadd.s32 @!p0 $0x11B8D, s6;
	_ =	swait.eq @!p0 [sflag:s5], $0x1  }
0xb2: {  	s4 =	sor.u32 @!p0 s4, s6;
	[sflag:s5] =	ssyncadd.s32 @!p0 $0xFFFFFFFF  }
0xb3: {  	s25 =	simm.s32 $0x1B8E;
	s24 =	sld [smem:$0x3FFE];
	[sflag:s4] =	ssyncadd.remote.s32 @!p0 $0x1  }
0xb4: {  	s26 =	simm.s32 $execute0_lowered;
	[smem:$0x3FD2] =	sst s25  }
0xb5: {  	s5 =	sshll.u32 s26, $0x1;
	_ =	strace $0x80000052;
	[dreg:$0x1] =	wrdreg $0xFFFFFFFF  }
0xb6: {  	s28 =	simm.s32 $_size_execute0_lowered;
	s3 =	sadd.s32 s3, s5;
	[dreg:$0x0] =	wrdreg $0x0  }
0xb7: {  	s5 =	sshll.u32 s28, $0x1;
	[dreg:$0x2] =	wrdreg s3  }
0xb8: {  	[dreg:$0x3] =	wrdreg s5  }
0xb9: {  	[dreg:$0x4] =	wrdreg $0xC0  }
0xba: {  	_ =	task [dreg:s22], $0x5FFFF  }
0xbb: {  	[dreg:$0x1] =	wrdreg $0xFFFFFFFF  }
0xbc: {  	[dreg:$0x0] =	wrdreg $0x60  }
0xbd: {  	[dreg:$0x2] =	wrdreg s24  }
0xbe: {  	[dreg:$0x3] =	wrdreg $0xA  }
0xbf: {  	_ =	task.clear_ibuf [dreg:s22], $0x4FFFF;
	_ =	strace $0x90000052  }
0xc0: {  	s29 =	simm.s32 $0xA;
	_ =	strace $0x80000054  }
0xc1: {  	_ =	swait.ge [sflag:s29], $0x1  }
0xc2: {  	[sflag:s29] =	ssyncadd.s32 $0xFFFFFFFF  }
0xc3: {  	_ =	strace $0x90000054  }
0xc4: {  	_ =	sfence  }
0xc5: {  	s30 =	sld [smem:$0x0];
	_ =	sdelay $0x2  }
0xc6: {  	s31 =	sshll.u32 s1, $0xD;
	s1 =	sshrl.u32 s1, $0x2  }
0xc7: {  	s4 =	sand.u32 $0x4000, s31;
	s1 =	sadd.s32 s1, s30  }
0xc8: {  	s0 =	sor.u32 s4, s0;
	s1 =	sshll.u32 s1, $0x11  }
0xc9: {  	s0 =	sor.u32 s1, s0  }
0xca: {  	s0 =	sadd.s32 $0x8F2B, s0  }
0xcb: {  	[sflag:s0] =	ssyncadd.remote.s32 $0x1  }
0xcc: {  	_ =	sfence.sel $0xFFFF  }
0xcd: {  	[dreg:$0x0] =	wrdreg $0xFFFFFFFF;
	(pc) =	sbr.abs _section_cstart, $3  }
0xce: {  	[dreg:$0x1] =	wrdreg $0xFFFFFFFF  }
0xcf: {  	_ =	task.clear_ibuf [dreg:s22], $0x2FFFF;
	_ =	strace $0x9FFFFFFF  }
0xd0: {  	(tm) =	ssettm $0x7FFFFFFF  }
0xd1: {  	_ =	shalt  }
tec
execute0_lowered:
.L_overlay_start_1:
0x0: {  	(tag) =	ssettag $0x1  }
0x1: {  	s7 =	rddreg [dreg:$0x0]  }
0x2: {  	s0 =	rddreg [dreg:$0x1];
	_ =	strace $0x80000053  }
0x3: {  	s1 =	srdreg.scid;
	s4 =	simm.s32 $0x1;
	s9 =	simm.s32 $0x3  }
0x4: {  	s11 =	simm.s32 $0x0;
	p0 =	por $0x0, $0x0;
	s5 =	sshll.u32 s1, $0x4  }
.Ltmp0:
0x5: {  	s1 =	stileid.u32;
	s5 =	sand.u32 $0x10, s5;
	(pc) =	sbr.rel .LBB2_1-.Ltmp0, $4  }
0x6: {  	s2 =	sadd.s32 $0x29D200, s7;
	s3 =	sadd.s32 $0x18E200, s7;
	s6 =	sor.u32 s1, s5  }
0x7: {  	[sflag:s4] =	ssyncpa.u1 $0x0;
	s5 =	simm.s32 $0x2;
	s6 =	sshll.u32 s6, $0xB  }
0x8: {  	s7 =	sadd.s32 $0x39D200, s7;
	[sflag:s5] =	ssyncpa.u1 $0x0;
	s8 =	sadd.s32 $0x800, s6  }
0x9: {  	vm0 =	vmmov $0xff;
	vm1 =	vcmask $0x3F20;
	[sflag:s9] =	ssyncpa.u1 $0x0;
	s10 =	smov.u32 s6;
	s9 =	simm.s32 $0x0  }
.LBB2_7:
0xa: {  	p1 =	slt.u32 s9, $0x2;
	s11 =	sadd.s32 $0x100, s10  }
0xb: {  	s13 =	smov.u32 s6;
	s9 =	sadd.s32 $0x1, s9;
	p2 =	slt.s32 s11, s8  }
0xc: {  	s13 =	smov.u32 @p2 s11;
	p2 =	sne.s32 s9, $0xA  }
.Ltmp1:
0xd: {  	_ = 	snop;
	(pc) =	sbr.rel @!p2 .LBB2_8-.Ltmp1, $4  }
0xe: {  	s12 =	simm.s32 @!p1 $0x3  }
0xf: {  	_ =	swait.ge @!p1 [sflag:s12], $0x8000  }
0x10: {  	p0 =	por !p0, !p0;
	[sflag:s12] =	ssyncset.done @!p1 $0x0  }
0x11: {  	s11 =	smov.u32 s10;
	s10 =	smov.u32 s13;
	[sflag:s12] =	ssyncadd.s32 @!p1 $0xFFFF8000  }
.LBB2_1:
0x12: {  	p1 =	sgt.u32 s9, $0x7  }
0x13: {  	s12 =	sxor.u32 @!p1 $0xFFFFFFFF, s9  }
0x14: {  	s13 =	sshrl.u32 @!p1 s10, $0x3;
	s12 =	sshll.u32 @!p1 s12, $0x8  }
0x15: {  	s14 =	sand.u32 @!p1 $0x7, s10;
	s13 =	sadd.s32 @!p1 s3, s13;
	s12 =	sand.u32 @!p1 $0x100, s12  }
0x16: {  	[tilespmem:s12], [sflag:$0x2] =	stream.linear.gather @!p1 [hbm4b:s13+s14], $0x100, $0x38;
	[tilespmem:$0x10200] =	vst v63  }
0x17: {  	p1 =	seq.s32 s9, $0x0  }
0x18: {  	p2 =	seq.s32 @!p1 s9, $0x9  }
0x19: {  	p1 =	por p1, p2  }
.Ltmp2:
0x1a: {  	_ = 	snop;
	(pc) =	sbr.rel @p1 .LBB2_7-.Ltmp2, $1  }
0x1b: {  	_ =	sdelay $0x3  }
0x1c: {  	s12 =	simm.s32 $0x1  }
0x1d: {  	_ =	swait.ge [sflag:s5], $0x100;
	s12 =	simm.s32 @!p0 $0x0  }
0x1e: {  	[sflag:s5] =	ssyncset.done $0x0;
	s14 =	sshll.u32 s12, $0x8  }
0x1f: {  	[sflag:s5] =	ssyncadd.s32 $0xFFFFFF00;
	s13 =	sadd.s32 $0x0, s14  }
0x20: {  	v0 =	vld.msk [tilespmem:s13+$0x0 ss:$0x1], $0xffff;
	_ =	sdelay $0x4  }
0x21: {  	vm2 =	veq.s32 v0, $0x80000000  }
0x22: {  	v1 =	vshll.u32 v0, $0x15;
	v2 =	vshll.u32 v0, $0x11;
	v0 =	vshll.u32 v0, $0x3  }
0x23: {  	v1 =	vand.u32 $0x600000, v1;
	v2 =	vand.u32 $0x180000, v2;
	v0 =	vand.u32 $0x7FF80, v0  }
0x24: {  	v1 =	vor.u32 v2, v1;
	v0 =	vsel vm2, $0xFFFFFF80, v0  }
0x25: {  	v1 =	vsel vm2, $0xFFD80000, v1;
	v2 =	vand.u32 $0xFFFFFC00, v0  }
0x26: {  	v0 =	vand.u32 $0x380, v0;
	v1 =	vadd.s32 v2, v1  }
0x27: {  	v0 =	vor.u32 v0, v1  }
0x28: {  	v0 =	vshrl.u32 v0, $0x3;
	_ =	sdelay $0x2  }
0x29: {  	s12 =	sshll.u32 s12, $0xF  }
0x2a: {  	s12 =	sor.u32 $0x200, s12  }
0x2b: {  	[tilespmem:s12], [sflag:$0x1] =	stream.indirect_vreg.gather [hbm:s2], $0x80, v0, vm0, $0x38;
	[tilespmem:$0x10200] =	vst v63  }
0x2c: {  	s15 =	sadd.s32 $0x10, s14;
	s13 =	sadd.s32 $0x400, s12  }
0x2d: {  	[tilespmem:s13], [sflag:$0x1] =	stream.indirect_vreg.gather [hbm:s2], $0x80, v0, vm1, $0x38;
	[tilespmem:$0x10200] =	vst v63  }
0x2e: {  	s16 =	simm.s32 $0x80;
	v0 =	vld.msk [tilespmem:s15+$0x0 ss:$0x1], $0xffff;
	s15 =	smov.u32 s12  }
.LBB2_3:
0x2f: {  	p1 =	sne.s32 s16, $0x3C0;
	_ =	sdelay $0x4  }
0x30: {  	vm2 =	veq.s32 v0, $0x80000000  }
0x31: {  	v1 =	vshll.u32 v0, $0x15;
	v2 =	vshll.u32 v0, $0x11;
	v0 =	vshll.u32 v0, $0x3  }
0x32: {  	v1 =	vand.u32 $0x600000, v1;
	v2 =	vand.u32 $0x180000, v2;
	v0 =	vand.u32 $0x7FF80, v0  }
0x33: {  	v1 =	vor.u32 v2, v1;
	v0 =	vsel vm2, $0xFFFFFF80, v0  }
0x34: {  	v1 =	vsel vm2, $0xFFD80000, v1;
	v2 =	vand.u32 $0xFFFFFC00, v0  }
0x35: {  	v0 =	vand.u32 $0x380, v0;
	v1 =	vadd.s32 v2, v1  }
0x36: {  	v0 =	vor.u32 v0, v1  }
0x37: {  	v0 =	vshrl.u32 v0, $0x3;
	_ =	sdelay $0x3  }
.Ltmp3:
0x38: {  	s17 =	sshra.s32 s16, $0x2;
	s15 =	sadd.s32 $0x800, s15;
	(pc) =	sbr.rel @p1 .LBB2_3-.Ltmp3, $4  }
0x39: {  	[tilespmem:s15], [sflag:$0x1] =	stream.indirect_vreg.gather [hbm:s2], $0x80, v0, vm0, $0x38;
	[tilespmem:$0x10200] =	vst v63  }
0x3a: {  	s17 =	sadd.s32 s17, s14;
	s18 =	sadd.s32 $0x400, s15  }
0x3b: {  	[tilespmem:s18], [sflag:$0x1] =	stream.indirect_vreg.gather [hbm:s2], $0x80, v0, vm1, $0x38;
	[tilespmem:$0x10200] =	vst v63  }
0x3c: {  	s16 =	sadd.s32 $0x40, s16;
	v0 =	vld.msk [tilespmem:s17+$0x0 ss:$0x1], $0xffff  }
0x3d: {  	_ =	sdelay $0x3  }
0x3e: {  	vm2 =	veq.s32 v0, $0x80000000  }
0x3f: {  	v1 =	vshll.u32 v0, $0x15;
	v2 =	vshll.u32 v0, $0x11;
	v62 =	vshll.u32 v0, $0x3  }
0x40: {  	v1 =	vand.u32 $0x600000, v1;
	v2 =	vand.u32 $0x180000, v2;
	v0 =	vand.u32 $0x7FF80, v62  }
0x41: {  	v1 =	vor.u32 v2, v1;
	v0 =	vsel vm2, $0xFFFFFF80, v0  }
0x42: {  	v1 =	vsel vm2, $0xFFD80000, v1;
	v63 =	vand.u32 $0xFFFFFC00, v0  }
0x43: {  	v0 =	vand.u32 $0x380, v0;
	v1 =	vadd.s32 v63, v1  }
0x44: {  	v0 =	vor.u32 v0, v1  }
0x45: {  	v0 =	vshrl.u32 v0, $0x3;
	_ =	sdelay $0x3  }
0x46: {  	s14 =	sadd.s32 $0x800, s15  }
0x47: {  	[tilespmem:s14], [sflag:$0x1] =	stream.indirect_vreg.gather [hbm:s2], $0x80, v0, vm0, $0x38;
	[tilespmem:$0x10200] =	vst v63  }
0x48: {  	s14 =	sadd.s32 $0x400, s14  }
0x49: {  	[tilespmem:s14], [sflag:$0x1] =	stream.indirect_vreg.gather [hbm:s2], $0x80, v0, vm1, $0x38;
	[tilespmem:$0x10200] =	vst v63  }
0x4a: {  	s11 =	sshll.u32 s11, $0x4;
	_ =	swait.ge [sflag:s4], $0x8000  }
0x4b: {  	s11 =	sadd.s32 s11, s7;
	[sflag:s4] =	ssyncset.done $0x0  }
0x4c: {  	s15 =	sadd.s32 $0x0, s11;
	s14 =	simm.s32 $0x80;
	[sflag:s4] =	ssyncadd.s32 $0xFFFF8000  }
.LBB2_5:
0x4d: {  	[hbm:s15] =	stream.linear.scatter [tilespmem:s12], [sflag:$0x3], $0x400, $0x38;
	[tilespmem:$0x10200] =	vst v63  }
0x4e: {  	s15 =	smov.u32 s14;
	s12 =	smov.u32 s13;
	p1 =	sne.s32 s14, $0xF80  }
.Ltmp4:
0x4f: {  	s14 =	sadd.s32 $0x80, s14;
	(pc) =	sbr.rel @p1 .LBB2_5-.Ltmp4, $2  }
0x50: {  	_ =	sdelay $0x2  }
0x51: {  	s13 =	sadd.s32 $0x400, s13;
	s15 =	sadd.s32 s15, s11  }
.Ltmp5:
0x52: {  	(pc) =	sbr.rel .LBB2_7-.Ltmp5, $2  }
0x53: {  	_ =	sdelay $0x2  }
0x54: {  	[hbm:s15] =	stream.linear.scatter [tilespmem:s12], [sflag:$0x3], $0x400, $0x38;
	[tilespmem:$0x10200] =	vst v63  }
.LBB2_8:
0x55: {  	_ =	sfence.sel $0x180000  }
0x56: {  	s2 =	simm.s32 $0x2;
	[bflag:$0x0] =	sbarrier.arrive $0xFFFF  }
0x57: {  	s30 =	simm.s32 $0x3;
	[sflag:s2] =	ssyncpa.u1 $0x1  }
0x58: {  	s31 =	simm.s32 $0x1;
	[sflag:s30] =	ssyncpa.u1 $0x1  }
0x59: {  	[sflag:s31] =	ssyncpa.u1 $0x1  }
0x5a: {  	p0 =	sne.s32 s1, $0x0;
	_ =	strace $0x90000053  }
0x5b: {  	s0 =	sadd.s32 @!p0 $0x100000, s0;
	[bflag:$0x2] =	sbarrier.arrive $0xFFFF  }
0x5c: {  	[sflag:s0] =	ssyncadd.tile.s32 @!p0 $0x1;
	_ =	shalt  }
.Lfunc_end2:
_tile_overlayer_lowered:
.L_overlay_start_2:
0x5d: {  	(tag) =	ssettag $0x2  }
0x5e: {  	s0 =	rddreg [dreg:$0x0];
	s2 =	stileid.u32  }
0x5f: {  	s1 =	rddreg [dreg:$0x1];
	p0 =	sne.s32 s2, $0x0  }
0x60: {  	s3 =	rddreg [dreg:$0x2];
	[bflag:$0x3] =	sbarrier.arrive $0xFFFF;
	s2 =	simm.s32 @!p0 $0x1C01  }
0x61: {  	[timem:s3], [sflag:s2] =	dma.local @!p0 [hbm:s0], s1  }
0x62: {  	s0 =	simm.s32 @!p0 $0x1  }
0x63: {  	_ =	swait.ge @!p0 [sflag:s0], s1  }
0x64: {  	s1 =	ssub.s32 @!p0 $0x0, s1;
	[sflag:s0] =	ssyncset.done @!p0 $0x0  }
0x65: {  	[sflag:s0] =	ssyncadd.s32 @!p0 s1  }
0x66: {  	[bflag:$0x3] =	sbarrier.arrive $0xFFFF  }
0x67: {  	_ =	shalt  }

// kernel: gather_offload_async_start.5
scs
__scs_entry_jumppad:
0x0: {  	(pc) =	sbr.rel $0x88, $3  }
0x1: {  	(tag) =	ssettag $0x0;
	lr =	simm.s32 $0x1  }
0x2: {  	[smem:$0x3F90] =	sst lr;
	_ =	strace $0xD0000000  }
0x3: {  	_ = 	snop  }
0x4: {  	_ = 	snop  }
0x5: {  	_ = 	snop  }
0x6: {  	_ = 	snop  }
0x7: {  	_ = 	snop  }
__scs_overlays_trampoline_lowered:
0x8: {  	[smem:$0x3F9F] =	sst s0  }
0x9: {  	[smem:$0x3FA0] =	sst s1  }
0xa: {  	[smem:$0x3FA1] =	sst s2  }
0xb: {  	[smem:$0x3FA2] =	sst s3  }
0xc: {  	[smem:$0x3FA3] =	sst s4  }
0xd: {  	[smem:$0x3FA4] =	sst s5  }
0xe: {  	[smem:$0x3FA5] =	sst s6  }
0xf: {  	[smem:$0x3FA6] =	sst s7  }
0x10: {  	[smem:$0x3FA7] =	sst s8  }
0x11: {  	[smem:$0x3FA8] =	sst s9;
	s0 =	simm.s32 @!p0 $0x0  }
0x12: {  	s1 =	sld [smem:$0x3F8E];
	s0 =	simm.s32 @p0 $0x1  }
0x13: {  	[smem:$0x3FA9] =	sst s0;
	s0 =	simm.s32 @!p1 $0x0  }
0x14: {  	s2 =	sld [smem:$0x3F8D];
	s0 =	simm.s32 @p1 $0x1  }
0x15: {  	[smem:$0x3FAA] =	sst s0;
	s0 =	simm.s32 @!p2 $0x0  }
0x16: {  	s3 =	sld [smem:$0x3FDB];
	s0 =	simm.s32 @p2 $0x1  }
0x17: {  	s4 =	simm.s32 $0x1BF5;
	[smem:$0x3FAC] =	sst s0  }
0x18: {  	s0 =	sld [smem:$0x3F8F];
	_ =	swait.ge [sflag:s4], $0x0  }
0x19: {  	s7 =	sld [smem:$0x3F90]  }
0x1a: {  	s8 =	sadd.s32 $0xFFFFE003, lr  }
0x1b: {  	s9 =	sadd.s32 $0xFFFFFEF7, lr;
	s5 =	simm.s32 $0xFFFFFFFF;
	p2 =	slt.u32 s8, $0xFFFFF086  }
0x1c: {  	p1 =	slt.u32 s9, $0xF7A;
	s5 =	simm.s32 @!p2 $0x0  }
0x1d: {  	s5 =	simm.s32 @p1 $0x1;
	p0 =	seq.s32 s7, s2  }
0x1e: {  	s7 =	smul.u32 @!p0 $0xF7A, s2;
	p2 =	seq.s32 @!p0 s5, $0x0  }
0x1f: {  	s9 =	smul.u32 $0xF7A, s1;
	s8 =	simm.s32 @!p0 $0x1BF5;
	p2 =	por !p2, p0  }
0x20: {  	[sflag:s8] =	ssyncset.s32 @!p0 $0xFFFFF086;
	s6 =	sadd.s32 @!p0 s3, s7;
	s7 =	simm.s32 @!p0 $0x108  }
0x21: {  	s3 =	sadd.s32 s3, s9;
	s6 =	sadd.s32 @!p0 $0x88, s6;
	s7 =	simm.s32 @p2 $0x1082  }
0x22: {  	[simem:s7], [sflag:s8] =	dma.local @!p0 [hbm:s6], $0xF7A  }
0x23: {  	s9 =	sor.u32 $0xD0000000, s2;
	s6 =	simm.s32 $0x108;
	_ =	swait.ge @!p0 [sflag:s8], $0x0  }
0x24: {  	s3 =	sadd.s32 $0x88, s3;
	s6 =	simm.s32 @!p1 $0x1082;
	[sflag:s4] =	ssyncset.s32 $0xFFFFF086  }
0x25: {  	[simem:s6], [sflag:s4] =	dma.local [hbm:s3], $0xF7A  }
0x26: {  	[smem:$0x3F90] =	sst s1;
	(tag) =	ssettag s2;
	_ =	strace s9  }
0x27: {  	s1 =	sld [smem:$0x3FA0]  }
0x28: {  	s2 =	sld [smem:$0x3FA1]  }
0x29: {  	s4 =	sld [smem:$0x3FA3]  }
0x2a: {  	p0 =	seq.s32 s5, $0x0;
	s5 =	sld [smem:$0x3FA4]  }
0x2b: {  	s6 =	sld [smem:$0x3FA5]  }
0x2c: {  	s7 =	sld [smem:$0x3FA6]  }
0x2d: {  	s3 =	simm.s32 $0x108;
	s8 =	sld [smem:$0x3FA7]  }
0x2e: {  	s3 =	simm.s32 @!p0 $0x1082;
	s9 =	sld [smem:$0x3FA8]  }
0x2f: {  	lr =	sadd.s32 s0, s3;
	s0 =	sld [smem:$0x3F9F]  }
0x30: {  	s3 =	sld [smem:$0x3FA2]  }
0x31: {  	[smem:$0x3FAB] =	sst s10  }
0x32: {  	s10 =	sld [smem:$0x3FA9];
	_ =	sdelay $0x3  }
0x33: {  	p0 =	seq.s32 s10, $0x1;
	s10 =	sld [smem:$0x3FAB];
	_ =	sdelay $0x3  }
0x34: {  	[smem:$0x3FAB] =	sst s10  }
0x35: {  	s10 =	sld [smem:$0x3FAA];
	_ =	sdelay $0x3  }
0x36: {  	p1 =	seq.s32 s10, $0x1;
	s10 =	sld [smem:$0x3FAB];
	_ =	sdelay $0x3  }
0x37: {  	[smem:$0x3FAB] =	sst s10  }
0x38: {  	s10 =	sld [smem:$0x3FAC]  }
0x39: {  	_ = 	snop;
	(pc) =	sbr.ind lr, $3  }
0x3a: {  	_ = 	snop  }
0x3b: {  	_ = 	snop  }
0x3c: {  	p2 =	seq.s32 s10, $0x1;
	s10 =	sld [smem:$0x3FAB]  }
0x3d: {  	_ =	shalt  }
0x3e: {  	_ =	shalt  }
0x3f: {  	_ =	shalt  }
0x40: {  	_ =	shalt  }
0x41: {  	_ =	shalt  }
0x42: {  	_ =	shalt  }
0x43: {  	_ =	shalt  }
0x44: {  	_ =	shalt  }
0x45: {  	_ =	shalt  }
0x46: {  	_ =	shalt  }
0x47: {  	_ =	shalt  }
0x48: {  	_ =	shalt  }
0x49: {  	_ =	shalt  }
0x4a: {  	_ =	shalt  }
0x4b: {  	_ =	shalt  }
0x4c: {  	_ =	shalt  }
0x4d: {  	_ =	shalt  }
0x4e: {  	_ =	shalt  }
0x4f: {  	_ =	shalt  }
0x50: {  	_ =	shalt  }
0x51: {  	_ =	shalt  }
0x52: {  	_ =	shalt  }
0x53: {  	_ =	shalt  }
0x54: {  	_ =	shalt  }
0x55: {  	_ =	shalt  }
0x56: {  	_ =	shalt  }
0x57: {  	_ =	shalt  }
0x58: {  	_ =	shalt  }
0x59: {  	_ =	shalt  }
0x5a: {  	_ =	shalt  }
0x5b: {  	_ =	shalt  }
0x5c: {  	_ =	shalt  }
0x5d: {  	_ =	shalt  }
0x5e: {  	_ =	shalt  }
0x5f: {  	_ =	shalt  }
0x60: {  	_ =	shalt  }
0x61: {  	_ =	shalt  }
0x62: {  	_ =	shalt  }
0x63: {  	_ =	shalt  }
0x64: {  	_ =	shalt  }
0x65: {  	_ =	shalt  }
0x66: {  	_ =	shalt  }
0x67: {  	_ =	shalt  }
0x68: {  	_ =	shalt  }
0x69: {  	_ =	shalt  }
0x6a: {  	_ =	shalt  }
0x6b: {  	_ =	shalt  }
0x6c: {  	_ =	shalt  }
0x6d: {  	_ =	shalt  }
0x6e: {  	_ =	shalt  }
0x6f: {  	_ =	shalt  }
0x70: {  	_ =	shalt  }
0x71: {  	_ =	shalt  }
0x72: {  	_ =	shalt  }
0x73: {  	_ =	shalt  }
0x74: {  	_ =	shalt  }
0x75: {  	_ =	shalt  }
0x76: {  	_ =	shalt  }
0x77: {  	_ =	shalt  }
0x78: {  	_ =	shalt  }
0x79: {  	_ =	shalt  }
0x7a: {  	_ =	shalt  }
0x7b: {  	_ =	shalt  }
0x7c: {  	_ =	shalt  }
0x7d: {  	_ =	shalt  }
0x7e: {  	_ =	shalt  }
0x7f: {  	_ =	shalt  }
0x80: {  	_ =	shalt  }
0x81: {  	_ =	shalt  }
0x82: {  	_ =	shalt  }
0x83: {  	_ =	shalt  }
0x84: {  	_ =	shalt  }
0x85: {  	_ =	shalt  }
0x86: {  	_ =	shalt  }
0x87: {  	_ =	shalt  }
.Lfunc_end0:
.L_simem_size_0:
called_computation.5_lowered:
.L_overlay_start_0:
0x88: {  	s2 =	sld [smem:$0x3FD9]  }
0x89: {  	s3 =	sld [smem:$0x3FFE];
	_ =	sdelay $0x1  }
0x8a: {  	s1 =	srdreg.scid  }
0x8b: {  	s0 =	sand.u32 $0x1, s1  }
0x8c: {  	s17 =	sshll.u32 s0, $0xA;
	s2 =	sadd.s32 s3, s2  }
0x8d: {  	s2 =	sadd.s32 s2, s17  }
0x8e: {  	[smem:$0x3FB7] =	sst s2  }
0x8f: {  	_ = 	snop  }
0x90: {  	(tm) =	ssettm $0x1  }
0x91: {  	s18 =	sld [smem:$0x3FFB];
	_ =	sdelay $0x3  }
0x92: {  	_ =	strace s18  }
0x93: {  	s2 =	sld [smem:$0x3FFC];
	_ =	sdelay $0x3  }
0x94: {  	_ =	strace s2  }
0x95: {  	s2 =	sld [smem:$0x3FFD];
	_ =	sdelay $0x3  }
0x96: {  	_ =	strace s2  }
0x97: {  	_ =	strace $0x8FFFFFFF  }
0x98: {  	s19 =	sld [smem:$0x3FDB];
	_ =	sdelay $0x1  }
0x99: {  	s20 =	simm.s32 $_scs_section_size  }
0x9a: {  	s4 =	simm.s32 $_size__tile_overlayer_lowered;
	s5 =	simm.s32 $_tile_overlayer_lowered  }
0x9b: {  	s6 =	simm.s32 $0x1BFF;
	s21 =	sshll.u32 s5, $0x1;
	s3 =	sadd.s32 s20, s19  }
0x9c: {  	s22 =	simm.s32 $0x0;
	s4 =	sshll.u32 s4, $0x1;
	s5 =	sadd.s32 s21, s3  }
0x9d: {  	[timem:s22], [sflag:s6] =	dma.local [hbm:s5], s4  }
0x9e: {  	_ =	swait.ge [sflag:s6], s4  }
0x9f: {  	s4 =	ssub.s32 $0x0, s4;
	[sflag:s6] =	ssyncset.done $0x0  }
0xa0: {  	[sflag:s6] =	ssyncadd.s32 s4;
	_ =	sdelay $0x1  }
0xa1: {  	s23 =	simm.s32 $0x1B8B  }
0xa2: {  	_ =	swait.ge [sflag:s23], $0x1  }
0xa3: {  	[sflag:s23] =	ssyncset.done $0x0  }
0xa4: {  	[sflag:s23] =	ssyncadd.s32 $0xFFFFFFFF  }
0xa5: {  	s4 =	sld [smem:$0x0]  }
0xa6: {  	s5 =	sand.u32 $0xFFFFFFFE, s1  }
0xa7: {  	p0 =	sne.s32 s1, s5  }
0xa8: {  	s5 =	sshll.u32 @p0 s5, $0xE  }
0xa9: {  	s5 =	sadd.s32 @p0 $0x11B8D, s5;
	s6 =	sshll.u32 @p0 s4, $0x11  }
0xaa: {  	s5 =	sor.u32 @p0 s6, s5  }
0xab: {  	[sflag:s5] =	ssyncadd.remote.s32 @p0 $0x1;
	_ =	sdelay $0x1  }
0xac: {  	s5 =	simm.s32 @p0 $0x1B8D  }
0xad: {  	_ =	swait.eq @p0 [sflag:s5], $0x1  }
0xae: {  	[sflag:s5] =	ssyncadd.s32 @p0 $0xFFFFFFFF  }
0xaf: {  	s6 =	sshll.u32 @!p0 s1, $0xE  }
0xb0: {  	s6 =	sor.u32 @!p0 $0x4000, s6;
	s5 =	simm.s32 @!p0 $0x1B8D  }
0xb1: {  	s4 =	sshll.u32 @!p0 s4, $0x11;
	s6 =	sadd.s32 @!p0 $0x11B8D, s6;
	_ =	swait.eq @!p0 [sflag:s5], $0x1  }
0xb2: {  	s4 =	sor.u32 @!p0 s4, s6;
	[sflag:s5] =	ssyncadd.s32 @!p0 $0xFFFFFFFF  }
0xb3: {  	s25 =	simm.s32 $0x1B8E;
	s24 =	sld [smem:$0x3FFE];
	[sflag:s4] =	ssyncadd.remote.s32 @!p0 $0x1  }
0xb4: {  	s26 =	simm.s32 $execute0_lowered;
	[smem:$0x3FD2] =	sst s25  }
0xb5: {  	s5 =	sshll.u32 s26, $0x1;
	_ =	strace $0x80000055;
	[dreg:$0x1] =	wrdreg $0xFFFFFFFF  }
0xb6: {  	s28 =	simm.s32 $_size_execute0_lowered;
	s3 =	sadd.s32 s3, s5;
	[dreg:$0x0] =	wrdreg $0x0  }
0xb7: {  	s5 =	sshll.u32 s28, $0x1;
	[dreg:$0x2] =	wrdreg s3  }
0xb8: {  	[dreg:$0x3] =	wrdreg s5  }
0xb9: {  	[dreg:$0x4] =	wrdreg $0xC0  }
0xba: {  	_ =	task [dreg:s22], $0x5FFFF  }
0xbb: {  	[dreg:$0x1] =	wrdreg $0xFFFFFFFF  }
0xbc: {  	[dreg:$0x0] =	wrdreg $0x60  }
0xbd: {  	[dreg:$0x2] =	wrdreg s24  }
0xbe: {  	[dreg:$0x3] =	wrdreg $0xB  }
0xbf: {  	_ =	task.clear_ibuf [dreg:s22], $0x4FFFF;
	_ =	strace $0x90000055  }
0xc0: {  	s29 =	simm.s32 $0xB;
	_ =	strace $0x80000057  }
0xc1: {  	_ =	swait.ge [sflag:s29], $0x1  }
0xc2: {  	[sflag:s29] =	ssyncadd.s32 $0xFFFFFFFF  }
0xc3: {  	_ =	strace $0x90000057  }
0xc4: {  	_ =	sfence  }
0xc5: {  	s30 =	sld [smem:$0x0];
	_ =	sdelay $0x2  }
0xc6: {  	s31 =	sshll.u32 s1, $0xD;
	s1 =	sshrl.u32 s1, $0x2  }
0xc7: {  	s4 =	sand.u32 $0x4000, s31;
	s1 =	sadd.s32 s1, s30  }
0xc8: {  	s0 =	sor.u32 s4, s0;
	s1 =	sshll.u32 s1, $0x11  }
0xc9: {  	s0 =	sor.u32 s1, s0  }
0xca: {  	s0 =	sadd.s32 $0x8F2B, s0  }
0xcb: {  	[sflag:s0] =	ssyncadd.remote.s32 $0x1  }
0xcc: {  	_ =	sfence.sel $0xFFFF  }
0xcd: {  	[dreg:$0x0] =	wrdreg $0xFFFFFFFF;
	(pc) =	sbr.abs _section_cstart, $3  }
0xce: {  	[dreg:$0x1] =	wrdreg $0xFFFFFFFF  }
0xcf: {  	_ =	task.clear_ibuf [dreg:s22], $0x2FFFF;
	_ =	strace $0x9FFFFFFF  }
0xd0: {  	(tm) =	ssettm $0x7FFFFFFF  }
0xd1: {  	_ =	shalt  }
tec
execute0_lowered:
.L_overlay_start_1:
0x0: {  	(tag) =	ssettag $0x1  }
0x1: {  	s7 =	rddreg [dreg:$0x0]  }
0x2: {  	s0 =	rddreg [dreg:$0x1];
	_ =	strace $0x80000056  }
0x3: {  	s1 =	srdreg.scid;
	s4 =	simm.s32 $0x1;
	s9 =	simm.s32 $0x3  }
0x4: {  	s11 =	simm.s32 $0x0;
	p0 =	por $0x0, $0x0;
	s5 =	sshll.u32 s1, $0x4  }
.Ltmp0:
0x5: {  	s1 =	stileid.u32;
	s5 =	sand.u32 $0x10, s5;
	(pc) =	sbr.rel .LBB2_1-.Ltmp0, $4  }
0x6: {  	s2 =	sadd.s32 $0x49D200, s7;
	s3 =	sadd.s32 $0x18E200, s7;
	s6 =	sor.u32 s1, s5  }
0x7: {  	[sflag:s4] =	ssyncpa.u1 $0x0;
	s5 =	simm.s32 $0x2;
	s6 =	sshll.u32 s6, $0xB  }
0x8: {  	s7 =	sadd.s32 $0x59D200, s7;
	[sflag:s5] =	ssyncpa.u1 $0x0;
	s8 =	sadd.s32 $0x800, s6  }
0x9: {  	vm0 =	vmmov $0xff;
	vm1 =	vcmask $0x3F20;
	[sflag:s9] =	ssyncpa.u1 $0x0;
	s10 =	smov.u32 s6;
	s9 =	simm.s32 $0x0  }
.LBB2_7:
0xa: {  	p1 =	slt.u32 s9, $0x2;
	s11 =	sadd.s32 $0x100, s10  }
0xb: {  	s13 =	smov.u32 s6;
	s9 =	sadd.s32 $0x1, s9;
	p2 =	slt.s32 s11, s8  }
0xc: {  	s13 =	smov.u32 @p2 s11;
	p2 =	sne.s32 s9, $0xA  }
.Ltmp1:
0xd: {  	_ = 	snop;
	(pc) =	sbr.rel @!p2 .LBB2_8-.Ltmp1, $4  }
0xe: {  	s12 =	simm.s32 @!p1 $0x3  }
0xf: {  	_ =	swait.ge @!p1 [sflag:s12], $0x8000  }
0x10: {  	p0 =	por !p0, !p0;
	[sflag:s12] =	ssyncset.done @!p1 $0x0  }
0x11: {  	s11 =	smov.u32 s10;
	s10 =	smov.u32 s13;
	[sflag:s12] =	ssyncadd.s32 @!p1 $0xFFFF8000  }
.LBB2_1:
0x12: {  	p1 =	sgt.u32 s9, $0x7  }
0x13: {  	s12 =	sxor.u32 @!p1 $0xFFFFFFFF, s9  }
0x14: {  	s13 =	sshrl.u32 @!p1 s10, $0x3;
	s12 =	sshll.u32 @!p1 s12, $0x8  }
0x15: {  	s14 =	sand.u32 @!p1 $0x7, s10;
	s13 =	sadd.s32 @!p1 s3, s13;
	s12 =	sand.u32 @!p1 $0x100, s12  }
0x16: {  	[tilespmem:s12], [sflag:$0x2] =	stream.linear.gather @!p1 [hbm4b:s13+s14], $0x100, $0x38;
	[tilespmem:$0x10200] =	vst v63  }
0x17: {  	p1 =	seq.s32 s9, $0x0  }
0x18: {  	p2 =	seq.s32 @!p1 s9, $0x9  }
0x19: {  	p1 =	por p1, p2  }
.Ltmp2:
0x1a: {  	_ = 	snop;
	(pc) =	sbr.rel @p1 .LBB2_7-.Ltmp2, $1  }
0x1b: {  	_ =	sdelay $0x3  }
0x1c: {  	s12 =	simm.s32 $0x1  }
0x1d: {  	_ =	swait.ge [sflag:s5], $0x100;
	s12 =	simm.s32 @!p0 $0x0  }
0x1e: {  	[sflag:s5] =	ssyncset.done $0x0;
	s14 =	sshll.u32 s12, $0x8  }
0x1f: {  	[sflag:s5] =	ssyncadd.s32 $0xFFFFFF00;
	s13 =	sadd.s32 $0x0, s14  }
0x20: {  	v0 =	vld.msk [tilespmem:s13+$0x0 ss:$0x1], $0xffff;
	_ =	sdelay $0x4  }
0x21: {  	vm2 =	veq.s32 v0, $0x80000000  }
0x22: {  	v1 =	vshll.u32 v0, $0x15;
	v2 =	vshll.u32 v0, $0x11;
	v0 =	vshll.u32 v0, $0x3  }
0x23: {  	v1 =	vand.u32 $0x600000, v1;
	v2 =	vand.u32 $0x180000, v2;
	v0 =	vand.u32 $0x7FF80, v0  }
0x24: {  	v1 =	vor.u32 v2, v1;
	v0 =	vsel vm2, $0xFFFFFF80, v0  }
0x25: {  	v1 =	vsel vm2, $0xFFD80000, v1;
	v2 =	vand.u32 $0xFFFFFC00, v0  }
0x26: {  	v0 =	vand.u32 $0x380, v0;
	v1 =	vadd.s32 v2, v1  }
0x27: {  	v0 =	vor.u32 v0, v1  }
0x28: {  	v0 =	vshrl.u32 v0, $0x3;
	_ =	sdelay $0x2  }
0x29: {  	s12 =	sshll.u32 s12, $0xF  }
0x2a: {  	s12 =	sor.u32 $0x200, s12  }
0x2b: {  	[tilespmem:s12], [sflag:$0x1] =	stream.indirect_vreg.gather [hbm:s2], $0x80, v0, vm0, $0x38;
	[tilespmem:$0x10200] =	vst v63  }
0x2c: {  	s15 =	sadd.s32 $0x10, s14;
	s13 =	sadd.s32 $0x400, s12  }
0x2d: {  	[tilespmem:s13], [sflag:$0x1] =	stream.indirect_vreg.gather [hbm:s2], $0x80, v0, vm1, $0x38;
	[tilespmem:$0x10200] =	vst v63  }
0x2e: {  	s16 =	simm.s32 $0x80;
	v0 =	vld.msk [tilespmem:s15+$0x0 ss:$0x1], $0xffff;
	s15 =	smov.u32 s12  }
.LBB2_3:
0x2f: {  	p1 =	sne.s32 s16, $0x3C0;
	_ =	sdelay $0x4  }
0x30: {  	vm2 =	veq.s32 v0, $0x80000000  }
0x31: {  	v1 =	vshll.u32 v0, $0x15;
	v2 =	vshll.u32 v0, $0x11;
	v0 =	vshll.u32 v0, $0x3  }
0x32: {  	v1 =	vand.u32 $0x600000, v1;
	v2 =	vand.u32 $0x180000, v2;
	v0 =	vand.u32 $0x7FF80, v0  }
0x33: {  	v1 =	vor.u32 v2, v1;
	v0 =	vsel vm2, $0xFFFFFF80, v0  }
0x34: {  	v1 =	vsel vm2, $0xFFD80000, v1;
	v2 =	vand.u32 $0xFFFFFC00, v0  }
0x35: {  	v0 =	vand.u32 $0x380, v0;
	v1 =	vadd.s32 v2, v1  }
0x36: {  	v0 =	vor.u32 v0, v1  }
0x37: {  	v0 =	vshrl.u32 v0, $0x3;
	_ =	sdelay $0x3  }
.Ltmp3:
0x38: {  	s17 =	sshra.s32 s16, $0x2;
	s15 =	sadd.s32 $0x800, s15;
	(pc) =	sbr.rel @p1 .LBB2_3-.Ltmp3, $4  }
0x39: {  	[tilespmem:s15], [sflag:$0x1] =	stream.indirect_vreg.gather [hbm:s2], $0x80, v0, vm0, $0x38;
	[tilespmem:$0x10200] =	vst v63  }
0x3a: {  	s17 =	sadd.s32 s17, s14;
	s18 =	sadd.s32 $0x400, s15  }
0x3b: {  	[tilespmem:s18], [sflag:$0x1] =	stream.indirect_vreg.gather [hbm:s2], $0x80, v0, vm1, $0x38;
	[tilespmem:$0x10200] =	vst v63  }
0x3c: {  	s16 =	sadd.s32 $0x40, s16;
	v0 =	vld.msk [tilespmem:s17+$0x0 ss:$0x1], $0xffff  }
0x3d: {  	_ =	sdelay $0x3  }
0x3e: {  	vm2 =	veq.s32 v0, $0x80000000  }
0x3f: {  	v1 =	vshll.u32 v0, $0x15;
	v2 =	vshll.u32 v0, $0x11;
	v62 =	vshll.u32 v0, $0x3  }
0x40: {  	v1 =	vand.u32 $0x600000, v1;
	v2 =	vand.u32 $0x180000, v2;
	v0 =	vand.u32 $0x7FF80, v62  }
0x41: {  	v1 =	vor.u32 v2, v1;
	v0 =	vsel vm2, $0xFFFFFF80, v0  }
0x42: {  	v1 =	vsel vm2, $0xFFD80000, v1;
	v63 =	vand.u32 $0xFFFFFC00, v0  }
0x43: {  	v0 =	vand.u32 $0x380, v0;
	v1 =	vadd.s32 v63, v1  }
0x44: {  	v0 =	vor.u32 v0, v1  }
0x45: {  	v0 =	vshrl.u32 v0, $0x3;
	_ =	sdelay $0x3  }
0x46: {  	s14 =	sadd.s32 $0x800, s15  }
0x47: {  	[tilespmem:s14], [sflag:$0x1] =	stream.indirect_vreg.gather [hbm:s2], $0x80, v0, vm0, $0x38;
	[tilespmem:$0x10200] =	vst v63  }
0x48: {  	s14 =	sadd.s32 $0x400, s14  }
0x49: {  	[tilespmem:s14], [sflag:$0x1] =	stream.indirect_vreg.gather [hbm:s2], $0x80, v0, vm1, $0x38;
	[tilespmem:$0x10200] =	vst v63  }
0x4a: {  	s11 =	sshll.u32 s11, $0x4;
	_ =	swait.ge [sflag:s4], $0x8000  }
0x4b: {  	s11 =	sadd.s32 s11, s7;
	[sflag:s4] =	ssyncset.done $0x0  }
0x4c: {  	s15 =	sadd.s32 $0x0, s11;
	s14 =	simm.s32 $0x80;
	[sflag:s4] =	ssyncadd.s32 $0xFFFF8000  }
.LBB2_5:
0x4d: {  	[hbm:s15] =	stream.linear.scatter [tilespmem:s12], [sflag:$0x3], $0x400, $0x38;
	[tilespmem:$0x10200] =	vst v63  }
0x4e: {  	s15 =	smov.u32 s14;
	s12 =	smov.u32 s13;
	p1 =	sne.s32 s14, $0xF80  }
.Ltmp4:
0x4f: {  	s14 =	sadd.s32 $0x80, s14;
	(pc) =	sbr.rel @p1 .LBB2_5-.Ltmp4, $2  }
0x50: {  	_ =	sdelay $0x2  }
0x51: {  	s13 =	sadd.s32 $0x400, s13;
	s15 =	sadd.s32 s15, s11  }
.Ltmp5:
0x52: {  	(pc) =	sbr.rel .LBB2_7-.Ltmp5, $2  }
0x53: {  	_ =	sdelay $0x2  }
0x54: {  	[hbm:s15] =	stream.linear.scatter [tilespmem:s12], [sflag:$0x3], $0x400, $0x38;
	[tilespmem:$0x10200] =	vst v63  }
.LBB2_8:
0x55: {  	_ =	sfence.sel $0x180000  }
0x56: {  	s2 =	simm.s32 $0x2;
	[bflag:$0x0] =	sbarrier.arrive $0xFFFF  }
0x57: {  	s30 =	simm.s32 $0x3;
	[sflag:s2] =	ssyncpa.u1 $0x1  }
0x58: {  	s31 =	simm.s32 $0x1;
	[sflag:s30] =	ssyncpa.u1 $0x1  }
0x59: {  	[sflag:s31] =	ssyncpa.u1 $0x1  }
0x5a: {  	p0 =	sne.s32 s1, $0x0;
	_ =	strace $0x90000056  }
0x5b: {  	s0 =	sadd.s32 @!p0 $0x100000, s0;
	[bflag:$0x2] =	sbarrier.arrive $0xFFFF  }
0x5c: {  	[sflag:s0] =	ssyncadd.tile.s32 @!p0 $0x1;
	_ =	shalt  }
.Lfunc_end2:
_tile_overlayer_lowered:
.L_overlay_start_2:
0x5d: {  	(tag) =	ssettag $0x2  }
0x5e: {  	s0 =	rddreg [dreg:$0x0];
	s2 =	stileid.u32  }
0x5f: {  	s1 =	rddreg [dreg:$0x1];
	p0 =	sne.s32 s2, $0x0  }
0x60: {  	s3 =	rddreg [dreg:$0x2];
	[bflag:$0x3] =	sbarrier.arrive $0xFFFF;
	s2 =	simm.s32 @!p0 $0x1C01  }
0x61: {  	[timem:s3], [sflag:s2] =	dma.local @!p0 [hbm:s0], s1  }
0x62: {  	s0 =	simm.s32 @!p0 $0x1  }
0x63: {  	_ =	swait.ge @!p0 [sflag:s0], s1  }
0x64: {  	s1 =	ssub.s32 @!p0 $0x0, s1;
	[sflag:s0] =	ssyncset.done @!p0 $0x0  }
0x65: {  	[sflag:s0] =	ssyncadd.s32 @!p0 s1  }
0x66: {  	[bflag:$0x3] =	sbarrier.arrive $0xFFFF  }
0x67: {  	_ =	shalt  }

// kernel: gather_offload_async_start.6
scs
__scs_entry_jumppad:
0x0: {  	(pc) =	sbr.rel $0x88, $3  }
0x1: {  	(tag) =	ssettag $0x0;
	lr =	simm.s32 $0x1  }
0x2: {  	[smem:$0x3F90] =	sst lr;
	_ =	strace $0xD0000000  }
0x3: {  	_ = 	snop  }
0x4: {  	_ = 	snop  }
0x5: {  	_ = 	snop  }
0x6: {  	_ = 	snop  }
0x7: {  	_ = 	snop  }
__scs_overlays_trampoline_lowered:
0x8: {  	[smem:$0x3F9F] =	sst s0  }
0x9: {  	[smem:$0x3FA0] =	sst s1  }
0xa: {  	[smem:$0x3FA1] =	sst s2  }
0xb: {  	[smem:$0x3FA2] =	sst s3  }
0xc: {  	[smem:$0x3FA3] =	sst s4  }
0xd: {  	[smem:$0x3FA4] =	sst s5  }
0xe: {  	[smem:$0x3FA5] =	sst s6  }
0xf: {  	[smem:$0x3FA6] =	sst s7  }
0x10: {  	[smem:$0x3FA7] =	sst s8  }
0x11: {  	[smem:$0x3FA8] =	sst s9;
	s0 =	simm.s32 @!p0 $0x0  }
0x12: {  	s1 =	sld [smem:$0x3F8E];
	s0 =	simm.s32 @p0 $0x1  }
0x13: {  	[smem:$0x3FA9] =	sst s0;
	s0 =	simm.s32 @!p1 $0x0  }
0x14: {  	s2 =	sld [smem:$0x3F8D];
	s0 =	simm.s32 @p1 $0x1  }
0x15: {  	[smem:$0x3FAA] =	sst s0;
	s0 =	simm.s32 @!p2 $0x0  }
0x16: {  	s3 =	sld [smem:$0x3FDB];
	s0 =	simm.s32 @p2 $0x1  }
0x17: {  	s4 =	simm.s32 $0x1BF5;
	[smem:$0x3FAC] =	sst s0  }
0x18: {  	s0 =	sld [smem:$0x3F8F];
	_ =	swait.ge [sflag:s4], $0x0  }
0x19: {  	s7 =	sld [smem:$0x3F90]  }
0x1a: {  	s8 =	sadd.s32 $0xFFFFE003, lr  }
0x1b: {  	s9 =	sadd.s32 $0xFFFFFEF7, lr;
	s5 =	simm.s32 $0xFFFFFFFF;
	p2 =	slt.u32 s8, $0xFFFFF086  }
0x1c: {  	p1 =	slt.u32 s9, $0xF7A;
	s5 =	simm.s32 @!p2 $0x0  }
0x1d: {  	s5 =	simm.s32 @p1 $0x1;
	p0 =	seq.s32 s7, s2  }
0x1e: {  	s7 =	smul.u32 @!p0 $0xF7A, s2;
	p2 =	seq.s32 @!p0 s5, $0x0  }
0x1f: {  	s9 =	smul.u32 $0xF7A, s1;
	s8 =	simm.s32 @!p0 $0x1BF5;
	p2 =	por !p2, p0  }
0x20: {  	[sflag:s8] =	ssyncset.s32 @!p0 $0xFFFFF086;
	s6 =	sadd.s32 @!p0 s3, s7;
	s7 =	simm.s32 @!p0 $0x108  }
0x21: {  	s3 =	sadd.s32 s3, s9;
	s6 =	sadd.s32 @!p0 $0x88, s6;
	s7 =	simm.s32 @p2 $0x1082  }
0x22: {  	[simem:s7], [sflag:s8] =	dma.local @!p0 [hbm:s6], $0xF7A  }
0x23: {  	s9 =	sor.u32 $0xD0000000, s2;
	s6 =	simm.s32 $0x108;
	_ =	swait.ge @!p0 [sflag:s8], $0x0  }
0x24: {  	s3 =	sadd.s32 $0x88, s3;
	s6 =	simm.s32 @!p1 $0x1082;
	[sflag:s4] =	ssyncset.s32 $0xFFFFF086  }
0x25: {  	[simem:s6], [sflag:s4] =	dma.local [hbm:s3], $0xF7A  }
0x26: {  	[smem:$0x3F90] =	sst s1;
	(tag) =	ssettag s2;
	_ =	strace s9  }
0x27: {  	s1 =	sld [smem:$0x3FA0]  }
0x28: {  	s2 =	sld [smem:$0x3FA1]  }
0x29: {  	s4 =	sld [smem:$0x3FA3]  }
0x2a: {  	p0 =	seq.s32 s5, $0x0;
	s5 =	sld [smem:$0x3FA4]  }
0x2b: {  	s6 =	sld [smem:$0x3FA5]  }
0x2c: {  	s7 =	sld [smem:$0x3FA6]  }
0x2d: {  	s3 =	simm.s32 $0x108;
	s8 =	sld [smem:$0x3FA7]  }
0x2e: {  	s3 =	simm.s32 @!p0 $0x1082;
	s9 =	sld [smem:$0x3FA8]  }
0x2f: {  	lr =	sadd.s32 s0, s3;
	s0 =	sld [smem:$0x3F9F]  }
0x30: {  	s3 =	sld [smem:$0x3FA2]  }
0x31: {  	[smem:$0x3FAB] =	sst s10  }
0x32: {  	s10 =	sld [smem:$0x3FA9];
	_ =	sdelay $0x3  }
0x33: {  	p0 =	seq.s32 s10, $0x1;
	s10 =	sld [smem:$0x3FAB];
	_ =	sdelay $0x3  }
0x34: {  	[smem:$0x3FAB] =	sst s10  }
0x35: {  	s10 =	sld [smem:$0x3FAA];
	_ =	sdelay $0x3  }
0x36: {  	p1 =	seq.s32 s10, $0x1;
	s10 =	sld [smem:$0x3FAB];
	_ =	sdelay $0x3  }
0x37: {  	[smem:$0x3FAB] =	sst s10  }
0x38: {  	s10 =	sld [smem:$0x3FAC]  }
0x39: {  	_ = 	snop;
	(pc) =	sbr.ind lr, $3  }
0x3a: {  	_ = 	snop  }
0x3b: {  	_ = 	snop  }
0x3c: {  	p2 =	seq.s32 s10, $0x1;
	s10 =	sld [smem:$0x3FAB]  }
0x3d: {  	_ =	shalt  }
0x3e: {  	_ =	shalt  }
0x3f: {  	_ =	shalt  }
0x40: {  	_ =	shalt  }
0x41: {  	_ =	shalt  }
0x42: {  	_ =	shalt  }
0x43: {  	_ =	shalt  }
0x44: {  	_ =	shalt  }
0x45: {  	_ =	shalt  }
0x46: {  	_ =	shalt  }
0x47: {  	_ =	shalt  }
0x48: {  	_ =	shalt  }
0x49: {  	_ =	shalt  }
0x4a: {  	_ =	shalt  }
0x4b: {  	_ =	shalt  }
0x4c: {  	_ =	shalt  }
0x4d: {  	_ =	shalt  }
0x4e: {  	_ =	shalt  }
0x4f: {  	_ =	shalt  }
0x50: {  	_ =	shalt  }
0x51: {  	_ =	shalt  }
0x52: {  	_ =	shalt  }
0x53: {  	_ =	shalt  }
0x54: {  	_ =	shalt  }
0x55: {  	_ =	shalt  }
0x56: {  	_ =	shalt  }
0x57: {  	_ =	shalt  }
0x58: {  	_ =	shalt  }
0x59: {  	_ =	shalt  }
0x5a: {  	_ =	shalt  }
0x5b: {  	_ =	shalt  }
0x5c: {  	_ =	shalt  }
0x5d: {  	_ =	shalt  }
0x5e: {  	_ =	shalt  }
0x5f: {  	_ =	shalt  }
0x60: {  	_ =	shalt  }
0x61: {  	_ =	shalt  }
0x62: {  	_ =	shalt  }
0x63: {  	_ =	shalt  }
0x64: {  	_ =	shalt  }
0x65: {  	_ =	shalt  }
0x66: {  	_ =	shalt  }
0x67: {  	_ =	shalt  }
0x68: {  	_ =	shalt  }
0x69: {  	_ =	shalt  }
0x6a: {  	_ =	shalt  }
0x6b: {  	_ =	shalt  }
0x6c: {  	_ =	shalt  }
0x6d: {  	_ =	shalt  }
0x6e: {  	_ =	shalt  }
0x6f: {  	_ =	shalt  }
0x70: {  	_ =	shalt  }
0x71: {  	_ =	shalt  }
0x72: {  	_ =	shalt  }
0x73: {  	_ =	shalt  }
0x74: {  	_ =	shalt  }
0x75: {  	_ =	shalt  }
0x76: {  	_ =	shalt  }
0x77: {  	_ =	shalt  }
0x78: {  	_ =	shalt  }
0x79: {  	_ =	shalt  }
0x7a: {  	_ =	shalt  }
0x7b: {  	_ =	shalt  }
0x7c: {  	_ =	shalt  }
0x7d: {  	_ =	shalt  }
0x7e: {  	_ =	shalt  }
0x7f: {  	_ =	shalt  }
0x80: {  	_ =	shalt  }
0x81: {  	_ =	shalt  }
0x82: {  	_ =	shalt  }
0x83: {  	_ =	shalt  }
0x84: {  	_ =	shalt  }
0x85: {  	_ =	shalt  }
0x86: {  	_ =	shalt  }
0x87: {  	_ =	shalt  }
.Lfunc_end0:
.L_simem_size_0:
called_computation.6_lowered:
.L_overlay_start_0:
0x88: {  	s2 =	sld [smem:$0x3FD9]  }
0x89: {  	s3 =	sld [smem:$0x3FFE];
	_ =	sdelay $0x1  }
0x8a: {  	s1 =	srdreg.scid  }
0x8b: {  	s0 =	sand.u32 $0x1, s1  }
0x8c: {  	s16 =	sshll.u32 s0, $0xA;
	s2 =	sadd.s32 s3, s2  }
0x8d: {  	s2 =	sadd.s32 s2, s16  }
0x8e: {  	[smem:$0x3FB7] =	sst s2  }
0x8f: {  	_ = 	snop  }
0x90: {  	(tm) =	ssettm $0x1  }
0x91: {  	s17 =	sld [smem:$0x3FFB];
	_ =	sdelay $0x3  }
0x92: {  	_ =	strace s17  }
0x93: {  	s2 =	sld [smem:$0x3FFC];
	_ =	sdelay $0x3  }
0x94: {  	_ =	strace s2  }
0x95: {  	s2 =	sld [smem:$0x3FFD];
	_ =	sdelay $0x3  }
0x96: {  	_ =	strace s2  }
0x97: {  	_ =	strace $0x8FFFFFFF  }
0x98: {  	s18 =	sld [smem:$0x3FDB];
	_ =	sdelay $0x1  }
0x99: {  	s19 =	simm.s32 $_scs_section_size  }
0x9a: {  	s4 =	simm.s32 $_size__tile_overlayer_lowered;
	s5 =	simm.s32 $_tile_overlayer_lowered  }
0x9b: {  	s22 =	simm.s32 $0x1BFF;
	s21 =	sshll.u32 s5, $0x1;
	s2 =	sadd.s32 s19, s18  }
0x9c: {  	s6 =	simm.s32 $0x0;
	s20 =	sshll.u32 s4, $0x1;
	s4 =	sadd.s32 s21, s2  }
0x9d: {  	[timem:s6], [sflag:s22] =	dma.local [hbm:s4], s20  }
0x9e: {  	_ =	swait.ge [sflag:s22], s20  }
0x9f: {  	s3 =	ssub.s32 $0x0, s20;
	[sflag:s22] =	ssyncset.done $0x0  }
0xa0: {  	[sflag:s22] =	ssyncadd.s32 s3;
	_ =	sdelay $0x1  }
0xa1: {  	s23 =	simm.s32 $0x1B8B  }
0xa2: {  	_ =	swait.ge [sflag:s23], $0x1  }
0xa3: {  	[sflag:s23] =	ssyncset.done $0x0  }
0xa4: {  	s25 =	simm.s32 $0x1B8E;
	s24 =	sld [smem:$0x3FFE];
	[sflag:s23] =	ssyncadd.s32 $0xFFFFFFFF  }
0xa5: {  	s26 =	simm.s32 $execute0_lowered;
	[smem:$0x3FD2] =	sst s25  }
0xa6: {  	s4 =	sshll.u32 s26, $0x1;
	_ =	strace $0x80000058;
	[dreg:$0x1] =	wrdreg $0xFFFFFFFF  }
0xa7: {  	s28 =	simm.s32 $_size_execute0_lowered;
	s2 =	sadd.s32 s2, s4;
	[dreg:$0x0] =	wrdreg $0x0  }
0xa8: {  	s4 =	sshll.u32 s28, $0x1;
	[dreg:$0x2] =	wrdreg s2  }
0xa9: {  	[dreg:$0x3] =	wrdreg s4  }
0xaa: {  	[dreg:$0x4] =	wrdreg $0xC0  }
0xab: {  	_ =	task [dreg:s6], $0x5FFFF  }
0xac: {  	[dreg:$0x1] =	wrdreg $0xFFFFFFFF  }
0xad: {  	[dreg:$0x0] =	wrdreg $0x60  }
0xae: {  	[dreg:$0x2] =	wrdreg s24  }
0xaf: {  	[dreg:$0x3] =	wrdreg $0x9  }
0xb0: {  	_ =	task.clear_ibuf [dreg:s6], $0x4FFFF;
	_ =	strace $0x90000058  }
0xb1: {  	s29 =	simm.s32 $0x9;
	_ =	strace $0x8000005A  }
0xb2: {  	_ =	swait.ge [sflag:s29], $0x1  }
0xb3: {  	[sflag:s29] =	ssyncadd.s32 $0xFFFFFFFF  }
0xb4: {  	_ =	strace $0x9000005A  }
0xb5: {  	_ =	sfence  }
0xb6: {  	s30 =	sld [smem:$0x0];
	_ =	sdelay $0x2  }
0xb7: {  	s31 =	sshll.u32 s1, $0xD;
	s1 =	sshrl.u32 s1, $0x2  }
0xb8: {  	s3 =	sand.u32 $0x4000, s31;
	s1 =	sadd.s32 s1, s30  }
0xb9: {  	s0 =	sor.u32 s3, s0;
	s1 =	sshll.u32 s1, $0x11  }
0xba: {  	s0 =	sor.u32 s1, s0  }
0xbb: {  	s0 =	sadd.s32 $0x8F2B, s0  }
0xbc: {  	[sflag:s0] =	ssyncadd.remote.s32 $0x1  }
0xbd: {  	_ =	sfence.sel $0xFFFF  }
0xbe: {  	[dreg:$0x0] =	wrdreg $0xFFFFFFFF;
	(pc) =	sbr.abs _section_cstart, $3  }
0xbf: {  	[dreg:$0x1] =	wrdreg $0xFFFFFFFF  }
0xc0: {  	_ =	task.clear_ibuf [dreg:s6], $0x2FFFF;
	_ =	strace $0x9FFFFFFF  }
0xc1: {  	(tm) =	ssettm $0x7FFFFFFF  }
tec
execute0_lowered:
.L_overlay_start_1:
0x0: {  	(tag) =	ssettag $0x1  }
0x1: {  	s7 =	rddreg [dreg:$0x0]  }
0x2: {  	s0 =	rddreg [dreg:$0x1];
	_ =	strace $0x80000059  }
0x3: {  	s1 =	srdreg.scid;
	s4 =	simm.s32 $0x1;
	s9 =	simm.s32 $0x3  }
0x4: {  	s11 =	simm.s32 $0x0;
	p0 =	por $0x0, $0x0;
	s5 =	sshll.u32 s1, $0x4  }
.Ltmp0:
0x5: {  	s1 =	stileid.u32;
	s5 =	sand.u32 $0x10, s5;
	(pc) =	sbr.rel .LBB2_1-.Ltmp0, $4  }
0x6: {  	s2 =	sadd.s32 $0x8E200, s7;
	s3 =	sadd.s32 $0x18E200, s7;
	s6 =	sor.u32 s1, s5  }
0x7: {  	[sflag:s4] =	ssyncpa.u1 $0x0;
	s5 =	simm.s32 $0x2;
	s6 =	sshll.u32 s6, $0xB  }
0x8: {  	s7 =	sadd.s32 $0x19B200, s7;
	[sflag:s5] =	ssyncpa.u1 $0x0;
	s8 =	sadd.s32 $0x800, s6  }
0x9: {  	vm0 =	vmmov $0xff;
	vm1 =	vcmask $0x3F20;
	[sflag:s9] =	ssyncpa.u1 $0x0;
	s10 =	smov.u32 s6;
	s9 =	simm.s32 $0x0  }
.LBB2_7:
0xa: {  	p1 =	slt.u32 s9, $0x2;
	s11 =	sadd.s32 $0x100, s10  }
0xb: {  	s13 =	smov.u32 s6;
	s9 =	sadd.s32 $0x1, s9;
	p2 =	slt.s32 s11, s8  }
0xc: {  	s13 =	smov.u32 @p2 s11;
	p2 =	sne.s32 s9, $0xA  }
.Ltmp1:
0xd: {  	_ = 	snop;
	(pc) =	sbr.rel @!p2 .LBB2_8-.Ltmp1, $4  }
0xe: {  	s12 =	simm.s32 @!p1 $0x3  }
0xf: {  	_ =	swait.ge @!p1 [sflag:s12], $0x8000  }
0x10: {  	p0 =	por !p0, !p0;
	[sflag:s12] =	ssyncset.done @!p1 $0x0  }
0x11: {  	s11 =	smov.u32 s10;
	s10 =	smov.u32 s13;
	[sflag:s12] =	ssyncadd.s32 @!p1 $0xFFFF8000  }
.LBB2_1:
0x12: {  	p1 =	sgt.u32 s9, $0x7  }
0x13: {  	s12 =	sxor.u32 @!p1 $0xFFFFFFFF, s9  }
0x14: {  	s13 =	sshrl.u32 @!p1 s10, $0x3;
	s12 =	sshll.u32 @!p1 s12, $0x8  }
0x15: {  	s14 =	sand.u32 @!p1 $0x7, s10;
	s13 =	sadd.s32 @!p1 s3, s13;
	s12 =	sand.u32 @!p1 $0x100, s12  }
0x16: {  	[tilespmem:s12], [sflag:$0x2] =	stream.linear.gather @!p1 [hbm4b:s13+s14], $0x100, $0x38;
	[tilespmem:$0x10200] =	vst v63  }
0x17: {  	p1 =	seq.s32 s9, $0x0  }
0x18: {  	p2 =	seq.s32 @!p1 s9, $0x9  }
0x19: {  	p1 =	por p1, p2  }
.Ltmp2:
0x1a: {  	_ = 	snop;
	(pc) =	sbr.rel @p1 .LBB2_7-.Ltmp2, $1  }
0x1b: {  	_ =	sdelay $0x3  }
0x1c: {  	s12 =	simm.s32 $0x1  }
0x1d: {  	_ =	swait.ge [sflag:s5], $0x100;
	s12 =	simm.s32 @!p0 $0x0  }
0x1e: {  	[sflag:s5] =	ssyncset.done $0x0;
	s14 =	sshll.u32 s12, $0x8  }
0x1f: {  	[sflag:s5] =	ssyncadd.s32 $0xFFFFFF00;
	s13 =	sadd.s32 $0x0, s14  }
0x20: {  	v0 =	vld.msk [tilespmem:s13+$0x0 ss:$0x1], $0xffff;
	_ =	sdelay $0x4  }
0x21: {  	vm2 =	veq.s32 v0, $0x80000000  }
0x22: {  	v1 =	vshll.u32 v0, $0x15;
	v2 =	vshll.u32 v0, $0x11;
	v0 =	vshll.u32 v0, $0x3  }
0x23: {  	v1 =	vand.u32 $0x600000, v1;
	v2 =	vand.u32 $0x180000, v2;
	v0 =	vand.u32 $0x7FF80, v0  }
0x24: {  	v1 =	vor.u32 v2, v1;
	v0 =	vsel vm2, $0xFFFFFF80, v0  }
0x25: {  	v1 =	vsel vm2, $0xFFD80000, v1;
	v2 =	vand.u32 $0xFFFFFC00, v0  }
0x26: {  	v0 =	vand.u32 $0x380, v0;
	v1 =	vadd.s32 v2, v1  }
0x27: {  	v0 =	vor.u32 v0, v1  }
0x28: {  	v0 =	vshrl.u32 v0, $0x3;
	_ =	sdelay $0x2  }
0x29: {  	s12 =	sshll.u32 s12, $0xF  }
0x2a: {  	s12 =	sor.u32 $0x200, s12  }
0x2b: {  	[tilespmem:s12], [sflag:$0x1] =	stream.indirect_vreg.gather [hbm:s2], $0x80, v0, vm0, $0x38;
	[tilespmem:$0x10200] =	vst v63  }
0x2c: {  	s15 =	sadd.s32 $0x10, s14;
	s13 =	sadd.s32 $0x400, s12  }
0x2d: {  	[tilespmem:s13], [sflag:$0x1] =	stream.indirect_vreg.gather [hbm:s2], $0x80, v0, vm1, $0x38;
	[tilespmem:$0x10200] =	vst v63  }
0x2e: {  	s16 =	simm.s32 $0x80;
	v0 =	vld.msk [tilespmem:s15+$0x0 ss:$0x1], $0xffff;
	s15 =	smov.u32 s12  }
.LBB2_3:
0x2f: {  	p1 =	sne.s32 s16, $0x3C0;
	_ =	sdelay $0x4  }
0x30: {  	vm2 =	veq.s32 v0, $0x80000000  }
0x31: {  	v1 =	vshll.u32 v0, $0x15;
	v2 =	vshll.u32 v0, $0x11;
	v0 =	vshll.u32 v0, $0x3  }
0x32: {  	v1 =	vand.u32 $0x600000, v1;
	v2 =	vand.u32 $0x180000, v2;
	v0 =	vand.u32 $0x7FF80, v0  }
0x33: {  	v1 =	vor.u32 v2, v1;
	v0 =	vsel vm2, $0xFFFFFF80, v0  }
0x34: {  	v1 =	vsel vm2, $0xFFD80000, v1;
	v2 =	vand.u32 $0xFFFFFC00, v0  }
0x35: {  	v0 =	vand.u32 $0x380, v0;
	v1 =	vadd.s32 v2, v1  }
0x36: {  	v0 =	vor.u32 v0, v1  }
0x37: {  	v0 =	vshrl.u32 v0, $0x3;
	_ =	sdelay $0x3  }
.Ltmp3:
0x38: {  	s17 =	sshra.s32 s16, $0x2;
	s15 =	sadd.s32 $0x800, s15;
	(pc) =	sbr.rel @p1 .LBB2_3-.Ltmp3, $4  }
0x39: {  	[tilespmem:s15], [sflag:$0x1] =	stream.indirect_vreg.gather [hbm:s2], $0x80, v0, vm0, $0x38;
	[tilespmem:$0x10200] =	vst v63  }
0x3a: {  	s17 =	sadd.s32 s17, s14;
	s18 =	sadd.s32 $0x400, s15  }
0x3b: {  	[tilespmem:s18], [sflag:$0x1] =	stream.indirect_vreg.gather [hbm:s2], $0x80, v0, vm1, $0x38;
	[tilespmem:$0x10200] =	vst v63  }
0x3c: {  	s16 =	sadd.s32 $0x40, s16;
	v0 =	vld.msk [tilespmem:s17+$0x0 ss:$0x1], $0xffff  }
0x3d: {  	_ =	sdelay $0x3  }
0x3e: {  	vm2 =	veq.s32 v0, $0x80000000  }
0x3f: {  	v1 =	vshll.u32 v0, $0x15;
	v2 =	vshll.u32 v0, $0x11;
	v62 =	vshll.u32 v0, $0x3  }
0x40: {  	v1 =	vand.u32 $0x600000, v1;
	v2 =	vand.u32 $0x180000, v2;
	v0 =	vand.u32 $0x7FF80, v62  }
0x41: {  	v1 =	vor.u32 v2, v1;
	v0 =	vsel vm2, $0xFFFFFF80, v0  }
0x42: {  	v1 =	vsel vm2, $0xFFD80000, v1;
	v63 =	vand.u32 $0xFFFFFC00, v0  }
0x43: {  	v0 =	vand.u32 $0x380, v0;
	v1 =	vadd.s32 v63, v1  }
0x44: {  	v0 =	vor.u32 v0, v1  }
0x45: {  	v0 =	vshrl.u32 v0, $0x3;
	_ =	sdelay $0x3  }
0x46: {  	s14 =	sadd.s32 $0x800, s15  }
0x47: {  	[tilespmem:s14], [sflag:$0x1] =	stream.indirect_vreg.gather [hbm:s2], $0x80, v0, vm0, $0x38;
	[tilespmem:$0x10200] =	vst v63  }
0x48: {  	s14 =	sadd.s32 $0x400, s14  }
0x49: {  	[tilespmem:s14], [sflag:$0x1] =	stream.indirect_vreg.gather [hbm:s2], $0x80, v0, vm1, $0x38;
	[tilespmem:$0x10200] =	vst v63  }
0x4a: {  	s11 =	sshll.u32 s11, $0x4;
	_ =	swait.ge [sflag:s4], $0x8000  }
0x4b: {  	s11 =	sadd.s32 s11, s7;
	[sflag:s4] =	ssyncset.done $0x0  }
0x4c: {  	s15 =	sadd.s32 $0x0, s11;
	s14 =	simm.s32 $0x80;
	[sflag:s4] =	ssyncadd.s32 $0xFFFF8000  }
.LBB2_5:
0x4d: {  	[hbm:s15] =	stream.linear.scatter [tilespmem:s12], [sflag:$0x3], $0x400, $0x38;
	[tilespmem:$0x10200] =	vst v63  }
0x4e: {  	s15 =	smov.u32 s14;
	s12 =	smov.u32 s13;
	p1 =	sne.s32 s14, $0xF80  }
.Ltmp4:
0x4f: {  	s14 =	sadd.s32 $0x80, s14;
	(pc) =	sbr.rel @p1 .LBB2_5-.Ltmp4, $2  }
0x50: {  	_ =	sdelay $0x2  }
0x51: {  	s13 =	sadd.s32 $0x400, s13;
	s15 =	sadd.s32 s15, s11  }
.Ltmp5:
0x52: {  	(pc) =	sbr.rel .LBB2_7-.Ltmp5, $2  }
0x53: {  	_ =	sdelay $0x2  }
0x54: {  	[hbm:s15] =	stream.linear.scatter [tilespmem:s12], [sflag:$0x3], $0x400, $0x38;
	[tilespmem:$0x10200] =	vst v63  }
.LBB2_8:
0x55: {  	_ =	sfence.sel $0x180000  }
0x56: {  	s2 =	simm.s32 $0x2;
	[bflag:$0x0] =	sbarrier.arrive $0xFFFF  }
0x57: {  	s30 =	simm.s32 $0x3;
	[sflag:s2] =	ssyncpa.u1 $0x1  }
0x58: {  	s31 =	simm.s32 $0x1;
	[sflag:s30] =	ssyncpa.u1 $0x1  }
0x59: {  	[sflag:s31] =	ssyncpa.u1 $0x1  }
0x5a: {  	p0 =	sne.s32 s1, $0x0;
	_ =	strace $0x90000059  }
0x5b: {  	s0 =	sadd.s32 @!p0 $0x100000, s0;
	[bflag:$0x2] =	sbarrier.arrive $0xFFFF  }
0x5c: {  	[sflag:s0] =	ssyncadd.tile.s32 @!p0 $0x1;
	_ =	shalt  }
.Lfunc_end2:
_tile_overlayer_lowered:
.L_overlay_start_2:
0x5d: {  	(tag) =	ssettag $0x2  }
0x5e: {  	s0 =	rddreg [dreg:$0x0];
	s2 =	stileid.u32  }
0x5f: {  	s1 =	rddreg [dreg:$0x1];
	p0 =	sne.s32 s2, $0x0  }
0x60: {  	s3 =	rddreg [dreg:$0x2];
	[bflag:$0x3] =	sbarrier.arrive $0xFFFF;
	s2 =	simm.s32 @!p0 $0x1C01  }
0x61: {  	[timem:s3], [sflag:s2] =	dma.local @!p0 [hbm:s0], s1  }
0x62: {  	s0 =	simm.s32 @!p0 $0x1  }
0x63: {  	_ =	swait.ge @!p0 [sflag:s0], s1  }
0x64: {  	s1 =	ssub.s32 @!p0 $0x0, s1;
	[sflag:s0] =	ssyncset.done @!p0 $0x0  }
0x65: {  	[sflag:s0] =	ssyncadd.s32 @!p0 s1  }
0x66: {  	[bflag:$0x3] =	sbarrier.arrive $0xFFFF  }
0x67: {  	_ =	shalt  }

// kernel: gather_offload_async_start.7
scs
__scs_entry_jumppad:
0x0: {  	(pc) =	sbr.rel $0x88, $3  }
0x1: {  	(tag) =	ssettag $0x0;
	lr =	simm.s32 $0x1  }
0x2: {  	[smem:$0x3F90] =	sst lr;
	_ =	strace $0xD0000000  }
0x3: {  	_ = 	snop  }
0x4: {  	_ = 	snop  }
0x5: {  	_ = 	snop  }
0x6: {  	_ = 	snop  }
0x7: {  	_ = 	snop  }
__scs_overlays_trampoline_lowered:
0x8: {  	[smem:$0x3F9F] =	sst s0  }
0x9: {  	[smem:$0x3FA0] =	sst s1  }
0xa: {  	[smem:$0x3FA1] =	sst s2  }
0xb: {  	[smem:$0x3FA2] =	sst s3  }
0xc: {  	[smem:$0x3FA3] =	sst s4  }
0xd: {  	[smem:$0x3FA4] =	sst s5  }
0xe: {  	[smem:$0x3FA5] =	sst s6  }
0xf: {  	[smem:$0x3FA6] =	sst s7  }
0x10: {  	[smem:$0x3FA7] =	sst s8  }
0x11: {  	[smem:$0x3FA8] =	sst s9;
	s0 =	simm.s32 @!p0 $0x0  }
0x12: {  	s1 =	sld [smem:$0x3F8E];
	s0 =	simm.s32 @p0 $0x1  }
0x13: {  	[smem:$0x3FA9] =	sst s0;
	s0 =	simm.s32 @!p1 $0x0  }
0x14: {  	s2 =	sld [smem:$0x3F8D];
	s0 =	simm.s32 @p1 $0x1  }
0x15: {  	[smem:$0x3FAA] =	sst s0;
	s0 =	simm.s32 @!p2 $0x0  }
0x16: {  	s3 =	sld [smem:$0x3FDB];
	s0 =	simm.s32 @p2 $0x1  }
0x17: {  	s4 =	simm.s32 $0x1BF5;
	[smem:$0x3FAC] =	sst s0  }
0x18: {  	s0 =	sld [smem:$0x3F8F];
	_ =	swait.ge [sflag:s4], $0x0  }
0x19: {  	s7 =	sld [smem:$0x3F90]  }
0x1a: {  	s8 =	sadd.s32 $0xFFFFE003, lr  }
0x1b: {  	s9 =	sadd.s32 $0xFFFFFEF7, lr;
	s5 =	simm.s32 $0xFFFFFFFF;
	p2 =	slt.u32 s8, $0xFFFFF086  }
0x1c: {  	p1 =	slt.u32 s9, $0xF7A;
	s5 =	simm.s32 @!p2 $0x0  }
0x1d: {  	s5 =	simm.s32 @p1 $0x1;
	p0 =	seq.s32 s7, s2  }
0x1e: {  	s7 =	smul.u32 @!p0 $0xF7A, s2;
	p2 =	seq.s32 @!p0 s5, $0x0  }
0x1f: {  	s9 =	smul.u32 $0xF7A, s1;
	s8 =	simm.s32 @!p0 $0x1BF5;
	p2 =	por !p2, p0  }
0x20: {  	[sflag:s8] =	ssyncset.s32 @!p0 $0xFFFFF086;
	s6 =	sadd.s32 @!p0 s3, s7;
	s7 =	simm.s32 @!p0 $0x108  }
0x21: {  	s3 =	sadd.s32 s3, s9;
	s6 =	sadd.s32 @!p0 $0x88, s6;
	s7 =	simm.s32 @p2 $0x1082  }
0x22: {  	[simem:s7], [sflag:s8] =	dma.local @!p0 [hbm:s6], $0xF7A  }
0x23: {  	s9 =	sor.u32 $0xD0000000, s2;
	s6 =	simm.s32 $0x108;
	_ =	swait.ge @!p0 [sflag:s8], $0x0  }
0x24: {  	s3 =	sadd.s32 $0x88, s3;
	s6 =	simm.s32 @!p1 $0x1082;
	[sflag:s4] =	ssyncset.s32 $0xFFFFF086  }
0x25: {  	[simem:s6], [sflag:s4] =	dma.local [hbm:s3], $0xF7A  }
0x26: {  	[smem:$0x3F90] =	sst s1;
	(tag) =	ssettag s2;
	_ =	strace s9  }
0x27: {  	s1 =	sld [smem:$0x3FA0]  }
0x28: {  	s2 =	sld [smem:$0x3FA1]  }
0x29: {  	s4 =	sld [smem:$0x3FA3]  }
0x2a: {  	p0 =	seq.s32 s5, $0x0;
	s5 =	sld [smem:$0x3FA4]  }
0x2b: {  	s6 =	sld [smem:$0x3FA5]  }
0x2c: {  	s7 =	sld [smem:$0x3FA6]  }
0x2d: {  	s3 =	simm.s32 $0x108;
	s8 =	sld [smem:$0x3FA7]  }
0x2e: {  	s3 =	simm.s32 @!p0 $0x1082;
	s9 =	sld [smem:$0x3FA8]  }
0x2f: {  	lr =	sadd.s32 s0, s3;
	s0 =	sld [smem:$0x3F9F]  }
0x30: {  	s3 =	sld [smem:$0x3FA2]  }
0x31: {  	[smem:$0x3FAB] =	sst s10  }
0x32: {  	s10 =	sld [smem:$0x3FA9];
	_ =	sdelay $0x3  }
0x33: {  	p0 =	seq.s32 s10, $0x1;
	s10 =	sld [smem:$0x3FAB];
	_ =	sdelay $0x3  }
0x34: {  	[smem:$0x3FAB] =	sst s10  }
0x35: {  	s10 =	sld [smem:$0x3FAA];
	_ =	sdelay $0x3  }
0x36: {  	p1 =	seq.s32 s10, $0x1;
	s10 =	sld [smem:$0x3FAB];
	_ =	sdelay $0x3  }
0x37: {  	[smem:$0x3FAB] =	sst s10  }
0x38: {  	s10 =	sld [smem:$0x3FAC]  }
0x39: {  	_ = 	snop;
	(pc) =	sbr.ind lr, $3  }
0x3a: {  	_ = 	snop  }
0x3b: {  	_ = 	snop  }
0x3c: {  	p2 =	seq.s32 s10, $0x1;
	s10 =	sld [smem:$0x3FAB]  }
0x3d: {  	_ =	shalt  }
0x3e: {  	_ =	shalt  }
0x3f: {  	_ =	shalt  }
0x40: {  	_ =	shalt  }
0x41: {  	_ =	shalt  }
0x42: {  	_ =	shalt  }
0x43: {  	_ =	shalt  }
0x44: {  	_ =	shalt  }
0x45: {  	_ =	shalt  }
0x46: {  	_ =	shalt  }
0x47: {  	_ =	shalt  }
0x48: {  	_ =	shalt  }
0x49: {  	_ =	shalt  }
0x4a: {  	_ =	shalt  }
0x4b: {  	_ =	shalt  }
0x4c: {  	_ =	shalt  }
0x4d: {  	_ =	shalt  }
0x4e: {  	_ =	shalt  }
0x4f: {  	_ =	shalt  }
0x50: {  	_ =	shalt  }
0x51: {  	_ =	shalt  }
0x52: {  	_ =	shalt  }
0x53: {  	_ =	shalt  }
0x54: {  	_ =	shalt  }
0x55: {  	_ =	shalt  }
0x56: {  	_ =	shalt  }
0x57: {  	_ =	shalt  }
0x58: {  	_ =	shalt  }
0x59: {  	_ =	shalt  }
0x5a: {  	_ =	shalt  }
0x5b: {  	_ =	shalt  }
0x5c: {  	_ =	shalt  }
0x5d: {  	_ =	shalt  }
0x5e: {  	_ =	shalt  }
0x5f: {  	_ =	shalt  }
0x60: {  	_ =	shalt  }
0x61: {  	_ =	shalt  }
0x62: {  	_ =	shalt  }
0x63: {  	_ =	shalt  }
0x64: {  	_ =	shalt  }
0x65: {  	_ =	shalt  }
0x66: {  	_ =	shalt  }
0x67: {  	_ =	shalt  }
0x68: {  	_ =	shalt  }
0x69: {  	_ =	shalt  }
0x6a: {  	_ =	shalt  }
0x6b: {  	_ =	shalt  }
0x6c: {  	_ =	shalt  }
0x6d: {  	_ =	shalt  }
0x6e: {  	_ =	shalt  }
0x6f: {  	_ =	shalt  }
0x70: {  	_ =	shalt  }
0x71: {  	_ =	shalt  }
0x72: {  	_ =	shalt  }
0x73: {  	_ =	shalt  }
0x74: {  	_ =	shalt  }
0x75: {  	_ =	shalt  }
0x76: {  	_ =	shalt  }
0x77: {  	_ =	shalt  }
0x78: {  	_ =	shalt  }
0x79: {  	_ =	shalt  }
0x7a: {  	_ =	shalt  }
0x7b: {  	_ =	shalt  }
0x7c: {  	_ =	shalt  }
0x7d: {  	_ =	shalt  }
0x7e: {  	_ =	shalt  }
0x7f: {  	_ =	shalt  }
0x80: {  	_ =	shalt  }
0x81: {  	_ =	shalt  }
0x82: {  	_ =	shalt  }
0x83: {  	_ =	shalt  }
0x84: {  	_ =	shalt  }
0x85: {  	_ =	shalt  }
0x86: {  	_ =	shalt  }
0x87: {  	_ =	shalt  }
.Lfunc_end0:
.L_simem_size_0:
called_computation.7_lowered:
.L_overlay_start_0:
0x88: {  	s2 =	sld [smem:$0x3FD9]  }
0x89: {  	s3 =	sld [smem:$0x3FFE];
	_ =	sdelay $0x1  }
0x8a: {  	s1 =	srdreg.scid  }
0x8b: {  	s0 =	sand.u32 $0x1, s1  }
0x8c: {  	s17 =	sshll.u32 s0, $0xA;
	s2 =	sadd.s32 s3, s2  }
0x8d: {  	s2 =	sadd.s32 s2, s17  }
0x8e: {  	[smem:$0x3FB7] =	sst s2  }
0x8f: {  	_ = 	snop  }
0x90: {  	(tm) =	ssettm $0x1  }
0x91: {  	s18 =	sld [smem:$0x3FFB];
	_ =	sdelay $0x3  }
0x92: {  	_ =	strace s18  }
0x93: {  	s2 =	sld [smem:$0x3FFC];
	_ =	sdelay $0x3  }
0x94: {  	_ =	strace s2  }
0x95: {  	s2 =	sld [smem:$0x3FFD];
	_ =	sdelay $0x3  }
0x96: {  	_ =	strace s2  }
0x97: {  	_ =	strace $0x8FFFFFFF  }
0x98: {  	s19 =	sld [smem:$0x3FDB];
	_ =	sdelay $0x1  }
0x99: {  	s20 =	simm.s32 $_scs_section_size  }
0x9a: {  	s4 =	simm.s32 $_size__tile_overlayer_lowered;
	s5 =	simm.s32 $_tile_overlayer_lowered  }
0x9b: {  	s6 =	simm.s32 $0x1BFF;
	s21 =	sshll.u32 s5, $0x1;
	s3 =	sadd.s32 s20, s19  }
0x9c: {  	s22 =	simm.s32 $0x0;
	s4 =	sshll.u32 s4, $0x1;
	s5 =	sadd.s32 s21, s3  }
0x9d: {  	[timem:s22], [sflag:s6] =	dma.local [hbm:s5], s4  }
0x9e: {  	_ =	swait.ge [sflag:s6], s4  }
0x9f: {  	s4 =	ssub.s32 $0x0, s4;
	[sflag:s6] =	ssyncset.done $0x0  }
0xa0: {  	[sflag:s6] =	ssyncadd.s32 s4;
	_ =	sdelay $0x1  }
0xa1: {  	s23 =	simm.s32 $0x1B8B  }
0xa2: {  	_ =	swait.ge [sflag:s23], $0x1  }
0xa3: {  	[sflag:s23] =	ssyncset.done $0x0  }
0xa4: {  	[sflag:s23] =	ssyncadd.s32 $0xFFFFFFFF  }
0xa5: {  	s4 =	sld [smem:$0x0]  }
0xa6: {  	s5 =	sand.u32 $0xFFFFFFFE, s1  }
0xa7: {  	p0 =	sne.s32 s1, s5  }
0xa8: {  	s5 =	sshll.u32 @p0 s5, $0xE  }
0xa9: {  	s5 =	sadd.s32 @p0 $0x11B8D, s5;
	s6 =	sshll.u32 @p0 s4, $0x11  }
0xaa: {  	s5 =	sor.u32 @p0 s6, s5  }
0xab: {  	[sflag:s5] =	ssyncadd.remote.s32 @p0 $0x1;
	_ =	sdelay $0x1  }
0xac: {  	s5 =	simm.s32 @p0 $0x1B8D  }
0xad: {  	_ =	swait.eq @p0 [sflag:s5], $0x1  }
0xae: {  	[sflag:s5] =	ssyncadd.s32 @p0 $0xFFFFFFFF  }
0xaf: {  	s6 =	sshll.u32 @!p0 s1, $0xE  }
0xb0: {  	s6 =	sor.u32 @!p0 $0x4000, s6;
	s5 =	simm.s32 @!p0 $0x1B8D  }
0xb1: {  	s4 =	sshll.u32 @!p0 s4, $0x11;
	s6 =	sadd.s32 @!p0 $0x11B8D, s6;
	_ =	swait.eq @!p0 [sflag:s5], $0x1  }
0xb2: {  	s4 =	sor.u32 @!p0 s4, s6;
	[sflag:s5] =	ssyncadd.s32 @!p0 $0xFFFFFFFF  }
0xb3: {  	s25 =	simm.s32 $0x1B8E;
	s24 =	sld [smem:$0x3FFE];
	[sflag:s4] =	ssyncadd.remote.s32 @!p0 $0x1  }
0xb4: {  	s26 =	simm.s32 $execute0_lowered;
	[smem:$0x3FD2] =	sst s25  }
0xb5: {  	s5 =	sshll.u32 s26, $0x1;
	_ =	strace $0x8000005B;
	[dreg:$0x1] =	wrdreg $0xFFFFFFFF  }
0xb6: {  	s28 =	simm.s32 $_size_execute0_lowered;
	s3 =	sadd.s32 s3, s5;
	[dreg:$0x0] =	wrdreg $0x0  }
0xb7: {  	s5 =	sshll.u32 s28, $0x1;
	[dreg:$0x2] =	wrdreg s3  }
0xb8: {  	[dreg:$0x3] =	wrdreg s5  }
0xb9: {  	[dreg:$0x4] =	wrdreg $0xC0  }
0xba: {  	_ =	task [dreg:s22], $0x5FFFF  }
0xbb: {  	[dreg:$0x1] =	wrdreg $0xFFFFFFFF  }
0xbc: {  	[dreg:$0x0] =	wrdreg $0x60  }
0xbd: {  	[dreg:$0x2] =	wrdreg s24  }
0xbe: {  	[dreg:$0x3] =	wrdreg $0xA  }
0xbf: {  	_ =	task.clear_ibuf [dreg:s22], $0x4FFFF;
	_ =	strace $0x9000005B  }
0xc0: {  	s29 =	simm.s32 $0xA;
	_ =	strace $0x8000005D  }
0xc1: {  	_ =	swait.ge [sflag:s29], $0x1  }
0xc2: {  	[sflag:s29] =	ssyncadd.s32 $0xFFFFFFFF  }
0xc3: {  	_ =	strace $0x9000005D  }
0xc4: {  	_ =	sfence  }
0xc5: {  	s30 =	sld [smem:$0x0];
	_ =	sdelay $0x2  }
0xc6: {  	s31 =	sshll.u32 s1, $0xD;
	s1 =	sshrl.u32 s1, $0x2  }
0xc7: {  	s4 =	sand.u32 $0x4000, s31;
	s1 =	sadd.s32 s1, s30  }
0xc8: {  	s0 =	sor.u32 s4, s0;
	s1 =	sshll.u32 s1, $0x11  }
0xc9: {  	s0 =	sor.u32 s1, s0  }
0xca: {  	s0 =	sadd.s32 $0x8F2B, s0  }
0xcb: {  	[sflag:s0] =	ssyncadd.remote.s32 $0x1  }
0xcc: {  	_ =	sfence.sel $0xFFFF  }
0xcd: {  	[dreg:$0x0] =	wrdreg $0xFFFFFFFF;
	(pc) =	sbr.abs _section_cstart, $3  }
0xce: {  	[dreg:$0x1] =	wrdreg $0xFFFFFFFF  }
0xcf: {  	_ =	task.clear_ibuf [dreg:s22], $0x2FFFF;
	_ =	strace $0x9FFFFFFF  }
0xd0: {  	(tm) =	ssettm $0x7FFFFFFF  }
0xd1: {  	_ =	shalt  }
tec
execute0_lowered:
.L_overlay_start_1:
0x0: {  	(tag) =	ssettag $0x1  }
0x1: {  	s7 =	rddreg [dreg:$0x0]  }
0x2: {  	s0 =	rddreg [dreg:$0x1];
	_ =	strace $0x8000005C  }
0x3: {  	s1 =	srdreg.scid;
	s4 =	simm.s32 $0x1;
	s9 =	simm.s32 $0x3  }
0x4: {  	s11 =	simm.s32 $0x0;
	p0 =	por $0x0, $0x0;
	s5 =	sshll.u32 s1, $0x4  }
.Ltmp0:
0x5: {  	s1 =	stileid.u32;
	s5 =	sand.u32 $0x10, s5;
	(pc) =	sbr.rel .LBB2_1-.Ltmp0, $4  }
0x6: {  	s2 =	sadd.s32 $0x29B200, s7;
	s3 =	sadd.s32 $0x18E200, s7;
	s6 =	sor.u32 s1, s5  }
0x7: {  	[sflag:s4] =	ssyncpa.u1 $0x0;
	s5 =	simm.s32 $0x2;
	s6 =	sshll.u32 s6, $0xB  }
0x8: {  	s7 =	sadd.s32 $0x39B200, s7;
	[sflag:s5] =	ssyncpa.u1 $0x0;
	s8 =	sadd.s32 $0x800, s6  }
0x9: {  	vm0 =	vmmov $0xff;
	vm1 =	vcmask $0x3F20;
	[sflag:s9] =	ssyncpa.u1 $0x0;
	s10 =	smov.u32 s6;
	s9 =	simm.s32 $0x0  }
.LBB2_7:
0xa: {  	p1 =	slt.u32 s9, $0x2;
	s11 =	sadd.s32 $0x100, s10  }
0xb: {  	s13 =	smov.u32 s6;
	s9 =	sadd.s32 $0x1, s9;
	p2 =	slt.s32 s11, s8  }
0xc: {  	s13 =	smov.u32 @p2 s11;
	p2 =	sne.s32 s9, $0xA  }
.Ltmp1:
0xd: {  	_ = 	snop;
	(pc) =	sbr.rel @!p2 .LBB2_8-.Ltmp1, $4  }
0xe: {  	s12 =	simm.s32 @!p1 $0x3  }
0xf: {  	_ =	swait.ge @!p1 [sflag:s12], $0x8000  }
0x10: {  	p0 =	por !p0, !p0;
	[sflag:s12] =	ssyncset.done @!p1 $0x0  }
0x11: {  	s11 =	smov.u32 s10;
	s10 =	smov.u32 s13;
	[sflag:s12] =	ssyncadd.s32 @!p1 $0xFFFF8000  }
.LBB2_1:
0x12: {  	p1 =	sgt.u32 s9, $0x7  }
0x13: {  	s12 =	sxor.u32 @!p1 $0xFFFFFFFF, s9  }
0x14: {  	s13 =	sshrl.u32 @!p1 s10, $0x3;
	s12 =	sshll.u32 @!p1 s12, $0x8  }
0x15: {  	s14 =	sand.u32 @!p1 $0x7, s10;
	s13 =	sadd.s32 @!p1 s3, s13;
	s12 =	sand.u32 @!p1 $0x100, s12  }
0x16: {  	[tilespmem:s12], [sflag:$0x2] =	stream.linear.gather @!p1 [hbm4b:s13+s14], $0x100, $0x38;
	[tilespmem:$0x10200] =	vst v63  }
0x17: {  	p1 =	seq.s32 s9, $0x0  }
0x18: {  	p2 =	seq.s32 @!p1 s9, $0x9  }
0x19: {  	p1 =	por p1, p2  }
.Ltmp2:
0x1a: {  	_ = 	snop;
	(pc) =	sbr.rel @p1 .LBB2_7-.Ltmp2, $1  }
0x1b: {  	_ =	sdelay $0x3  }
0x1c: {  	s12 =	simm.s32 $0x1  }
0x1d: {  	_ =	swait.ge [sflag:s5], $0x100;
	s12 =	simm.s32 @!p0 $0x0  }
0x1e: {  	[sflag:s5] =	ssyncset.done $0x0;
	s14 =	sshll.u32 s12, $0x8  }
0x1f: {  	[sflag:s5] =	ssyncadd.s32 $0xFFFFFF00;
	s13 =	sadd.s32 $0x0, s14  }
0x20: {  	v0 =	vld.msk [tilespmem:s13+$0x0 ss:$0x1], $0xffff;
	_ =	sdelay $0x4  }
0x21: {  	vm2 =	veq.s32 v0, $0x80000000  }
0x22: {  	v1 =	vshll.u32 v0, $0x15;
	v2 =	vshll.u32 v0, $0x11;
	v0 =	vshll.u32 v0, $0x3  }
0x23: {  	v1 =	vand.u32 $0x600000, v1;
	v2 =	vand.u32 $0x180000, v2;
	v0 =	vand.u32 $0x7FF80, v0  }
0x24: {  	v1 =	vor.u32 v2, v1;
	v0 =	vsel vm2, $0xFFFFFF80, v0  }
0x25: {  	v1 =	vsel vm2, $0xFFD80000, v1;
	v2 =	vand.u32 $0xFFFFFC00, v0  }
0x26: {  	v0 =	vand.u32 $0x380, v0;
	v1 =	vadd.s32 v2, v1  }
0x27: {  	v0 =	vor.u32 v0, v1  }
0x28: {  	v0 =	vshrl.u32 v0, $0x3;
	_ =	sdelay $0x2  }
0x29: {  	s12 =	sshll.u32 s12, $0xF  }
0x2a: {  	s12 =	sor.u32 $0x200, s12  }
0x2b: {  	[tilespmem:s12], [sflag:$0x1] =	stream.indirect_vreg.gather [hbm:s2], $0x80, v0, vm0, $0x38;
	[tilespmem:$0x10200] =	vst v63  }
0x2c: {  	s15 =	sadd.s32 $0x10, s14;
	s13 =	sadd.s32 $0x400, s12  }
0x2d: {  	[tilespmem:s13], [sflag:$0x1] =	stream.indirect_vreg.gather [hbm:s2], $0x80, v0, vm1, $0x38;
	[tilespmem:$0x10200] =	vst v63  }
0x2e: {  	s16 =	simm.s32 $0x80;
	v0 =	vld.msk [tilespmem:s15+$0x0 ss:$0x1], $0xffff;
	s15 =	smov.u32 s12  }
.LBB2_3:
0x2f: {  	p1 =	sne.s32 s16, $0x3C0;
	_ =	sdelay $0x4  }
0x30: {  	vm2 =	veq.s32 v0, $0x80000000  }
0x31: {  	v1 =	vshll.u32 v0, $0x15;
	v2 =	vshll.u32 v0, $0x11;
	v0 =	vshll.u32 v0, $0x3  }
0x32: {  	v1 =	vand.u32 $0x600000, v1;
	v2 =	vand.u32 $0x180000, v2;
	v0 =	vand.u32 $0x7FF80, v0  }
0x33: {  	v1 =	vor.u32 v2, v1;
	v0 =	vsel vm2, $0xFFFFFF80, v0  }
0x34: {  	v1 =	vsel vm2, $0xFFD80000, v1;
	v2 =	vand.u32 $0xFFFFFC00, v0  }
0x35: {  	v0 =	vand.u32 $0x380, v0;
	v1 =	vadd.s32 v2, v1  }
0x36: {  	v0 =	vor.u32 v0, v1  }
0x37: {  	v0 =	vshrl.u32 v0, $0x3;
	_ =	sdelay $0x3  }
.Ltmp3:
0x38: {  	s17 =	sshra.s32 s16, $0x2;
	s15 =	sadd.s32 $0x800, s15;
	(pc) =	sbr.rel @p1 .LBB2_3-.Ltmp3, $4  }
0x39: {  	[tilespmem:s15], [sflag:$0x1] =	stream.indirect_vreg.gather [hbm:s2], $0x80, v0, vm0, $0x38;
	[tilespmem:$0x10200] =	vst v63  }
0x3a: {  	s17 =	sadd.s32 s17, s14;
	s18 =	sadd.s32 $0x400, s15  }
0x3b: {  	[tilespmem:s18], [sflag:$0x1] =	stream.indirect_vreg.gather [hbm:s2], $0x80, v0, vm1, $0x38;
	[tilespmem:$0x10200] =	vst v63  }
0x3c: {  	s16 =	sadd.s32 $0x40, s16;
	v0 =	vld.msk [tilespmem:s17+$0x0 ss:$0x1], $0xffff  }
0x3d: {  	_ =	sdelay $0x3  }
0x3e: {  	vm2 =	veq.s32 v0, $0x80000000  }
0x3f: {  	v1 =	vshll.u32 v0, $0x15;
	v2 =	vshll.u32 v0, $0x11;
	v62 =	vshll.u32 v0, $0x3  }
0x40: {  	v1 =	vand.u32 $0x600000, v1;
	v2 =	vand.u32 $0x180000, v2;
	v0 =	vand.u32 $0x7FF80, v62  }
0x41: {  	v1 =	vor.u32 v2, v1;
	v0 =	vsel vm2, $0xFFFFFF80, v0  }
0x42: {  	v1 =	vsel vm2, $0xFFD80000, v1;
	v63 =	vand.u32 $0xFFFFFC00, v0  }
0x43: {  	v0 =	vand.u32 $0x380, v0;
	v1 =	vadd.s32 v63, v1  }
0x44: {  	v0 =	vor.u32 v0, v1  }
0x45: {  	v0 =	vshrl.u32 v0, $0x3;
	_ =	sdelay $0x3  }
0x46: {  	s14 =	sadd.s32 $0x800, s15  }
0x47: {  	[tilespmem:s14], [sflag:$0x1] =	stream.indirect_vreg.gather [hbm:s2], $0x80, v0, vm0, $0x38;
	[tilespmem:$0x10200] =	vst v63  }
0x48: {  	s14 =	sadd.s32 $0x400, s14  }
0x49: {  	[tilespmem:s14], [sflag:$0x1] =	stream.indirect_vreg.gather [hbm:s2], $0x80, v0, vm1, $0x38;
	[tilespmem:$0x10200] =	vst v63  }
0x4a: {  	s11 =	sshll.u32 s11, $0x4;
	_ =	swait.ge [sflag:s4], $0x8000  }
0x4b: {  	s11 =	sadd.s32 s11, s7;
	[sflag:s4] =	ssyncset.done $0x0  }
0x4c: {  	s15 =	sadd.s32 $0x0, s11;
	s14 =	simm.s32 $0x80;
	[sflag:s4] =	ssyncadd.s32 $0xFFFF8000  }
.LBB2_5:
0x4d: {  	[hbm:s15] =	stream.linear.scatter [tilespmem:s12], [sflag:$0x3], $0x400, $0x38;
	[tilespmem:$0x10200] =	vst v63  }
0x4e: {  	s15 =	smov.u32 s14;
	s12 =	smov.u32 s13;
	p1 =	sne.s32 s14, $0xF80  }
.Ltmp4:
0x4f: {  	s14 =	sadd.s32 $0x80, s14;
	(pc) =	sbr.rel @p1 .LBB2_5-.Ltmp4, $2  }
0x50: {  	_ =	sdelay $0x2  }
0x51: {  	s13 =	sadd.s32 $0x400, s13;
	s15 =	sadd.s32 s15, s11  }
.Ltmp5:
0x52: {  	(pc) =	sbr.rel .LBB2_7-.Ltmp5, $2  }
0x53: {  	_ =	sdelay $0x2  }
0x54: {  	[hbm:s15] =	stream.linear.scatter [tilespmem:s12], [sflag:$0x3], $0x400, $0x38;
	[tilespmem:$0x10200] =	vst v63  }
.LBB2_8:
0x55: {  	_ =	sfence.sel $0x180000  }
0x56: {  	s2 =	simm.s32 $0x2;
	[bflag:$0x0] =	sbarrier.arrive $0xFFFF  }
0x57: {  	s30 =	simm.s32 $0x3;
	[sflag:s2] =	ssyncpa.u1 $0x1  }
0x58: {  	s31 =	simm.s32 $0x1;
	[sflag:s30] =	ssyncpa.u1 $0x1  }
0x59: {  	[sflag:s31] =	ssyncpa.u1 $0x1  }
0x5a: {  	p0 =	sne.s32 s1, $0x0;
	_ =	strace $0x9000005C  }
0x5b: {  	s0 =	sadd.s32 @!p0 $0x100000, s0;
	[bflag:$0x2] =	sbarrier.arrive $0xFFFF  }
0x5c: {  	[sflag:s0] =	ssyncadd.tile.s32 @!p0 $0x1;
	_ =	shalt  }
.Lfunc_end2:
_tile_overlayer_lowered:
.L_overlay_start_2:
0x5d: {  	(tag) =	ssettag $0x2  }
0x5e: {  	s0 =	rddreg [dreg:$0x0];
	s2 =	stileid.u32  }
0x5f: {  	s1 =	rddreg [dreg:$0x1];
	p0 =	sne.s32 s2, $0x0  }
0x60: {  	s3 =	rddreg [dreg:$0x2];
	[bflag:$0x3] =	sbarrier.arrive $0xFFFF;
	s2 =	simm.s32 @!p0 $0x1C01  }
0x61: {  	[timem:s3], [sflag:s2] =	dma.local @!p0 [hbm:s0], s1  }
0x62: {  	s0 =	simm.s32 @!p0 $0x1  }
0x63: {  	_ =	swait.ge @!p0 [sflag:s0], s1  }
0x64: {  	s1 =	ssub.s32 @!p0 $0x0, s1;
	[sflag:s0] =	ssyncset.done @!p0 $0x0  }
0x65: {  	[sflag:s0] =	ssyncadd.s32 @!p0 s1  }
0x66: {  	[bflag:$0x3] =	sbarrier.arrive $0xFFFF  }
0x67: {  	_ =	shalt  }

// kernel: gather_offload_async_start.8
scs
__scs_entry_jumppad:
0x0: {  	(pc) =	sbr.rel $0x88, $3  }
0x1: {  	(tag) =	ssettag $0x0;
	lr =	simm.s32 $0x1  }
0x2: {  	[smem:$0x3F90] =	sst lr;
	_ =	strace $0xD0000000  }
0x3: {  	_ = 	snop  }
0x4: {  	_ = 	snop  }
0x5: {  	_ = 	snop  }
0x6: {  	_ = 	snop  }
0x7: {  	_ = 	snop  }
__scs_overlays_trampoline_lowered:
0x8: {  	[smem:$0x3F9F] =	sst s0  }
0x9: {  	[smem:$0x3FA0] =	sst s1  }
0xa: {  	[smem:$0x3FA1] =	sst s2  }
0xb: {  	[smem:$0x3FA2] =	sst s3  }
0xc: {  	[smem:$0x3FA3] =	sst s4  }
0xd: {  	[smem:$0x3FA4] =	sst s5  }
0xe: {  	[smem:$0x3FA5] =	sst s6  }
0xf: {  	[smem:$0x3FA6] =	sst s7  }
0x10: {  	[smem:$0x3FA7] =	sst s8  }
0x11: {  	[smem:$0x3FA8] =	sst s9;
	s0 =	simm.s32 @!p0 $0x0  }
0x12: {  	s1 =	sld [smem:$0x3F8E];
	s0 =	simm.s32 @p0 $0x1  }
0x13: {  	[smem:$0x3FA9] =	sst s0;
	s0 =	simm.s32 @!p1 $0x0  }
0x14: {  	s2 =	sld [smem:$0x3F8D];
	s0 =	simm.s32 @p1 $0x1  }
0x15: {  	[smem:$0x3FAA] =	sst s0;
	s0 =	simm.s32 @!p2 $0x0  }
0x16: {  	s3 =	sld [smem:$0x3FDB];
	s0 =	simm.s32 @p2 $0x1  }
0x17: {  	s4 =	simm.s32 $0x1BF5;
	[smem:$0x3FAC] =	sst s0  }
0x18: {  	s0 =	sld [smem:$0x3F8F];
	_ =	swait.ge [sflag:s4], $0x0  }
0x19: {  	s7 =	sld [smem:$0x3F90]  }
0x1a: {  	s8 =	sadd.s32 $0xFFFFE003, lr  }
0x1b: {  	s9 =	sadd.s32 $0xFFFFFEF7, lr;
	s5 =	simm.s32 $0xFFFFFFFF;
	p2 =	slt.u32 s8, $0xFFFFF086  }
0x1c: {  	p1 =	slt.u32 s9, $0xF7A;
	s5 =	simm.s32 @!p2 $0x0  }
0x1d: {  	s5 =	simm.s32 @p1 $0x1;
	p0 =	seq.s32 s7, s2  }
0x1e: {  	s7 =	smul.u32 @!p0 $0xF7A, s2;
	p2 =	seq.s32 @!p0 s5, $0x0  }
0x1f: {  	s9 =	smul.u32 $0xF7A, s1;
	s8 =	simm.s32 @!p0 $0x1BF5;
	p2 =	por !p2, p0  }
0x20: {  	[sflag:s8] =	ssyncset.s32 @!p0 $0xFFFFF086;
	s6 =	sadd.s32 @!p0 s3, s7;
	s7 =	simm.s32 @!p0 $0x108  }
0x21: {  	s3 =	sadd.s32 s3, s9;
	s6 =	sadd.s32 @!p0 $0x88, s6;
	s7 =	simm.s32 @p2 $0x1082  }
0x22: {  	[simem:s7], [sflag:s8] =	dma.local @!p0 [hbm:s6], $0xF7A  }
0x23: {  	s9 =	sor.u32 $0xD0000000, s2;
	s6 =	simm.s32 $0x108;
	_ =	swait.ge @!p0 [sflag:s8], $0x0  }
0x24: {  	s3 =	sadd.s32 $0x88, s3;
	s6 =	simm.s32 @!p1 $0x1082;
	[sflag:s4] =	ssyncset.s32 $0xFFFFF086  }
0x25: {  	[simem:s6], [sflag:s4] =	dma.local [hbm:s3], $0xF7A  }
0x26: {  	[smem:$0x3F90] =	sst s1;
	(tag) =	ssettag s2;
	_ =	strace s9  }
0x27: {  	s1 =	sld [smem:$0x3FA0]  }
0x28: {  	s2 =	sld [smem:$0x3FA1]  }
0x29: {  	s4 =	sld [smem:$0x3FA3]  }
0x2a: {  	p0 =	seq.s32 s5, $0x0;
	s5 =	sld [smem:$0x3FA4]  }
0x2b: {  	s6 =	sld [smem:$0x3FA5]  }
0x2c: {  	s7 =	sld [smem:$0x3FA6]  }
0x2d: {  	s3 =	simm.s32 $0x108;
	s8 =	sld [smem:$0x3FA7]  }
0x2e: {  	s3 =	simm.s32 @!p0 $0x1082;
	s9 =	sld [smem:$0x3FA8]  }
0x2f: {  	lr =	sadd.s32 s0, s3;
	s0 =	sld [smem:$0x3F9F]  }
0x30: {  	s3 =	sld [smem:$0x3FA2]  }
0x31: {  	[smem:$0x3FAB] =	sst s10  }
0x32: {  	s10 =	sld [smem:$0x3FA9];
	_ =	sdelay $0x3  }
0x33: {  	p0 =	seq.s32 s10, $0x1;
	s10 =	sld [smem:$0x3FAB];
	_ =	sdelay $0x3  }
0x34: {  	[smem:$0x3FAB] =	sst s10  }
0x35: {  	s10 =	sld [smem:$0x3FAA];
	_ =	sdelay $0x3  }
0x36: {  	p1 =	seq.s32 s10, $0x1;
	s10 =	sld [smem:$0x3FAB];
	_ =	sdelay $0x3  }
0x37: {  	[smem:$0x3FAB] =	sst s10  }
0x38: {  	s10 =	sld [smem:$0x3FAC]  }
0x39: {  	_ = 	snop;
	(pc) =	sbr.ind lr, $3  }
0x3a: {  	_ = 	snop  }
0x3b: {  	_ = 	snop  }
0x3c: {  	p2 =	seq.s32 s10, $0x1;
	s10 =	sld [smem:$0x3FAB]  }
0x3d: {  	_ =	shalt  }
0x3e: {  	_ =	shalt  }
0x3f: {  	_ =	shalt  }
0x40: {  	_ =	shalt  }
0x41: {  	_ =	shalt  }
0x42: {  	_ =	shalt  }
0x43: {  	_ =	shalt  }
0x44: {  	_ =	shalt  }
0x45: {  	_ =	shalt  }
0x46: {  	_ =	shalt  }
0x47: {  	_ =	shalt  }
0x48: {  	_ =	shalt  }
0x49: {  	_ =	shalt  }
0x4a: {  	_ =	shalt  }
0x4b: {  	_ =	shalt  }
0x4c: {  	_ =	shalt  }
0x4d: {  	_ =	shalt  }
0x4e: {  	_ =	shalt  }
0x4f: {  	_ =	shalt  }
0x50: {  	_ =	shalt  }
0x51: {  	_ =	shalt  }
0x52: {  	_ =	shalt  }
0x53: {  	_ =	shalt  }
0x54: {  	_ =	shalt  }
0x55: {  	_ =	shalt  }
0x56: {  	_ =	shalt  }
0x57: {  	_ =	shalt  }
0x58: {  	_ =	shalt  }
0x59: {  	_ =	shalt  }
0x5a: {  	_ =	shalt  }
0x5b: {  	_ =	shalt  }
0x5c: {  	_ =	shalt  }
0x5d: {  	_ =	shalt  }
0x5e: {  	_ =	shalt  }
0x5f: {  	_ =	shalt  }
0x60: {  	_ =	shalt  }
0x61: {  	_ =	shalt  }
0x62: {  	_ =	shalt  }
0x63: {  	_ =	shalt  }
0x64: {  	_ =	shalt  }
0x65: {  	_ =	shalt  }
0x66: {  	_ =	shalt  }
0x67: {  	_ =	shalt  }
0x68: {  	_ =	shalt  }
0x69: {  	_ =	shalt  }
0x6a: {  	_ =	shalt  }
0x6b: {  	_ =	shalt  }
0x6c: {  	_ =	shalt  }
0x6d: {  	_ =	shalt  }
0x6e: {  	_ =	shalt  }
0x6f: {  	_ =	shalt  }
0x70: {  	_ =	shalt  }
0x71: {  	_ =	shalt  }
0x72: {  	_ =	shalt  }
0x73: {  	_ =	shalt  }
0x74: {  	_ =	shalt  }
0x75: {  	_ =	shalt  }
0x76: {  	_ =	shalt  }
0x77: {  	_ =	shalt  }
0x78: {  	_ =	shalt  }
0x79: {  	_ =	shalt  }
0x7a: {  	_ =	shalt  }
0x7b: {  	_ =	shalt  }
0x7c: {  	_ =	shalt  }
0x7d: {  	_ =	shalt  }
0x7e: {  	_ =	shalt  }
0x7f: {  	_ =	shalt  }
0x80: {  	_ =	shalt  }
0x81: {  	_ =	shalt  }
0x82: {  	_ =	shalt  }
0x83: {  	_ =	shalt  }
0x84: {  	_ =	shalt  }
0x85: {  	_ =	shalt  }
0x86: {  	_ =	shalt  }
0x87: {  	_ =	shalt  }
.Lfunc_end0:
.L_simem_size_0:
called_computation.8_lowered:
.L_overlay_start_0:
0x88: {  	s2 =	sld [smem:$0x3FD9]  }
0x89: {  	s3 =	sld [smem:$0x3FFE];
	_ =	sdelay $0x1  }
0x8a: {  	s1 =	srdreg.scid  }
0x8b: {  	s0 =	sand.u32 $0x1, s1  }
0x8c: {  	s17 =	sshll.u32 s0, $0xA;
	s2 =	sadd.s32 s3, s2  }
0x8d: {  	s2 =	sadd.s32 s2, s17  }
0x8e: {  	[smem:$0x3FB7] =	sst s2  }
0x8f: {  	_ = 	snop  }
0x90: {  	(tm) =	ssettm $0x1  }
0x91: {  	s18 =	sld [smem:$0x3FFB];
	_ =	sdelay $0x3  }
0x92: {  	_ =	strace s18  }
0x93: {  	s2 =	sld [smem:$0x3FFC];
	_ =	sdelay $0x3  }
0x94: {  	_ =	strace s2  }
0x95: {  	s2 =	sld [smem:$0x3FFD];
	_ =	sdelay $0x3  }
0x96: {  	_ =	strace s2  }
0x97: {  	_ =	strace $0x8FFFFFFF  }
0x98: {  	s19 =	sld [smem:$0x3FDB];
	_ =	sdelay $0x1  }
0x99: {  	s20 =	simm.s32 $_scs_section_size  }
0x9a: {  	s4 =	simm.s32 $_size__tile_overlayer_lowered;
	s5 =	simm.s32 $_tile_overlayer_lowered  }
0x9b: {  	s6 =	simm.s32 $0x1BFF;
	s21 =	sshll.u32 s5, $0x1;
	s3 =	sadd.s32 s20, s19  }
0x9c: {  	s22 =	simm.s32 $0x0;
	s4 =	sshll.u32 s4, $0x1;
	s5 =	sadd.s32 s21, s3  }
0x9d: {  	[timem:s22], [sflag:s6] =	dma.local [hbm:s5], s4  }
0x9e: {  	_ =	swait.ge [sflag:s6], s4  }
0x9f: {  	s4 =	ssub.s32 $0x0, s4;
	[sflag:s6] =	ssyncset.done $0x0  }
0xa0: {  	[sflag:s6] =	ssyncadd.s32 s4;
	_ =	sdelay $0x1  }
0xa1: {  	s23 =	simm.s32 $0x1B8B  }
0xa2: {  	_ =	swait.ge [sflag:s23], $0x1  }
0xa3: {  	[sflag:s23] =	ssyncset.done $0x0  }
0xa4: {  	[sflag:s23] =	ssyncadd.s32 $0xFFFFFFFF  }
0xa5: {  	s4 =	sld [smem:$0x0]  }
0xa6: {  	s5 =	sand.u32 $0xFFFFFFFE, s1  }
0xa7: {  	p0 =	sne.s32 s1, s5  }
0xa8: {  	s5 =	sshll.u32 @p0 s5, $0xE  }
0xa9: {  	s5 =	sadd.s32 @p0 $0x11B8D, s5;
	s6 =	sshll.u32 @p0 s4, $0x11  }
0xaa: {  	s5 =	sor.u32 @p0 s6, s5  }
0xab: {  	[sflag:s5] =	ssyncadd.remote.s32 @p0 $0x1;
	_ =	sdelay $0x1  }
0xac: {  	s5 =	simm.s32 @p0 $0x1B8D  }
0xad: {  	_ =	swait.eq @p0 [sflag:s5], $0x1  }
0xae: {  	[sflag:s5] =	ssyncadd.s32 @p0 $0xFFFFFFFF  }
0xaf: {  	s6 =	sshll.u32 @!p0 s1, $0xE  }
0xb0: {  	s6 =	sor.u32 @!p0 $0x4000, s6;
	s5 =	simm.s32 @!p0 $0x1B8D  }
0xb1: {  	s4 =	sshll.u32 @!p0 s4, $0x11;
	s6 =	sadd.s32 @!p0 $0x11B8D, s6;
	_ =	swait.eq @!p0 [sflag:s5], $0x1  }
0xb2: {  	s4 =	sor.u32 @!p0 s4, s6;
	[sflag:s5] =	ssyncadd.s32 @!p0 $0xFFFFFFFF  }
0xb3: {  	s25 =	simm.s32 $0x1B8E;
	s24 =	sld [smem:$0x3FFE];
	[sflag:s4] =	ssyncadd.remote.s32 @!p0 $0x1  }
0xb4: {  	s26 =	simm.s32 $execute0_lowered;
	[smem:$0x3FD2] =	sst s25  }
0xb5: {  	s5 =	sshll.u32 s26, $0x1;
	_ =	strace $0x8000005E;
	[dreg:$0x1] =	wrdreg $0xFFFFFFFF  }
0xb6: {  	s28 =	simm.s32 $_size_execute0_lowered;
	s3 =	sadd.s32 s3, s5;
	[dreg:$0x0] =	wrdreg $0x0  }
0xb7: {  	s5 =	sshll.u32 s28, $0x1;
	[dreg:$0x2] =	wrdreg s3  }
0xb8: {  	[dreg:$0x3] =	wrdreg s5  }
0xb9: {  	[dreg:$0x4] =	wrdreg $0xC0  }
0xba: {  	_ =	task [dreg:s22], $0x5FFFF  }
0xbb: {  	[dreg:$0x1] =	wrdreg $0xFFFFFFFF  }
0xbc: {  	[dreg:$0x0] =	wrdreg $0x60  }
0xbd: {  	[dreg:$0x2] =	wrdreg s24  }
0xbe: {  	[dreg:$0x3] =	wrdreg $0xB  }
0xbf: {  	_ =	task.clear_ibuf [dreg:s22], $0x4FFFF;
	_ =	strace $0x9000005E  }
0xc0: {  	s29 =	simm.s32 $0xB;
	_ =	strace $0x80000060  }
0xc1: {  	_ =	swait.ge [sflag:s29], $0x1  }
0xc2: {  	[sflag:s29] =	ssyncadd.s32 $0xFFFFFFFF  }
0xc3: {  	_ =	strace $0x90000060  }
0xc4: {  	_ =	sfence  }
0xc5: {  	s30 =	sld [smem:$0x0];
	_ =	sdelay $0x2  }
0xc6: {  	s31 =	sshll.u32 s1, $0xD;
	s1 =	sshrl.u32 s1, $0x2  }
0xc7: {  	s4 =	sand.u32 $0x4000, s31;
	s1 =	sadd.s32 s1, s30  }
0xc8: {  	s0 =	sor.u32 s4, s0;
	s1 =	sshll.u32 s1, $0x11  }
0xc9: {  	s0 =	sor.u32 s1, s0  }
0xca: {  	s0 =	sadd.s32 $0x8F2B, s0  }
0xcb: {  	[sflag:s0] =	ssyncadd.remote.s32 $0x1  }
0xcc: {  	_ =	sfence.sel $0xFFFF  }
0xcd: {  	[dreg:$0x0] =	wrdreg $0xFFFFFFFF;
	(pc) =	sbr.abs _section_cstart, $3  }
0xce: {  	[dreg:$0x1] =	wrdreg $0xFFFFFFFF  }
0xcf: {  	_ =	task.clear_ibuf [dreg:s22], $0x2FFFF;
	_ =	strace $0x9FFFFFFF  }
0xd0: {  	(tm) =	ssettm $0x7FFFFFFF  }
0xd1: {  	_ =	shalt  }
tec
execute0_lowered:
.L_overlay_start_1:
0x0: {  	(tag) =	ssettag $0x1  }
0x1: {  	s7 =	rddreg [dreg:$0x0]  }
0x2: {  	s0 =	rddreg [dreg:$0x1];
	_ =	strace $0x8000005F  }
0x3: {  	s1 =	srdreg.scid;
	s4 =	simm.s32 $0x1;
	s9 =	simm.s32 $0x3  }
0x4: {  	s11 =	simm.s32 $0x0;
	p0 =	por $0x0, $0x0;
	s5 =	sshll.u32 s1, $0x4  }
.Ltmp0:
0x5: {  	s1 =	stileid.u32;
	s5 =	sand.u32 $0x10, s5;
	(pc) =	sbr.rel .LBB2_1-.Ltmp0, $4  }
0x6: {  	s2 =	sadd.s32 $0x49B200, s7;
	s3 =	sadd.s32 $0x18E200, s7;
	s6 =	sor.u32 s1, s5  }
0x7: {  	[sflag:s4] =	ssyncpa.u1 $0x0;
	s5 =	simm.s32 $0x2;
	s6 =	sshll.u32 s6, $0xB  }
0x8: {  	s7 =	sadd.s32 $0x59B200, s7;
	[sflag:s5] =	ssyncpa.u1 $0x0;
	s8 =	sadd.s32 $0x800, s6  }
0x9: {  	vm0 =	vmmov $0xff;
	vm1 =	vcmask $0x3F20;
	[sflag:s9] =	ssyncpa.u1 $0x0;
	s10 =	smov.u32 s6;
	s9 =	simm.s32 $0x0  }
.LBB2_7:
0xa: {  	p1 =	slt.u32 s9, $0x2;
	s11 =	sadd.s32 $0x100, s10  }
0xb: {  	s13 =	smov.u32 s6;
	s9 =	sadd.s32 $0x1, s9;
	p2 =	slt.s32 s11, s8  }
0xc: {  	s13 =	smov.u32 @p2 s11;
	p2 =	sne.s32 s9, $0xA  }
.Ltmp1:
0xd: {  	_ = 	snop;
	(pc) =	sbr.rel @!p2 .LBB2_8-.Ltmp1, $4  }
0xe: {  	s12 =	simm.s32 @!p1 $0x3  }
0xf: {  	_ =	swait.ge @!p1 [sflag:s12], $0x8000  }
0x10: {  	p0 =	por !p0, !p0;
	[sflag:s12] =	ssyncset.done @!p1 $0x0  }
0x11: {  	s11 =	smov.u32 s10;
	s10 =	smov.u32 s13;
	[sflag:s12] =	ssyncadd.s32 @!p1 $0xFFFF8000  }
.LBB2_1:
0x12: {  	p1 =	sgt.u32 s9, $0x7  }
0x13: {  	s12 =	sxor.u32 @!p1 $0xFFFFFFFF, s9  }
0x14: {  	s13 =	sshrl.u32 @!p1 s10, $0x3;
	s12 =	sshll.u32 @!p1 s12, $0x8  }
0x15: {  	s14 =	sand.u32 @!p1 $0x7, s10;
	s13 =	sadd.s32 @!p1 s3, s13;
	s12 =	sand.u32 @!p1 $0x100, s12  }
0x16: {  	[tilespmem:s12], [sflag:$0x2] =	stream.linear.gather @!p1 [hbm4b:s13+s14], $0x100, $0x38;
	[tilespmem:$0x10200] =	vst v63  }
0x17: {  	p1 =	seq.s32 s9, $0x0  }
0x18: {  	p2 =	seq.s32 @!p1 s9, $0x9  }
0x19: {  	p1 =	por p1, p2  }
.Ltmp2:
0x1a: {  	_ = 	snop;
	(pc) =	sbr.rel @p1 .LBB2_7-.Ltmp2, $1  }
0x1b: {  	_ =	sdelay $0x3  }
0x1c: {  	s12 =	simm.s32 $0x1  }
0x1d: {  	_ =	swait.ge [sflag:s5], $0x100;
	s12 =	simm.s32 @!p0 $0x0  }
0x1e: {  	[sflag:s5] =	ssyncset.done $0x0;
	s14 =	sshll.u32 s12, $0x8  }
0x1f: {  	[sflag:s5] =	ssyncadd.s32 $0xFFFFFF00;
	s13 =	sadd.s32 $0x0, s14  }
0x20: {  	v0 =	vld.msk [tilespmem:s13+$0x0 ss:$0x1], $0xffff;
	_ =	sdelay $0x4  }
0x21: {  	vm2 =	veq.s32 v0, $0x80000000  }
0x22: {  	v1 =	vshll.u32 v0, $0x15;
	v2 =	vshll.u32 v0, $0x11;
	v0 =	vshll.u32 v0, $0x3  }
0x23: {  	v1 =	vand.u32 $0x600000, v1;
	v2 =	vand.u32 $0x180000, v2;
	v0 =	vand.u32 $0x7FF80, v0  }
0x24: {  	v1 =	vor.u32 v2, v1;
	v0 =	vsel vm2, $0xFFFFFF80, v0  }
0x25: {  	v1 =	vsel vm2, $0xFFD80000, v1;
	v2 =	vand.u32 $0xFFFFFC00, v0  }
0x26: {  	v0 =	vand.u32 $0x380, v0;
	v1 =	vadd.s32 v2, v1  }
0x27: {  	v0 =	vor.u32 v0, v1  }
0x28: {  	v0 =	vshrl.u32 v0, $0x3;
	_ =	sdelay $0x2  }
0x29: {  	s12 =	sshll.u32 s12, $0xF  }
0x2a: {  	s12 =	sor.u32 $0x200, s12  }
0x2b: {  	[tilespmem:s12], [sflag:$0x1] =	stream.indirect_vreg.gather [hbm:s2], $0x80, v0, vm0, $0x38;
	[tilespmem:$0x10200] =	vst v63  }
0x2c: {  	s15 =	sadd.s32 $0x10, s14;
	s13 =	sadd.s32 $0x400, s12  }
0x2d: {  	[tilespmem:s13], [sflag:$0x1] =	stream.indirect_vreg.gather [hbm:s2], $0x80, v0, vm1, $0x38;
	[tilespmem:$0x10200] =	vst v63  }
0x2e: {  	s16 =	simm.s32 $0x80;
	v0 =	vld.msk [tilespmem:s15+$0x0 ss:$0x1], $0xffff;
	s15 =	smov.u32 s12  }
.LBB2_3:
0x2f: {  	p1 =	sne.s32 s16, $0x3C0;
	_ =	sdelay $0x4  }
0x30: {  	vm2 =	veq.s32 v0, $0x80000000  }
0x31: {  	v1 =	vshll.u32 v0, $0x15;
	v2 =	vshll.u32 v0, $0x11;
	v0 =	vshll.u32 v0, $0x3  }
0x32: {  	v1 =	vand.u32 $0x600000, v1;
	v2 =	vand.u32 $0x180000, v2;
	v0 =	vand.u32 $0x7FF80, v0  }
0x33: {  	v1 =	vor.u32 v2, v1;
	v0 =	vsel vm2, $0xFFFFFF80, v0  }
0x34: {  	v1 =	vsel vm2, $0xFFD80000, v1;
	v2 =	vand.u32 $0xFFFFFC00, v0  }
0x35: {  	v0 =	vand.u32 $0x380, v0;
	v1 =	vadd.s32 v2, v1  }
0x36: {  	v0 =	vor.u32 v0, v1  }
0x37: {  	v0 =	vshrl.u32 v0, $0x3;
	_ =	sdelay $0x3  }
.Ltmp3:
0x38: {  	s17 =	sshra.s32 s16, $0x2;
	s15 =	sadd.s32 $0x800, s15;
	(pc) =	sbr.rel @p1 .LBB2_3-.Ltmp3, $4  }
0x39: {  	[tilespmem:s15], [sflag:$0x1] =	stream.indirect_vreg.gather [hbm:s2], $0x80, v0, vm0, $0x38;
	[tilespmem:$0x10200] =	vst v63  }
0x3a: {  	s17 =	sadd.s32 s17, s14;
	s18 =	sadd.s32 $0x400, s15  }
0x3b: {  	[tilespmem:s18], [sflag:$0x1] =	stream.indirect_vreg.gather [hbm:s2], $0x80, v0, vm1, $0x38;
	[tilespmem:$0x10200] =	vst v63  }
0x3c: {  	s16 =	sadd.s32 $0x40, s16;
	v0 =	vld.msk [tilespmem:s17+$0x0 ss:$0x1], $0xffff  }
0x3d: {  	_ =	sdelay $0x3  }
0x3e: {  	vm2 =	veq.s32 v0, $0x80000000  }
0x3f: {  	v1 =	vshll.u32 v0, $0x15;
	v2 =	vshll.u32 v0, $0x11;
	v62 =	vshll.u32 v0, $0x3  }
0x40: {  	v1 =	vand.u32 $0x600000, v1;
	v2 =	vand.u32 $0x180000, v2;
	v0 =	vand.u32 $0x7FF80, v62  }
0x41: {  	v1 =	vor.u32 v2, v1;
	v0 =	vsel vm2, $0xFFFFFF80, v0  }
0x42: {  	v1 =	vsel vm2, $0xFFD80000, v1;
	v63 =	vand.u32 $0xFFFFFC00, v0  }
0x43: {  	v0 =	vand.u32 $0x380, v0;
	v1 =	vadd.s32 v63, v1  }
0x44: {  	v0 =	vor.u32 v0, v1  }
0x45: {  	v0 =	vshrl.u32 v0, $0x3;
	_ =	sdelay $0x3  }
0x46: {  	s14 =	sadd.s32 $0x800, s15  }
0x47: {  	[tilespmem:s14], [sflag:$0x1] =	stream.indirect_vreg.gather [hbm:s2], $0x80, v0, vm0, $0x38;
	[tilespmem:$0x10200] =	vst v63  }
0x48: {  	s14 =	sadd.s32 $0x400, s14  }
0x49: {  	[tilespmem:s14], [sflag:$0x1] =	stream.indirect_vreg.gather [hbm:s2], $0x80, v0, vm1, $0x38;
	[tilespmem:$0x10200] =	vst v63  }
0x4a: {  	s11 =	sshll.u32 s11, $0x4;
	_ =	swait.ge [sflag:s4], $0x8000  }
0x4b: {  	s11 =	sadd.s32 s11, s7;
	[sflag:s4] =	ssyncset.done $0x0  }
0x4c: {  	s15 =	sadd.s32 $0x0, s11;
	s14 =	simm.s32 $0x80;
	[sflag:s4] =	ssyncadd.s32 $0xFFFF8000  }
.LBB2_5:
0x4d: {  	[hbm:s15] =	stream.linear.scatter [tilespmem:s12], [sflag:$0x3], $0x400, $0x38;
	[tilespmem:$0x10200] =	vst v63  }
0x4e: {  	s15 =	smov.u32 s14;
	s12 =	smov.u32 s13;
	p1 =	sne.s32 s14, $0xF80  }
.Ltmp4:
0x4f: {  	s14 =	sadd.s32 $0x80, s14;
	(pc) =	sbr.rel @p1 .LBB2_5-.Ltmp4, $2  }
0x50: {  	_ =	sdelay $0x2  }
0x51: {  	s13 =	sadd.s32 $0x400, s13;
	s15 =	sadd.s32 s15, s11  }
.Ltmp5:
0x52: {  	(pc) =	sbr.rel .LBB2_7-.Ltmp5, $2  }
0x53: {  	_ =	sdelay $0x2  }
0x54: {  	[hbm:s15] =	stream.linear.scatter [tilespmem:s12], [sflag:$0x3], $0x400, $0x38;
	[tilespmem:$0x10200] =	vst v63  }
.LBB2_8:
0x55: {  	_ =	sfence.sel $0x180000  }
0x56: {  	s2 =	simm.s32 $0x2;
	[bflag:$0x0] =	sbarrier.arrive $0xFFFF  }
0x57: {  	s30 =	simm.s32 $0x3;
	[sflag:s2] =	ssyncpa.u1 $0x1  }
0x58: {  	s31 =	simm.s32 $0x1;
	[sflag:s30] =	ssyncpa.u1 $0x1  }
0x59: {  	[sflag:s31] =	ssyncpa.u1 $0x1  }
0x5a: {  	p0 =	sne.s32 s1, $0x0;
	_ =	strace $0x9000005F  }
0x5b: {  	s0 =	sadd.s32 @!p0 $0x100000, s0;
	[bflag:$0x2] =	sbarrier.arrive $0xFFFF  }
0x5c: {  	[sflag:s0] =	ssyncadd.tile.s32 @!p0 $0x1;
	_ =	shalt  }
.Lfunc_end2:
_tile_overlayer_lowered:
.L_overlay_start_2:
0x5d: {  	(tag) =	ssettag $0x2  }
0x5e: {  	s0 =	rddreg [dreg:$0x0];
	s2 =	stileid.u32  }
0x5f: {  	s1 =	rddreg [dreg:$0x1];
	p0 =	sne.s32 s2, $0x0  }
0x60: {  	s3 =	rddreg [dreg:$0x2];
	[bflag:$0x3] =	sbarrier.arrive $0xFFFF;
	s2 =	simm.s32 @!p0 $0x1C01  }
0x61: {  	[timem:s3], [sflag:s2] =	dma.local @!p0 [hbm:s0], s1  }
0x62: {  	s0 =	simm.s32 @!p0 $0x1  }
0x63: {  	_ =	swait.ge @!p0 [sflag:s0], s1  }
0x64: {  	s1 =	ssub.s32 @!p0 $0x0, s1;
	[sflag:s0] =	ssyncset.done @!p0 $0x0  }
0x65: {  	[sflag:s0] =	ssyncadd.s32 @!p0 s1  }
0x66: {  	[bflag:$0x3] =	sbarrier.arrive $0xFFFF  }
0x67: {  	_ =	shalt  }

// kernel: gather_offload_async_start
scs
__scs_entry_jumppad:
0x0: {  	(pc) =	sbr.rel $0x88, $3  }
0x1: {  	(tag) =	ssettag $0x0;
	lr =	simm.s32 $0x1  }
0x2: {  	[smem:$0x3F90] =	sst lr;
	_ =	strace $0xD0000000  }
0x3: {  	_ = 	snop  }
0x4: {  	_ = 	snop  }
0x5: {  	_ = 	snop  }
0x6: {  	_ = 	snop  }
0x7: {  	_ = 	snop  }
__scs_overlays_trampoline_lowered:
0x8: {  	[smem:$0x3F9F] =	sst s0  }
0x9: {  	[smem:$0x3FA0] =	sst s1  }
0xa: {  	[smem:$0x3FA1] =	sst s2  }
0xb: {  	[smem:$0x3FA2] =	sst s3  }
0xc: {  	[smem:$0x3FA3] =	sst s4  }
0xd: {  	[smem:$0x3FA4] =	sst s5  }
0xe: {  	[smem:$0x3FA5] =	sst s6  }
0xf: {  	[smem:$0x3FA6] =	sst s7  }
0x10: {  	[smem:$0x3FA7] =	sst s8  }
0x11: {  	[smem:$0x3FA8] =	sst s9;
	s0 =	simm.s32 @!p0 $0x0  }
0x12: {  	s1 =	sld [smem:$0x3F8E];
	s0 =	simm.s32 @p0 $0x1  }
0x13: {  	[smem:$0x3FA9] =	sst s0;
	s0 =	simm.s32 @!p1 $0x0  }
0x14: {  	s2 =	sld [smem:$0x3F8D];
	s0 =	simm.s32 @p1 $0x1  }
0x15: {  	[smem:$0x3FAA] =	sst s0;
	s0 =	simm.s32 @!p2 $0x0  }
0x16: {  	s3 =	sld [smem:$0x3FDB];
	s0 =	simm.s32 @p2 $0x1  }
0x17: {  	s4 =	simm.s32 $0x1BF5;
	[smem:$0x3FAC] =	sst s0  }
0x18: {  	s0 =	sld [smem:$0x3F8F];
	_ =	swait.ge [sflag:s4], $0x0  }
0x19: {  	s7 =	sld [smem:$0x3F90]  }
0x1a: {  	s8 =	sadd.s32 $0xFFFFE003, lr  }
0x1b: {  	s9 =	sadd.s32 $0xFFFFFEF7, lr;
	s5 =	simm.s32 $0xFFFFFFFF;
	p2 =	slt.u32 s8, $0xFFFFF086  }
0x1c: {  	p1 =	slt.u32 s9, $0xF7A;
	s5 =	simm.s32 @!p2 $0x0  }
0x1d: {  	s5 =	simm.s32 @p1 $0x1;
	p0 =	seq.s32 s7, s2  }
0x1e: {  	s7 =	smul.u32 @!p0 $0xF7A, s2;
	p2 =	seq.s32 @!p0 s5, $0x0  }
0x1f: {  	s9 =	smul.u32 $0xF7A, s1;
	s8 =	simm.s32 @!p0 $0x1BF5;
	p2 =	por !p2, p0  }
0x20: {  	[sflag:s8] =	ssyncset.s32 @!p0 $0xFFFFF086;
	s6 =	sadd.s32 @!p0 s3, s7;
	s7 =	simm.s32 @!p0 $0x108  }
0x21: {  	s3 =	sadd.s32 s3, s9;
	s6 =	sadd.s32 @!p0 $0x88, s6;
	s7 =	simm.s32 @p2 $0x1082  }
0x22: {  	[simem:s7], [sflag:s8] =	dma.local @!p0 [hbm:s6], $0xF7A  }
0x23: {  	s9 =	sor.u32 $0xD0000000, s2;
	s6 =	simm.s32 $0x108;
	_ =	swait.ge @!p0 [sflag:s8], $0x0  }
0x24: {  	s3 =	sadd.s32 $0x88, s3;
	s6 =	simm.s32 @!p1 $0x1082;
	[sflag:s4] =	ssyncset.s32 $0xFFFFF086  }
0x25: {  	[simem:s6], [sflag:s4] =	dma.local [hbm:s3], $0xF7A  }
0x26: {  	[smem:$0x3F90] =	sst s1;
	(tag) =	ssettag s2;
	_ =	strace s9  }
0x27: {  	s1 =	sld [smem:$0x3FA0]  }
0x28: {  	s2 =	sld [smem:$0x3FA1]  }
0x29: {  	s4 =	sld [smem:$0x3FA3]  }
0x2a: {  	p0 =	seq.s32 s5, $0x0;
	s5 =	sld [smem:$0x3FA4]  }
0x2b: {  	s6 =	sld [smem:$0x3FA5]  }
0x2c: {  	s7 =	sld [smem:$0x3FA6]  }
0x2d: {  	s3 =	simm.s32 $0x108;
	s8 =	sld [smem:$0x3FA7]  }
0x2e: {  	s3 =	simm.s32 @!p0 $0x1082;
	s9 =	sld [smem:$0x3FA8]  }
0x2f: {  	lr =	sadd.s32 s0, s3;
	s0 =	sld [smem:$0x3F9F]  }
0x30: {  	s3 =	sld [smem:$0x3FA2]  }
0x31: {  	[smem:$0x3FAB] =	sst s10  }
0x32: {  	s10 =	sld [smem:$0x3FA9];
	_ =	sdelay $0x3  }
0x33: {  	p0 =	seq.s32 s10, $0x1;
	s10 =	sld [smem:$0x3FAB];
	_ =	sdelay $0x3  }
0x34: {  	[smem:$0x3FAB] =	sst s10  }
0x35: {  	s10 =	sld [smem:$0x3FAA];
	_ =	sdelay $0x3  }
0x36: {  	p1 =	seq.s32 s10, $0x1;
	s10 =	sld [smem:$0x3FAB];
	_ =	sdelay $0x3  }
0x37: {  	[smem:$0x3FAB] =	sst s10  }
0x38: {  	s10 =	sld [smem:$0x3FAC]  }
0x39: {  	_ = 	snop;
	(pc) =	sbr.ind lr, $3  }
0x3a: {  	_ = 	snop  }
0x3b: {  	_ = 	snop  }
0x3c: {  	p2 =	seq.s32 s10, $0x1;
	s10 =	sld [smem:$0x3FAB]  }
0x3d: {  	_ =	shalt  }
0x3e: {  	_ =	shalt  }
0x3f: {  	_ =	shalt  }
0x40: {  	_ =	shalt  }
0x41: {  	_ =	shalt  }
0x42: {  	_ =	shalt  }
0x43: {  	_ =	shalt  }
0x44: {  	_ =	shalt  }
0x45: {  	_ =	shalt  }
0x46: {  	_ =	shalt  }
0x47: {  	_ =	shalt  }
0x48: {  	_ =	shalt  }
0x49: {  	_ =	shalt  }
0x4a: {  	_ =	shalt  }
0x4b: {  	_ =	shalt  }
0x4c: {  	_ =	shalt  }
0x4d: {  	_ =	shalt  }
0x4e: {  	_ =	shalt  }
0x4f: {  	_ =	shalt  }
0x50: {  	_ =	shalt  }
0x51: {  	_ =	shalt  }
0x52: {  	_ =	shalt  }
0x53: {  	_ =	shalt  }
0x54: {  	_ =	shalt  }
0x55: {  	_ =	shalt  }
0x56: {  	_ =	shalt  }
0x57: {  	_ =	shalt  }
0x58: {  	_ =	shalt  }
0x59: {  	_ =	shalt  }
0x5a: {  	_ =	shalt  }
0x5b: {  	_ =	shalt  }
0x5c: {  	_ =	shalt  }
0x5d: {  	_ =	shalt  }
0x5e: {  	_ =	shalt  }
0x5f: {  	_ =	shalt  }
0x60: {  	_ =	shalt  }
0x61: {  	_ =	shalt  }
0x62: {  	_ =	shalt  }
0x63: {  	_ =	shalt  }
0x64: {  	_ =	shalt  }
0x65: {  	_ =	shalt  }
0x66: {  	_ =	shalt  }
0x67: {  	_ =	shalt  }
0x68: {  	_ =	shalt  }
0x69: {  	_ =	shalt  }
0x6a: {  	_ =	shalt  }
0x6b: {  	_ =	shalt  }
0x6c: {  	_ =	shalt  }
0x6d: {  	_ =	shalt  }
0x6e: {  	_ =	shalt  }
0x6f: {  	_ =	shalt  }
0x70: {  	_ =	shalt  }
0x71: {  	_ =	shalt  }
0x72: {  	_ =	shalt  }
0x73: {  	_ =	shalt  }
0x74: {  	_ =	shalt  }
0x75: {  	_ =	shalt  }
0x76: {  	_ =	shalt  }
0x77: {  	_ =	shalt  }
0x78: {  	_ =	shalt  }
0x79: {  	_ =	shalt  }
0x7a: {  	_ =	shalt  }
0x7b: {  	_ =	shalt  }
0x7c: {  	_ =	shalt  }
0x7d: {  	_ =	shalt  }
0x7e: {  	_ =	shalt  }
0x7f: {  	_ =	shalt  }
0x80: {  	_ =	shalt  }
0x81: {  	_ =	shalt  }
0x82: {  	_ =	shalt  }
0x83: {  	_ =	shalt  }
0x84: {  	_ =	shalt  }
0x85: {  	_ =	shalt  }
0x86: {  	_ =	shalt  }
0x87: {  	_ =	shalt  }
.Lfunc_end0:
.L_simem_size_0:
called_computation_lowered:
.L_overlay_start_0:
0x88: {  	s2 =	sld [smem:$0x3FD9]  }
0x89: {  	s3 =	sld [smem:$0x3FFE];
	_ =	sdelay $0x1  }
0x8a: {  	s1 =	srdreg.scid  }
0x8b: {  	s0 =	sand.u32 $0x1, s1  }
0x8c: {  	s16 =	sshll.u32 s0, $0xA;
	s2 =	sadd.s32 s3, s2  }
0x8d: {  	s2 =	sadd.s32 s2, s16  }
0x8e: {  	[smem:$0x3FB7] =	sst s2  }
0x8f: {  	_ = 	snop  }
0x90: {  	(tm) =	ssettm $0x1  }
0x91: {  	s17 =	sld [smem:$0x3FFB];
	_ =	sdelay $0x3  }
0x92: {  	_ =	strace s17  }
0x93: {  	s2 =	sld [smem:$0x3FFC];
	_ =	sdelay $0x3  }
0x94: {  	_ =	strace s2  }
0x95: {  	s2 =	sld [smem:$0x3FFD];
	_ =	sdelay $0x3  }
0x96: {  	_ =	strace s2  }
0x97: {  	_ =	strace $0x8FFFFFFF  }
0x98: {  	s18 =	sld [smem:$0x3FDB];
	_ =	sdelay $0x1  }
0x99: {  	s19 =	simm.s32 $_scs_section_size  }
0x9a: {  	s4 =	simm.s32 $_size__tile_overlayer_lowered;
	s5 =	simm.s32 $_tile_overlayer_lowered  }
0x9b: {  	s22 =	simm.s32 $0x1BFF;
	s21 =	sshll.u32 s5, $0x1;
	s2 =	sadd.s32 s19, s18  }
0x9c: {  	s6 =	simm.s32 $0x0;
	s20 =	sshll.u32 s4, $0x1;
	s4 =	sadd.s32 s21, s2  }
0x9d: {  	[timem:s6], [sflag:s22] =	dma.local [hbm:s4], s20  }
0x9e: {  	_ =	swait.ge [sflag:s22], s20  }
0x9f: {  	s3 =	ssub.s32 $0x0, s20;
	[sflag:s22] =	ssyncset.done $0x0  }
0xa0: {  	[sflag:s22] =	ssyncadd.s32 s3;
	_ =	sdelay $0x1  }
0xa1: {  	s23 =	simm.s32 $0x1B8B  }
0xa2: {  	_ =	swait.ge [sflag:s23], $0x1  }
0xa3: {  	[sflag:s23] =	ssyncset.done $0x0  }
0xa4: {  	s25 =	simm.s32 $0x1B8E;
	s24 =	sld [smem:$0x3FFE];
	[sflag:s23] =	ssyncadd.s32 $0xFFFFFFFF  }
0xa5: {  	s26 =	simm.s32 $execute0_lowered;
	[smem:$0x3FD2] =	sst s25  }
0xa6: {  	s4 =	sshll.u32 s26, $0x1;
	_ =	strace $0x80000046;
	[dreg:$0x1] =	wrdreg $0xFFFFFFFF  }
0xa7: {  	s28 =	simm.s32 $_size_execute0_lowered;
	s2 =	sadd.s32 s2, s4;
	[dreg:$0x0] =	wrdreg $0x0  }
0xa8: {  	s4 =	sshll.u32 s28, $0x1;
	[dreg:$0x2] =	wrdreg s2  }
0xa9: {  	[dreg:$0x3] =	wrdreg s4  }
0xaa: {  	[dreg:$0x4] =	wrdreg $0xC0  }
0xab: {  	_ =	task [dreg:s6], $0x5FFFF  }
0xac: {  	[dreg:$0x1] =	wrdreg $0xFFFFFFFF  }
0xad: {  	[dreg:$0x0] =	wrdreg $0x60  }
0xae: {  	[dreg:$0x2] =	wrdreg s24  }
0xaf: {  	[dreg:$0x3] =	wrdreg $0x9  }
0xb0: {  	_ =	task.clear_ibuf [dreg:s6], $0x4FFFF;
	_ =	strace $0x90000046  }
0xb1: {  	s29 =	simm.s32 $0x9;
	_ =	strace $0x80000048  }
0xb2: {  	_ =	swait.ge [sflag:s29], $0x1  }
0xb3: {  	[sflag:s29] =	ssyncadd.s32 $0xFFFFFFFF  }
0xb4: {  	_ =	strace $0x90000048  }
0xb5: {  	_ =	sfence  }
0xb6: {  	s30 =	sld [smem:$0x0];
	_ =	sdelay $0x2  }
0xb7: {  	s31 =	sshll.u32 s1, $0xD;
	s1 =	sshrl.u32 s1, $0x2  }
0xb8: {  	s3 =	sand.u32 $0x4000, s31;
	s1 =	sadd.s32 s1, s30  }
0xb9: {  	s0 =	sor.u32 s3, s0;
	s1 =	sshll.u32 s1, $0x11  }
0xba: {  	s0 =	sor.u32 s1, s0  }
0xbb: {  	s0 =	sadd.s32 $0x8F2B, s0  }
0xbc: {  	[sflag:s0] =	ssyncadd.remote.s32 $0x1  }
0xbd: {  	_ =	sfence.sel $0xFFFF  }
0xbe: {  	[dreg:$0x0] =	wrdreg $0xFFFFFFFF;
	(pc) =	sbr.abs _section_cstart, $3  }
0xbf: {  	[dreg:$0x1] =	wrdreg $0xFFFFFFFF  }
0xc0: {  	_ =	task.clear_ibuf [dreg:s6], $0x2FFFF;
	_ =	strace $0x9FFFFFFF  }
0xc1: {  	(tm) =	ssettm $0x7FFFFFFF  }
tec
execute0_lowered:
.L_overlay_start_1:
0x0: {  	(tag) =	ssettag $0x1  }
0x1: {  	s7 =	rddreg [dreg:$0x0]  }
0x2: {  	s0 =	rddreg [dreg:$0x1];
	_ =	strace $0x80000047  }
0x3: {  	s1 =	srdreg.scid;
	s4 =	simm.s32 $0x1;
	s9 =	simm.s32 $0x3  }
0x4: {  	s11 =	simm.s32 $0x0;
	p0 =	por $0x0, $0x0;
	s5 =	sshll.u32 s1, $0x4  }
.Ltmp0:
0x5: {  	s1 =	stileid.u32;
	s5 =	sand.u32 $0x10, s5;
	(pc) =	sbr.rel .LBB2_1-.Ltmp0, $4  }
0x6: {  	s2 =	sadd.s32 $0x93200, s7;
	s3 =	sadd.s32 $0x197200, s7;
	s6 =	sor.u32 s1, s5  }
0x7: {  	[sflag:s4] =	ssyncpa.u1 $0x0;
	s5 =	simm.s32 $0x2;
	s6 =	sshll.u32 s6, $0xB  }
0x8: {  	s7 =	sadd.s32 $0x20F800, s7;
	[sflag:s5] =	ssyncpa.u1 $0x0;
	s8 =	sadd.s32 $0x800, s6  }
0x9: {  	vm0 =	vmmov $0xff;
	vm1 =	vcmask $0x3F20;
	[sflag:s9] =	ssyncpa.u1 $0x0;
	s10 =	smov.u32 s6;
	s9 =	simm.s32 $0x0  }
.LBB2_7:
0xa: {  	p1 =	slt.u32 s9, $0x2;
	s11 =	sadd.s32 $0x100, s10  }
0xb: {  	s13 =	smov.u32 s6;
	s9 =	sadd.s32 $0x1, s9;
	p2 =	slt.s32 s11, s8  }
0xc: {  	s13 =	smov.u32 @p2 s11;
	p2 =	sne.s32 s9, $0xA  }
.Ltmp1:
0xd: {  	_ = 	snop;
	(pc) =	sbr.rel @!p2 .LBB2_8-.Ltmp1, $4  }
0xe: {  	s12 =	simm.s32 @!p1 $0x3  }
0xf: {  	_ =	swait.ge @!p1 [sflag:s12], $0x8000  }
0x10: {  	p0 =	por !p0, !p0;
	[sflag:s12] =	ssyncset.done @!p1 $0x0  }
0x11: {  	s11 =	smov.u32 s10;
	s10 =	smov.u32 s13;
	[sflag:s12] =	ssyncadd.s32 @!p1 $0xFFFF8000  }
.LBB2_1:
0x12: {  	p1 =	sgt.u32 s9, $0x7  }
0x13: {  	s12 =	sxor.u32 @!p1 $0xFFFFFFFF, s9  }
0x14: {  	s13 =	sshrl.u32 @!p1 s10, $0x3;
	s12 =	sshll.u32 @!p1 s12, $0x8  }
0x15: {  	s14 =	sand.u32 @!p1 $0x7, s10;
	s13 =	sadd.s32 @!p1 s3, s13;
	s12 =	sand.u32 @!p1 $0x100, s12  }
0x16: {  	[tilespmem:s12], [sflag:$0x2] =	stream.linear.gather @!p1 [hbm4b:s13+s14], $0x100, $0x38;
	[tilespmem:$0x10200] =	vst v63  }
0x17: {  	p1 =	seq.s32 s9, $0x0  }
0x18: {  	p2 =	seq.s32 @!p1 s9, $0x9  }
0x19: {  	p1 =	por p1, p2  }
.Ltmp2:
0x1a: {  	_ = 	snop;
	(pc) =	sbr.rel @p1 .LBB2_7-.Ltmp2, $1  }
0x1b: {  	_ =	sdelay $0x3  }
0x1c: {  	s12 =	simm.s32 $0x1  }
0x1d: {  	_ =	swait.ge [sflag:s5], $0x100;
	s12 =	simm.s32 @!p0 $0x0  }
0x1e: {  	[sflag:s5] =	ssyncset.done $0x0;
	s14 =	sshll.u32 s12, $0x8  }
0x1f: {  	[sflag:s5] =	ssyncadd.s32 $0xFFFFFF00;
	s13 =	sadd.s32 $0x0, s14  }
0x20: {  	v0 =	vld.msk [tilespmem:s13+$0x0 ss:$0x1], $0xffff;
	_ =	sdelay $0x4  }
0x21: {  	vm2 =	veq.s32 v0, $0x80000000  }
0x22: {  	v1 =	vshll.u32 v0, $0x15;
	v2 =	vshll.u32 v0, $0x11;
	v0 =	vshll.u32 v0, $0x3  }
0x23: {  	v1 =	vand.u32 $0x600000, v1;
	v2 =	vand.u32 $0x180000, v2;
	v0 =	vand.u32 $0x7FF80, v0  }
0x24: {  	v1 =	vor.u32 v2, v1;
	v0 =	vsel vm2, $0xFFFFFF80, v0  }
0x25: {  	v1 =	vsel vm2, $0xFFD80000, v1;
	v2 =	vand.u32 $0xFFFFFC00, v0  }
0x26: {  	v0 =	vand.u32 $0x380, v0;
	v1 =	vadd.s32 v2, v1  }
0x27: {  	v0 =	vor.u32 v0, v1  }
0x28: {  	v0 =	vshrl.u32 v0, $0x3;
	_ =	sdelay $0x2  }
0x29: {  	s12 =	sshll.u32 s12, $0xF  }
0x2a: {  	s12 =	sor.u32 $0x200, s12  }
0x2b: {  	[tilespmem:s12], [sflag:$0x1] =	stream.indirect_vreg.gather [hbm:s2], $0x80, v0, vm0, $0x38;
	[tilespmem:$0x10200] =	vst v63  }
0x2c: {  	s15 =	sadd.s32 $0x10, s14;
	s13 =	sadd.s32 $0x400, s12  }
0x2d: {  	[tilespmem:s13], [sflag:$0x1] =	stream.indirect_vreg.gather [hbm:s2], $0x80, v0, vm1, $0x38;
	[tilespmem:$0x10200] =	vst v63  }
0x2e: {  	s16 =	simm.s32 $0x80;
	v0 =	vld.msk [tilespmem:s15+$0x0 ss:$0x1], $0xffff;
	s15 =	smov.u32 s12  }
.LBB2_3:
0x2f: {  	p1 =	sne.s32 s16, $0x3C0;
	_ =	sdelay $0x4  }
0x30: {  	vm2 =	veq.s32 v0, $0x80000000  }
0x31: {  	v1 =	vshll.u32 v0, $0x15;
	v2 =	vshll.u32 v0, $0x11;
	v0 =	vshll.u32 v0, $0x3  }
0x32: {  	v1 =	vand.u32 $0x600000, v1;
	v2 =	vand.u32 $0x180000, v2;
	v0 =	vand.u32 $0x7FF80, v0  }
0x33: {  	v1 =	vor.u32 v2, v1;
	v0 =	vsel vm2, $0xFFFFFF80, v0  }
0x34: {  	v1 =	vsel vm2, $0xFFD80000, v1;
	v2 =	vand.u32 $0xFFFFFC00, v0  }
0x35: {  	v0 =	vand.u32 $0x380, v0;
	v1 =	vadd.s32 v2, v1  }
0x36: {  	v0 =	vor.u32 v0, v1  }
0x37: {  	v0 =	vshrl.u32 v0, $0x3;
	_ =	sdelay $0x3  }
.Ltmp3:
0x38: {  	s17 =	sshra.s32 s16, $0x2;
	s15 =	sadd.s32 $0x800, s15;
	(pc) =	sbr.rel @p1 .LBB2_3-.Ltmp3, $4  }
0x39: {  	[tilespmem:s15], [sflag:$0x1] =	stream.indirect_vreg.gather [hbm:s2], $0x80, v0, vm0, $0x38;
	[tilespmem:$0x10200] =	vst v63  }
0x3a: {  	s17 =	sadd.s32 s17, s14;
	s18 =	sadd.s32 $0x400, s15  }
0x3b: {  	[tilespmem:s18], [sflag:$0x1] =	stream.indirect_vreg.gather [hbm:s2], $0x80, v0, vm1, $0x38;
	[tilespmem:$0x10200] =	vst v63  }
0x3c: {  	s16 =	sadd.s32 $0x40, s16;
	v0 =	vld.msk [tilespmem:s17+$0x0 ss:$0x1], $0xffff  }
0x3d: {  	_ =	sdelay $0x3  }
0x3e: {  	vm2 =	veq.s32 v0, $0x80000000  }
0x3f: {  	v1 =	vshll.u32 v0, $0x15;
	v2 =	vshll.u32 v0, $0x11;
	v62 =	vshll.u32 v0, $0x3  }
0x40: {  	v1 =	vand.u32 $0x600000, v1;
	v2 =	vand.u32 $0x180000, v2;
	v0 =	vand.u32 $0x7FF80, v62  }
0x41: {  	v1 =	vor.u32 v2, v1;
	v0 =	vsel vm2, $0xFFFFFF80, v0  }
0x42: {  	v1 =	vsel vm2, $0xFFD80000, v1;
	v63 =	vand.u32 $0xFFFFFC00, v0  }
0x43: {  	v0 =	vand.u32 $0x380, v0;
	v1 =	vadd.s32 v63, v1  }
0x44: {  	v0 =	vor.u32 v0, v1  }
0x45: {  	v0 =	vshrl.u32 v0, $0x3;
	_ =	sdelay $0x3  }
0x46: {  	s14 =	sadd.s32 $0x800, s15  }
0x47: {  	[tilespmem:s14], [sflag:$0x1] =	stream.indirect_vreg.gather [hbm:s2], $0x80, v0, vm0, $0x38;
	[tilespmem:$0x10200] =	vst v63  }
0x48: {  	s14 =	sadd.s32 $0x400, s14  }
0x49: {  	[tilespmem:s14], [sflag:$0x1] =	stream.indirect_vreg.gather [hbm:s2], $0x80, v0, vm1, $0x38;
	[tilespmem:$0x10200] =	vst v63  }
0x4a: {  	s11 =	sshll.u32 s11, $0x4;
	_ =	swait.ge [sflag:s4], $0x8000  }
0x4b: {  	s11 =	sadd.s32 s11, s7;
	[sflag:s4] =	ssyncset.done $0x0  }
0x4c: {  	s15 =	sadd.s32 $0x0, s11;
	s14 =	simm.s32 $0x80;
	[sflag:s4] =	ssyncadd.s32 $0xFFFF8000  }
.LBB2_5:
0x4d: {  	[hbm:s15] =	stream.linear.scatter [tilespmem:s12], [sflag:$0x3], $0x400, $0x38;
	[tilespmem:$0x10200] =	vst v63  }
0x4e: {  	s15 =	smov.u32 s14;
	s12 =	smov.u32 s13;
	p1 =	sne.s32 s14, $0xF80  }
.Ltmp4:
0x4f: {  	s14 =	sadd.s32 $0x80, s14;
	(pc) =	sbr.rel @p1 .LBB2_5-.Ltmp4, $2  }
0x50: {  	_ =	sdelay $0x2  }
0x51: {  	s13 =	sadd.s32 $0x400, s13;
	s15 =	sadd.s32 s15, s11  }
.Ltmp5:
0x52: {  	(pc) =	sbr.rel .LBB2_7-.Ltmp5, $2  }
0x53: {  	_ =	sdelay $0x2  }
0x54: {  	[hbm:s15] =	stream.linear.scatter [tilespmem:s12], [sflag:$0x3], $0x400, $0x38;
	[tilespmem:$0x10200] =	vst v63  }
.LBB2_8:
0x55: {  	_ =	sfence.sel $0x180000  }
0x56: {  	s2 =	simm.s32 $0x2;
	[bflag:$0x0] =	sbarrier.arrive $0xFFFF  }
0x57: {  	s30 =	simm.s32 $0x3;
	[sflag:s2] =	ssyncpa.u1 $0x1  }
0x58: {  	s31 =	simm.s32 $0x1;
	[sflag:s30] =	ssyncpa.u1 $0x1  }
0x59: {  	[sflag:s31] =	ssyncpa.u1 $0x1  }
0x5a: {  	p0 =	sne.s32 s1, $0x0;
	_ =	strace $0x90000047  }
0x5b: {  	s0 =	sadd.s32 @!p0 $0x100000, s0;
	[bflag:$0x2] =	sbarrier.arrive $0xFFFF  }
0x5c: {  	[sflag:s0] =	ssyncadd.tile.s32 @!p0 $0x1;
	_ =	shalt  }
.Lfunc_end2:
_tile_overlayer_lowered:
.L_overlay_start_2:
0x5d: {  	(tag) =	ssettag $0x2  }
0x5e: {  	s0 =	rddreg [dreg:$0x0];
	s2 =	stileid.u32  }
0x5f: {  	s1 =	rddreg [dreg:$0x1];
	p0 =	sne.s32 s2, $0x0  }
0x60: {  	s3 =	rddreg [dreg:$0x2];
	[bflag:$0x3] =	sbarrier.arrive $0xFFFF;
	s2 =	simm.s32 @!p0 $0x1C01  }
0x61: {  	[timem:s3], [sflag:s2] =	dma.local @!p0 [hbm:s0], s1  }
0x62: {  	s0 =	simm.s32 @!p0 $0x1  }
0x63: {  	_ =	swait.ge @!p0 [sflag:s0], s1  }
0x64: {  	s1 =	ssub.s32 @!p0 $0x0, s1;
	[sflag:s0] =	ssyncset.done @!p0 $0x0  }
0x65: {  	[sflag:s0] =	ssyncadd.s32 @!p0 s1  }
0x66: {  	[bflag:$0x3] =	sbarrier.arrive $0xFFFF  }
0x67: {  	_ =	shalt  }

</sc_bundles>
